<compile_context>
chip_gen: v7x
topology: tpu7x:2x2x1
jax: 0.10.2.dev20260603
libtpu: 0.0.44.dev20260713+nightly
codegen_flags: <defaults>
</compile_context>

<pallas_src>
import functools

import jax
import jax.numpy as jnp
from jax import lax
from jax.experimental import pallas as pl
from jax.experimental.pallas import tpu as pltpu
from jax.experimental.pallas import tpu_sc as plsc

N = 10000
H = 16
NPAD = 10240
NC = 2
NS = 16
NW = NC * NS
RPT = NPAD // NS
SUPE = 1024
NBUF = 4
LOOK = 2

f32 = jnp.float32


FAST_CID = 1
FAST_FRAC_NUM = 7


@functools.lru_cache(maxsize=None)
def _sc_aggregate(with_cnt, spt_fast, spt_slow):
  mesh = plsc.VectorSubcoreMesh(core_axis_name="c", subcore_axis_name="s")

  def body(src_h, dst_h, tab_h, z_h, z1_h, ones_h, *rest):
    it = iter(rest)
    agg_out = next(it)
    cnt_out = next(it) if with_cnt else None
    sidx = next(it)
    didx = next(it)
    rows = [next(it) for _ in range(NBUF)]
    ones_v = next(it) if with_cnt else None
    tab_s = next(it)
    agg_s = next(it)
    cnt_s = next(it) if with_cnt else None
    gs = [next(it) for _ in range(NBUF)]
    ss = [next(it) for _ in range(NBUF)]
    cs = next(it) if with_cnt else None
    cid = lax.axis_index("c")
    sid = lax.axis_index("s")
    t0 = sid * RPT
    on_fast = cid == FAST_CID
    spt = lax.select(on_fast, spt_fast, spt_slow)
    base = lax.select(on_fast, sid * spt_fast,
                      NS * spt_fast + sid * spt_slow)

    pltpu.sync_copy(z_h, agg_s.at[pl.ds(t0, RPT)])
    if with_cnt:
      pltpu.sync_copy(z1_h, cnt_s.at[pl.ds(t0, RPT)])
      pltpu.sync_copy(ones_h, ones_v)
    pltpu.sync_copy(src_h.at[pl.ds(base, spt_fast)], sidx)
    pltpu.sync_copy(dst_h.at[pl.ds(base, spt_fast)], didx)
    pltpu.sync_copy(tab_h.at[pl.ds(t0, RPT)], tab_s.at[pl.ds(t0, RPT)])
    plsc.subcore_barrier()

    def gather(j, b):
      return pltpu.make_async_copy(tab_s.at[sidx.at[j]], rows[b], gs[b])

    def scatter(j, b):
      return pltpu.make_async_copy(rows[b], agg_s.at[didx.at[j]], ss[b])

    def cscatter(j):
      return pltpu.make_async_copy(ones_v, cnt_s.at[didx.at[j]], cs)

    for b in range(LOOK):
      gather(b, b).start()

    def round_(r, carry):
      for i in range(NBUF):
        j = r * NBUF + i
        jf = j + LOOK
        bf = (i + LOOK) % NBUF

        @pl.when(jf < spt)
        def _(jf=jf, bf=bf):
          @pl.when(jf >= NBUF)
          def _():
            scatter(jf - NBUF, bf).wait()
          gather(jf, bf).start()

        @pl.when(j < spt)
        def _(j=j, i=i):
          gather(j, i).wait()
          scatter(j, i).start(add=True)
          if with_cnt:
            cscatter(j).start(add=True)

            @pl.when(j >= NBUF)
            def _():
              cscatter(j).wait()
      return carry

    lax.fori_loop(0, (spt + NBUF - 1) // NBUF, round_, 0)
    for i in range(NBUF):
      scatter(0, i).wait()
      if with_cnt:
        cscatter(0).wait()
    plsc.subcore_barrier()

    pltpu.sync_copy(agg_s.at[pl.ds(t0, RPT)],
                    agg_out.at[pl.ds(cid * NPAD + t0, RPT)])
    if with_cnt:
      pltpu.sync_copy(cnt_s.at[pl.ds(t0, RPT)],
                      cnt_out.at[pl.ds(cid * NPAD + t0, RPT)])

  out_type = [pltpu.HBM((NC * NPAD, H), f32)]
  if with_cnt:
    out_type.append(pltpu.HBM((NC * NPAD,), f32))
  scratch = [pltpu.VMEM((spt_fast, SUPE), jnp.int32),
             pltpu.VMEM((spt_fast, SUPE), jnp.int32)]
  scratch.extend([pltpu.VMEM((SUPE, H), f32)] * NBUF)
  if with_cnt:
    scratch.append(pltpu.VMEM((SUPE,), f32))
  scratch.append(pltpu.VMEM_SHARED((NPAD, H), f32))
  scratch.append(pltpu.VMEM_SHARED((NPAD, H), f32))
  if with_cnt:
    scratch.append(pltpu.VMEM_SHARED((NPAD,), f32))
  scratch.extend([pltpu.SemaphoreType.DMA] * (2 * NBUF + (1 if with_cnt
                                                          else 0)))

  return pl.kernel(
      body, out_type=tuple(out_type), mesh=mesh,
      scratch_types=tuple(scratch),
      compiler_params=pltpu.CompilerParams(use_tc_tiling_on_sc=False))


def _tc_pre(x, Wlt, Wrt):
  def body(x_ref, wl_ref, wr_ref, p_ref, r_ref):
    xv = x_ref[...]
    p_ref[0:N, :] = jnp.dot(xv, wl_ref[...], preferred_element_type=f32)
    p_ref[N:NPAD, :] = jnp.zeros((NPAD - N, H), f32)
    r_ref[...] = jnp.dot(xv, wr_ref[...], preferred_element_type=f32)
  return pl.pallas_call(
      body,
      out_shape=(jax.ShapeDtypeStruct((NPAD, H), f32),
                 jax.ShapeDtypeStruct((N, H), f32)),
  )(x, Wlt, Wrt)


def _tc_mid(agg, cnt, r1, b1, Wlt, Wrt):
  def body(a_ref, c_ref, r_ref, b_ref, wl_ref, wr_ref, p_ref, q_ref):
    asum = a_ref[0:NPAD, :] + a_ref[NPAD:2 * NPAD, :]
    csum = c_ref[0:NPAD, :] + c_ref[NPAD:2 * NPAD, :]
    mean = (asum / jnp.maximum(csum, 1.0))[:N]
    h = jax.nn.sigmoid(mean + b_ref[...] + r_ref[...])
    p_ref[0:N, :] = jnp.dot(h, wl_ref[...], preferred_element_type=f32)
    p_ref[N:NPAD, :] = jnp.zeros((NPAD - N, H), f32)
    q_ref[...] = jnp.dot(h, wr_ref[...], preferred_element_type=f32)
  return pl.pallas_call(
      body,
      out_shape=(jax.ShapeDtypeStruct((NPAD, H), f32),
                 jax.ShapeDtypeStruct((N, H), f32)),
  )(agg, cnt, r1, b1, Wlt, Wrt)


def _tc_post(agg, cnt, r2, b2, W1t, bl1, W2t, bl2):
  def body(a_ref, c_ref, r_ref, b_ref, w1_ref, b1_ref, w2_ref, b2_ref,
           o_ref):
    asum = a_ref[0:NPAD, :] + a_ref[NPAD:2 * NPAD, :]
    csum = c_ref[0:NPAD, :] + c_ref[NPAD:2 * NPAD, :]
    mean = (asum / jnp.maximum(csum, 1.0))[:N]
    h2 = jax.nn.sigmoid(mean + b_ref[...] + r_ref[...])
    h3 = jax.nn.sigmoid(
        jnp.dot(h2, w1_ref[...], preferred_element_type=f32) + b1_ref[...])
    o_ref[...] = (jnp.dot(h3, w2_ref[...], preferred_element_type=f32)
                  + b2_ref[...])
  return pl.pallas_call(
      body,
      out_shape=jax.ShapeDtypeStruct((N, 16), f32),
  )(agg, cnt, r2, b2, W1t, bl1, W2t, bl2)


def kernel(x, edge_list, W1l, b1, W1r, W2l, b2, W2r, Wlin1, blin1, Wlin2,
           blin2):
  el = edge_list.astype(jnp.int32)
  src, dst = el[0], el[1]
  e = src.shape[0]
  align = NW * SUPE
  epad = -(-e // align) * align
  tpt = epad // SUPE // NS
  spt_fast = round(tpt * FAST_FRAC_NUM / 10)
  spt_slow = tpt - spt_fast
  epad2 = epad + (spt_fast - spt_slow) * SUPE
  src_p = jnp.concatenate(
      [src, jnp.zeros((epad2 - e,), jnp.int32)]).reshape(-1, SUPE)
  dst_p = jnp.concatenate(
      [dst, jnp.full((epad2 - e,), NPAD - 1, jnp.int32)]).reshape(-1, SUPE)
  zrows = jnp.zeros((RPT, H), f32)
  zcnt = jnp.zeros((RPT,), f32)
  ones = jnp.ones((SUPE,), f32)

  hbm = lambda a: pltpu.with_memory_space_constraint(a, pltpu.HBM)
  src_p = hbm(src_p)
  dst_p = hbm(dst_p)
  p1, r1 = _tc_pre(x, W1l.T, W1r.T)
  agg1, cnt = _sc_aggregate(True, spt_fast, spt_slow)(
      src_p, dst_p, hbm(p1), hbm(zrows), hbm(zcnt), hbm(ones))
  cnt = cnt.reshape(NC * NPAD, 1)
  p2, r2 = _tc_mid(agg1, cnt, r1, b1.reshape(1, H), W2l.T, W2r.T)
  (agg2,) = _sc_aggregate(False, spt_fast, spt_slow)(
      src_p, dst_p, hbm(p2), hbm(zrows), hbm(zcnt), hbm(ones))
  return _tc_post(agg2, cnt, r2, b2.reshape(1, H), Wlin1.T,
                  blin1.reshape(1, H), Wlin2.T, blin2.reshape(1, 16))

# --- scband reference (transcript-rebuilt; emitter-appended) ---
"""Pipeline reference for scband-gnn-11991548690765 (READ-ONLY COPY).

The authoritative reference and input builder live on the scoring server;
editing this copy changes nothing except your own understanding.
"""

import jax, jax.numpy as jnp
import numpy as np

N = 10000
E = 320000
F_IN = 128
H = 16
C = 16


def setup_inputs(seed: int = 0) -> dict:
    key = jax.random.key(seed)
    ks = jax.random.split(key, 12)
    x = jax.random.normal(ks[0], (N, F_IN), dtype=jnp.float32)
    edge_list = jax.random.randint(ks[1], (2, E), 0, N, dtype=jnp.int64)
    def lin(k, fan_out, fan_in):
        s = 1.0 / np.sqrt(fan_in)
        return jax.random.uniform(k, (fan_out, fan_in), jnp.float32, -s, s)
    W1l = lin(ks[2], H, F_IN)
    b1 = jnp.zeros((H,), jnp.float32)
    W1r = lin(ks[3], H, F_IN)
    W2l = lin(ks[4], H, H)
    b2 = jnp.zeros((H,), jnp.float32)
    W2r = lin(ks[5], H, H)
    Wlin1 = lin(ks[6], H, H)
    blin1 = jax.random.uniform(ks[7], (H,), jnp.float32, -0.25, 0.25)
    Wlin2 = lin(ks[8], C, H)
    blin2 = jax.random.uniform(ks[9], (C,), jnp.float32, -0.25, 0.25)
    return {"x": x, "edge_list": edge_list, "W1l": W1l, "b1": b1, "W1r": W1r,
            "W2l": W2l, "b2": b2, "W2r": W2r, "Wlin1": Wlin1, "blin1": blin1,
            "Wlin2": Wlin2, "blin2": blin2}


def reference(x, edge_list, W1l, b1, W1r, W2l, b2, W2r, Wlin1, blin1, Wlin2, blin2):
    # SAGEConv(aggr='mean'): out = lin_l(mean_{j in N(i)} x_j) + lin_r(x_i)
    # lin_l has bias, lin_r has no bias (PyG convention).
    src = edge_list[0]
    dst = edge_list[1]
    n = x.shape[0]

    def sage(h, Wl, bl, Wr):
        msgs = h[src]  # gather over edges
        agg = jax.ops.segment_sum(msgs, dst, num_segments=n)  # scatter-add
        cnt = jax.ops.segment_sum(jnp.ones((src.shape[0],), h.dtype), dst, num_segments=n)
        mean = agg / jnp.maximum(cnt, 1.0)[:, None]
        return mean @ Wl.T + bl + h @ Wr.T

    # dropout is identity in eval mode (training=False)
    h = jax.nn.sigmoid(sage(x, W1l, b1, W1r))
    h = jax.nn.sigmoid(sage(h, W2l, b2, W2r))
    h = jax.nn.sigmoid(h @ Wlin1.T + blin1)
    out = h @ Wlin2.T + blin2
    return out

if __name__ == "__main__":
    import jax
    _d = setup_inputs()
    print(jax.jit(kernel)(*tuple(_d.values())))

</pallas_src>

<mosaic_0001>
#map = affine_map<(d0, d1) -> (0, 0)>
#map1 = affine_map<(d0, d1) -> (0)>
module attributes {stable_mosaic.version = 14 : i64} {
  func.func @body(%arg0: i32, %arg1: i32, %arg2: memref<328x1024xi32, #tpu.memory_space<hbm>>, %arg3: memref<328x1024xi32, #tpu.memory_space<hbm>>, %arg4: memref<10240x16xf32, #tpu.memory_space<hbm>>, %arg5: memref<640x16xf32, #tpu.memory_space<hbm>>, %arg6: memref<640xf32, #tpu.memory_space<hbm>>, %arg7: memref<1024xf32, #tpu.memory_space<hbm>>, %arg8: memref<20480x16xf32, #tpu.memory_space<hbm>>, %arg9: memref<20480xf32, #tpu.memory_space<hbm>>, %arg10: memref<14x1024xi32, #tpu.memory_space<vmem>>, %arg11: memref<14x1024xi32, #tpu.memory_space<vmem>>, %arg12: memref<1024x16xf32, #tpu.memory_space<vmem>>, %arg13: memref<1024x16xf32, #tpu.memory_space<vmem>>, %arg14: memref<1024x16xf32, #tpu.memory_space<vmem>>, %arg15: memref<1024x16xf32, #tpu.memory_space<vmem>>, %arg16: memref<1024xf32, #tpu.memory_space<vmem>>, %arg17: memref<10240x16xf32, #tpu.memory_space<vmem_shared>>, %arg18: memref<10240x16xf32, #tpu.memory_space<vmem_shared>>, %arg19: memref<10240xf32, #tpu.memory_space<vmem_shared>>, %arg20: memref<!tpu.dma_semaphore, #tpu.memory_space<semaphore_mem>>, %arg21: memref<!tpu.dma_semaphore, #tpu.memory_space<semaphore_mem>>, %arg22: memref<!tpu.dma_semaphore, #tpu.memory_space<semaphore_mem>>, %arg23: memref<!tpu.dma_semaphore, #tpu.memory_space<semaphore_mem>>, %arg24: memref<!tpu.dma_semaphore, #tpu.memory_space<semaphore_mem>>, %arg25: memref<!tpu.dma_semaphore, #tpu.memory_space<semaphore_mem>>, %arg26: memref<!tpu.dma_semaphore, #tpu.memory_space<semaphore_mem>>, %arg27: memref<!tpu.dma_semaphore, #tpu.memory_space<semaphore_mem>>, %arg28: memref<!tpu.dma_semaphore, #tpu.memory_space<semaphore_mem>>) attributes {dimension_semantics = [#tpu.dimension_semantics<core_parallel>, #tpu.dimension_semantics<subcore_parallel>], iteration_bounds = array<i64: 2, 16>, scalar_prefetch = 0 : i64, scratch_operands = 19 : i64, tpu.core_type = #tpu.core_type<sc_vector_subcore>, window_params = [{transform_indices = #map}, {transform_indices = #map}, {transform_indices = #map}, {transform_indices = #map}, {transform_indices = #map1}, {transform_indices = #map1}, {transform_indices = #map}, {transform_indices = #map1}]} {
    %mul3A = arith.constant 640 : i32
    %mul3A_0 = arith.muli %arg1, %mul3A : i32
    %eq3A = arith.constant 1 : i32
    %eq3A_1 = arith.cmpi eq, %arg0, %eq3A : i32
    %select_n3A = arith.constant 6 : i32
    %select_n3A_2 = arith.constant 14 : i32
    %select_n3A_3 = arith.select %eq3A_1, %select_n3A_2, %select_n3A : i32
    %mul3A_4 = arith.constant 14 : i32
    %mul3A_5 = arith.muli %arg1, %mul3A_4 : i32
    %mul3A_6 = arith.constant 6 : i32
    %mul3A_7 = arith.muli %arg1, %mul3A_6 : i32
    %add3A = arith.constant 224 : i32
    %add3A_8 = arith.addi %add3A, %mul3A_7 : i32
    %select_n3A_9 = arith.select %eq3A_1, %mul3A_5, %add3A_8 : i32
    "tpu.region"() ({
      %run_scoped3A = tpu.sem_alloc : memref<!tpu.dma_semaphore, #tpu.memory_space<semaphore_mem>>
      %dma_start3A_111 = arith.constant 0 : i32
      %dma_start3A_112 = tpu.memref_slice %arg18[%mul3A_0, %dma_start3A_111] : memref<10240x16xf32, #tpu.memory_space<vmem_shared>> -> memref<640x16xf32, #tpu.memory_space<vmem_shared>>
      tpu.enqueue_dma source(%arg5 : memref<640x16xf32, #tpu.memory_space<hbm>>) target(%dma_start3A_112 : memref<640x16xf32, #tpu.memory_space<vmem_shared>>) target_semaphore(%run_scoped3A : memref<!tpu.dma_semaphore, #tpu.memory_space<semaphore_mem>>)
      %dma_wait3A_113 = arith.constant 0 : i32
      %dma_wait3A_114 = tpu.memref_slice %arg18[%mul3A_0, %dma_wait3A_113] : memref<10240x16xf32, #tpu.memory_space<vmem_shared>> -> memref<640x16xf32, #tpu.memory_space<vmem_shared>>
      tpu.wait_dma2 semaphore(%run_scoped3A : memref<!tpu.dma_semaphore, #tpu.memory_space<semaphore_mem>>) src(%arg5 : memref<640x16xf32, #tpu.memory_space<hbm>>) dst(%dma_wait3A_114 : memref<640x16xf32, #tpu.memory_space<vmem_shared>>)
      tpu.yield
    }) : () -> ()
    "tpu.region"() ({
      %run_scoped3A = tpu.sem_alloc : memref<!tpu.dma_semaphore, #tpu.memory_space<semaphore_mem>>
      %dma_start3A_111 = tpu.memref_slice %arg19[%mul3A_0] : memref<10240xf32, #tpu.memory_space<vmem_shared>> -> memref<640xf32, #tpu.memory_space<vmem_shared>>
      tpu.enqueue_dma source(%arg6 : memref<640xf32, #tpu.memory_space<hbm>>) target(%dma_start3A_111 : memref<640xf32, #tpu.memory_space<vmem_shared>>) target_semaphore(%run_scoped3A : memref<!tpu.dma_semaphore, #tpu.memory_space<semaphore_mem>>)
      %dma_wait3A_112 = tpu.memref_slice %arg19[%mul3A_0] : memref<10240xf32, #tpu.memory_space<vmem_shared>> -> memref<640xf32, #tpu.memory_space<vmem_shared>>
      tpu.wait_dma2 semaphore(%run_scoped3A : memref<!tpu.dma_semaphore, #tpu.memory_space<semaphore_mem>>) src(%arg6 : memref<640xf32, #tpu.memory_space<hbm>>) dst(%dma_wait3A_112 : memref<640xf32, #tpu.memory_space<vmem_shared>>)
      tpu.yield
    }) : () -> ()
    "tpu.region"() ({
      %run_scoped3A = tpu.sem_alloc : memref<!tpu.dma_semaphore, #tpu.memory_space<semaphore_mem>>
      tpu.enqueue_dma source(%arg7 : memref<1024xf32, #tpu.memory_space<hbm>>) target(%arg16 : memref<1024xf32, #tpu.memory_space<vmem>>) target_semaphore(%run_scoped3A : memref<!tpu.dma_semaphore, #tpu.memory_space<semaphore_mem>>)
      tpu.wait_dma2 semaphore(%run_scoped3A : memref<!tpu.dma_semaphore, #tpu.memory_space<semaphore_mem>>) src(%arg7 : memref<1024xf32, #tpu.memory_space<hbm>>) dst(%arg16 : memref<1024xf32, #tpu.memory_space<vmem>>)
      tpu.yield
    }) : () -> ()
    "tpu.region"() ({
      %run_scoped3A = tpu.sem_alloc : memref<!tpu.dma_semaphore, #tpu.memory_space<semaphore_mem>>
      %dma_start3A_111 = arith.constant 0 : i32
      %dma_start3A_112 = tpu.memref_slice %arg2[%select_n3A_9, %dma_start3A_111] : memref<328x1024xi32, #tpu.memory_space<hbm>> -> memref<14x1024xi32, #tpu.memory_space<hbm>>
      %dma_start3A_113 = arith.constant 0 : i32
      %dma_start3A_114 = tpu.memref_slice %arg2[%select_n3A_9, %dma_start3A_113] : memref<328x1024xi32, #tpu.memory_space<hbm>> -> memref<14x1024xi32, #tpu.memory_space<hbm>>
      tpu.enqueue_dma source(%dma_start3A_114 : memref<14x1024xi32, #tpu.memory_space<hbm>>) target(%arg10 : memref<14x1024xi32, #tpu.memory_space<vmem>>) target_semaphore(%run_scoped3A : memref<!tpu.dma_semaphore, #tpu.memory_space<semaphore_mem>>)
      %dma_wait3A_115 = arith.constant 0 : i32
      %dma_wait3A_116 = tpu.memref_slice %arg2[%select_n3A_9, %dma_wait3A_115] : memref<328x1024xi32, #tpu.memory_space<hbm>> -> memref<14x1024xi32, #tpu.memory_space<hbm>>
      %dma_wait3A_117 = arith.constant 0 : i32
      %dma_wait3A_118 = tpu.memref_slice %arg2[%select_n3A_9, %dma_wait3A_117] : memref<328x1024xi32, #tpu.memory_space<hbm>> -> memref<14x1024xi32, #tpu.memory_space<hbm>>
      tpu.wait_dma2 semaphore(%run_scoped3A : memref<!tpu.dma_semaphore, #tpu.memory_space<semaphore_mem>>) src(%dma_wait3A_118 : memref<14x1024xi32, #tpu.memory_space<hbm>>) dst(%arg10 : memref<14x1024xi32, #tpu.memory_space<vmem>>)
      tpu.yield
    }) : () -> ()
    "tpu.region"() ({
      %run_scoped3A = tpu.sem_alloc : memref<!tpu.dma_semaphore, #tpu.memory_space<semaphore_mem>>
      %dma_start3A_111 = arith.constant 0 : i32
      %dma_start3A_112 = tpu.memref_slice %arg3[%select_n3A_9, %dma_start3A_111] : memref<328x1024xi32, #tpu.memory_space<hbm>> -> memref<14x1024xi32, #tpu.memory_space<hbm>>
      %dma_start3A_113 = arith.constant 0 : i32
      %dma_start3A_114 = tpu.memref_slice %arg3[%select_n3A_9, %dma_start3A_113] : memref<328x1024xi32, #tpu.memory_space<hbm>> -> memref<14x1024xi32, #tpu.memory_space<hbm>>
      tpu.enqueue_dma source(%dma_start3A_114 : memref<14x1024xi32, #tpu.memory_space<hbm>>) target(%arg11 : memref<14x1024xi32, #tpu.memory_space<vmem>>) target_semaphore(%run_scoped3A : memref<!tpu.dma_semaphore, #tpu.memory_space<semaphore_mem>>)
      %dma_wait3A_115 = arith.constant 0 : i32
      %dma_wait3A_116 = tpu.memref_slice %arg3[%select_n3A_9, %dma_wait3A_115] : memref<328x1024xi32, #tpu.memory_space<hbm>> -> memref<14x1024xi32, #tpu.memory_space<hbm>>
      %dma_wait3A_117 = arith.constant 0 : i32
      %dma_wait3A_118 = tpu.memref_slice %arg3[%select_n3A_9, %dma_wait3A_117] : memref<328x1024xi32, #tpu.memory_space<hbm>> -> memref<14x1024xi32, #tpu.memory_space<hbm>>
      tpu.wait_dma2 semaphore(%run_scoped3A : memref<!tpu.dma_semaphore, #tpu.memory_space<semaphore_mem>>) src(%dma_wait3A_118 : memref<14x1024xi32, #tpu.memory_space<hbm>>) dst(%arg11 : memref<14x1024xi32, #tpu.memory_space<vmem>>)
      tpu.yield
    }) : () -> ()
    "tpu.region"() ({
      %run_scoped3A = tpu.sem_alloc : memref<!tpu.dma_semaphore, #tpu.memory_space<semaphore_mem>>
      %dma_start3A_111 = arith.constant 0 : i32
      %dma_start3A_112 = tpu.memref_slice %arg17[%mul3A_0, %dma_start3A_111] : memref<10240x16xf32, #tpu.memory_space<vmem_shared>> -> memref<640x16xf32, #tpu.memory_space<vmem_shared>>
      %dma_start3A_113 = arith.constant 0 : i32
      %dma_start3A_114 = tpu.memref_slice %arg4[%mul3A_0, %dma_start3A_113] : memref<10240x16xf32, #tpu.memory_space<hbm>> -> memref<640x16xf32, #tpu.memory_space<hbm>>
      tpu.enqueue_dma source(%dma_start3A_114 : memref<640x16xf32, #tpu.memory_space<hbm>>) target(%dma_start3A_112 : memref<640x16xf32, #tpu.memory_space<vmem_shared>>) target_semaphore(%run_scoped3A : memref<!tpu.dma_semaphore, #tpu.memory_space<semaphore_mem>>)
      %dma_wait3A_115 = arith.constant 0 : i32
      %dma_wait3A_116 = tpu.memref_slice %arg17[%mul3A_0, %dma_wait3A_115] : memref<10240x16xf32, #tpu.memory_space<vmem_shared>> -> memref<640x16xf32, #tpu.memory_space<vmem_shared>>
      %dma_wait3A_117 = arith.constant 0 : i32
      %dma_wait3A_118 = tpu.memref_slice %arg4[%mul3A_0, %dma_wait3A_117] : memref<10240x16xf32, #tpu.memory_space<hbm>> -> memref<640x16xf32, #tpu.memory_space<hbm>>
      tpu.wait_dma2 semaphore(%run_scoped3A : memref<!tpu.dma_semaphore, #tpu.memory_space<semaphore_mem>>) src(%dma_wait3A_118 : memref<640x16xf32, #tpu.memory_space<hbm>>) dst(%dma_wait3A_116 : memref<640x16xf32, #tpu.memory_space<vmem_shared>>)
      tpu.yield
    }) : () -> ()
    %barrier3A = arith.constant 0 : index
    tpu.barrier barrier_id(%barrier3A)
    %dma_start3A = arith.constant 0 : i32
    %dma_start3A_10 = arith.constant 0 : i32
    %dma_start3A_11 = tpu.memref_slice %arg10[%dma_start3A, %dma_start3A_10] : memref<14x1024xi32, #tpu.memory_space<vmem>> -> memref<1x1024xi32, #tpu.memory_space<vmem>>
    %dma_start3A_12 = tpu.memref_squeeze %dma_start3A_11 : memref<1x1024xi32, #tpu.memory_space<vmem>> -> memref<1024xi32, #tpu.memory_space<vmem>>
    %dma_start3A_13 = arith.constant 0 : i32
    %dma_start3A_14 = arith.constant 0 : i32
    %dma_start3A_15 = tpu.memref_slice %arg17[%dma_start3A_13, %dma_start3A_14] : memref<10240x16xf32, #tpu.memory_space<vmem_shared>> -> memref<10240x16xf32, #tpu.memory_space<vmem_shared>>
    tpu.enqueue_indirect_dma source(%dma_start3A_15 : memref<10240x16xf32, #tpu.memory_space<vmem_shared>>) target(%arg12 : memref<1024x16xf32, #tpu.memory_space<vmem>>) offsets(%dma_start3A_12 : memref<1024xi32, #tpu.memory_space<vmem>>) semaphore(%arg20 : memref<!tpu.dma_semaphore, #tpu.memory_space<semaphore_mem>>)
    %dma_start3A_16 = arith.constant 1 : i32
    %dma_start3A_17 = arith.constant 0 : i32
    %dma_start3A_18 = tpu.memref_slice %arg10[%dma_start3A_16, %dma_start3A_17] : memref<14x1024xi32, #tpu.memory_space<vmem>> -> memref<1x1024xi32, #tpu.memory_space<vmem>>
    %dma_start3A_19 = tpu.memref_squeeze %dma_start3A_18 : memref<1x1024xi32, #tpu.memory_space<vmem>> -> memref<1024xi32, #tpu.memory_space<vmem>>
    %dma_start3A_20 = arith.constant 0 : i32
    %dma_start3A_21 = arith.constant 0 : i32
    %dma_start3A_22 = tpu.memref_slice %arg17[%dma_start3A_20, %dma_start3A_21] : memref<10240x16xf32, #tpu.memory_space<vmem_shared>> -> memref<10240x16xf32, #tpu.memory_space<vmem_shared>>
    tpu.enqueue_indirect_dma source(%dma_start3A_22 : memref<10240x16xf32, #tpu.memory_space<vmem_shared>>) target(%arg13 : memref<1024x16xf32, #tpu.memory_space<vmem>>) offsets(%dma_start3A_19 : memref<1024xi32, #tpu.memory_space<vmem>>) semaphore(%arg21 : memref<!tpu.dma_semaphore, #tpu.memory_space<semaphore_mem>>)
    %add3A_23 = arith.constant 4 : i32
    %add3A_24 = arith.addi %select_n3A_3, %add3A_23 : i32
    %sub3A = arith.constant 1 : i32
    %sub3A_25 = arith.subi %add3A_24, %sub3A : i32
    %jit3A = arith.constant 4 : i32
    %div3A = arith.divsi %sub3A_25, %jit3A : i32
    %sign3A = arith.constant 0 : i32
    %sign3A_26 = arith.cmpi sgt, %sub3A_25, %sign3A : i32
    %sign3A_27 = arith.extui %sign3A_26 : i1 to i32
    %sign3A_28 = arith.constant 0 : i32
    %sign3A_29 = arith.cmpi slt, %sub3A_25, %sign3A_28 : i32
    %sign3A_30 = arith.extui %sign3A_29 : i1 to i32
    %sign3A_31 = arith.subi %sign3A_27, %sign3A_30 : i32
    %sign3A_32 = arith.constant 0 : i32
    %sign3A_33 = arith.cmpi sgt, %jit3A, %sign3A_32 : i32
    %sign3A_34 = arith.extui %sign3A_33 : i1 to i32
    %sign3A_35 = arith.constant 0 : i32
    %sign3A_36 = arith.cmpi slt, %jit3A, %sign3A_35 : i32
    %sign3A_37 = arith.extui %sign3A_36 : i1 to i32
    %sign3A_38 = arith.subi %sign3A_34, %sign3A_37 : i32
    %ne3A = arith.cmpi ne, %sign3A_31, %sign3A_38 : i32
    %rem3A = arith.remsi %sub3A_25, %jit3A : i32
    %ne3A_39 = arith.constant 0 : i32
    %ne3A_40 = arith.cmpi ne, %rem3A, %ne3A_39 : i32
    %and3A = arith.andi %ne3A, %ne3A_40 : i1
    %sub3A_41 = arith.constant 1 : i32
    %sub3A_42 = arith.subi %div3A, %sub3A_41 : i32
    %select_n3A_43 = arith.select %and3A, %sub3A_42, %div3A : i32
    %while3A = arith.constant 0 : i32
    %while3A_44 = arith.constant 0 : i32
    %while3A_45 = arith.subi %select_n3A_43, %while3A_44 : i32
    %while3A_46 = arith.addi %while3A_44, %while3A_45 : i32
    %while3A_47 = arith.constant 1 : i32
    %while3A_48 = arith.divsi %while3A_45, %while3A_47 : i32
    %while3A_49 = arith.muli %while3A_48, %while3A_47 : i32
    %while3A_50 = arith.addi %while3A_44, %while3A_49 : i32
    %while3A_51 = arith.constant 1 : i32
    scf.for %while3A_111 = %while3A_44 to %while3A_50 step %while3A_51  : i32 {
      %mul3A_112 = arith.constant 4 : i32
      %mul3A_113 = arith.muli %while3A_111, %mul3A_112 : i32
      %add3A_114 = arith.constant 0 : i32
      %add3A_115 = arith.addi %mul3A_113, %add3A_114 : i32
      %add3A_116 = arith.constant 2 : i32
      %add3A_117 = arith.addi %add3A_115, %add3A_116 : i32
      %lt3A = arith.cmpi slt, %add3A_117, %select_n3A_3 : i32
      %convert_element_type3A = arith.extui %lt3A : i1 to i32
      %cond3A = arith.constant 0 : i32
      %cond3A_118 = arith.cmpi ne, %convert_element_type3A, %cond3A : i32
      scf.if %cond3A_118 {
        %ge3A = arith.constant 4 : i32
        %ge3A_165 = arith.cmpi sge, %add3A_117, %ge3A : i32
        %convert_element_type3A_166 = arith.extui %ge3A_165 : i1 to i32
        %cond3A_167 = arith.constant 0 : i32
        %cond3A_168 = arith.cmpi ne, %convert_element_type3A_166, %cond3A_167 : i32
        scf.if %cond3A_168 {
          %sub3A_175 = arith.constant 4 : i32
          %sub3A_176 = arith.subi %add3A_117, %sub3A_175 : i32
          %dma_wait3A_177 = arith.constant 0 : i32
          %dma_wait3A_178 = tpu.memref_slice %arg11[%sub3A_176, %dma_wait3A_177] : memref<14x1024xi32, #tpu.memory_space<vmem>> -> memref<1x1024xi32, #tpu.memory_space<vmem>>
          %dma_wait3A_179 = tpu.memref_squeeze %dma_wait3A_178 : memref<1x1024xi32, #tpu.memory_space<vmem>> -> memref<1024xi32, #tpu.memory_space<vmem>>
          %dma_wait3A_180 = arith.constant 0 : i32
          %dma_wait3A_181 = arith.constant 0 : i32
          %dma_wait3A_182 = tpu.memref_slice %arg18[%dma_wait3A_180, %dma_wait3A_181] : memref<10240x16xf32, #tpu.memory_space<vmem_shared>> -> memref<10240x16xf32, #tpu.memory_space<vmem_shared>>
          tpu.wait_indirect_dma semaphore(%arg26 : memref<!tpu.dma_semaphore, #tpu.memory_space<semaphore_mem>>) src(%arg14 : memref<1024x16xf32, #tpu.memory_space<vmem>>) dst(%dma_wait3A_182 : memref<10240x16xf32, #tpu.memory_space<vmem_shared>>)
        } else {
        }
        %dma_start3A_169 = arith.constant 0 : i32
        %dma_start3A_170 = tpu.memref_slice %arg10[%add3A_117, %dma_start3A_169] : memref<14x1024xi32, #tpu.memory_space<vmem>> -> memref<1x1024xi32, #tpu.memory_space<vmem>>
        %dma_start3A_171 = tpu.memref_squeeze %dma_start3A_170 : memref<1x1024xi32, #tpu.memory_space<vmem>> -> memref<1024xi32, #tpu.memory_space<vmem>>
        %dma_start3A_172 = arith.constant 0 : i32
        %dma_start3A_173 = arith.constant 0 : i32
        %dma_start3A_174 = tpu.memref_slice %arg17[%dma_start3A_172, %dma_start3A_173] : memref<10240x16xf32, #tpu.memory_space<vmem_shared>> -> memref<10240x16xf32, #tpu.memory_space<vmem_shared>>
        tpu.enqueue_indirect_dma source(%dma_start3A_174 : memref<10240x16xf32, #tpu.memory_space<vmem_shared>>) target(%arg14 : memref<1024x16xf32, #tpu.memory_space<vmem>>) offsets(%dma_start3A_171 : memref<1024xi32, #tpu.memory_space<vmem>>) semaphore(%arg22 : memref<!tpu.dma_semaphore, #tpu.memory_space<semaphore_mem>>)
      } else {
      }
      %lt3A_119 = arith.cmpi slt, %add3A_115, %select_n3A_3 : i32
      %convert_element_type3A_120 = arith.extui %lt3A_119 : i1 to i32
      %cond3A_121 = arith.constant 0 : i32
      %cond3A_122 = arith.cmpi ne, %convert_element_type3A_120, %cond3A_121 : i32
      scf.if %cond3A_122 {
        %dma_wait3A_165 = arith.constant 0 : i32
        %dma_wait3A_166 = tpu.memref_slice %arg10[%add3A_115, %dma_wait3A_165] : memref<14x1024xi32, #tpu.memory_space<vmem>> -> memref<1x1024xi32, #tpu.memory_space<vmem>>
        %dma_wait3A_167 = tpu.memref_squeeze %dma_wait3A_166 : memref<1x1024xi32, #tpu.memory_space<vmem>> -> memref<1024xi32, #tpu.memory_space<vmem>>
        %dma_wait3A_168 = arith.constant 0 : i32
        %dma_wait3A_169 = arith.constant 0 : i32
        %dma_wait3A_170 = tpu.memref_slice %arg17[%dma_wait3A_168, %dma_wait3A_169] : memref<10240x16xf32, #tpu.memory_space<vmem_shared>> -> memref<10240x16xf32, #tpu.memory_space<vmem_shared>>
        tpu.wait_indirect_dma semaphore(%arg20 : memref<!tpu.dma_semaphore, #tpu.memory_space<semaphore_mem>>) src(%dma_wait3A_170 : memref<10240x16xf32, #tpu.memory_space<vmem_shared>>) dst(%arg12 : memref<1024x16xf32, #tpu.memory_space<vmem>>)
        %dma_start3A_171 = arith.constant 0 : i32
        %dma_start3A_172 = tpu.memref_slice %arg11[%add3A_115, %dma_start3A_171] : memref<14x1024xi32, #tpu.memory_space<vmem>> -> memref<1x1024xi32, #tpu.memory_space<vmem>>
        %dma_start3A_173 = tpu.memref_squeeze %dma_start3A_172 : memref<1x1024xi32, #tpu.memory_space<vmem>> -> memref<1024xi32, #tpu.memory_space<vmem>>
        %dma_start3A_174 = arith.constant 0 : i32
        %dma_start3A_175 = arith.constant 0 : i32
        %dma_start3A_176 = tpu.memref_slice %arg18[%dma_start3A_174, %dma_start3A_175] : memref<10240x16xf32, #tpu.memory_space<vmem_shared>> -> memref<10240x16xf32, #tpu.memory_space<vmem_shared>>
        tpu.enqueue_indirect_dma source(%arg12 : memref<1024x16xf32, #tpu.memory_space<vmem>>) target(%dma_start3A_176 : memref<10240x16xf32, #tpu.memory_space<vmem_shared>>) offsets(%dma_start3A_173 : memref<1024xi32, #tpu.memory_space<vmem>>) semaphore(%arg24 : memref<!tpu.dma_semaphore, #tpu.memory_space<semaphore_mem>>) {add = true}
        %dma_start3A_177 = arith.constant 0 : i32
        %dma_start3A_178 = tpu.memref_slice %arg11[%add3A_115, %dma_start3A_177] : memref<14x1024xi32, #tpu.memory_space<vmem>> -> memref<1x1024xi32, #tpu.memory_space<vmem>>
        %dma_start3A_179 = tpu.memref_squeeze %dma_start3A_178 : memref<1x1024xi32, #tpu.memory_space<vmem>> -> memref<1024xi32, #tpu.memory_space<vmem>>
        %dma_start3A_180 = arith.constant 0 : i32
        %dma_start3A_181 = tpu.memref_slice %arg19[%dma_start3A_180] : memref<10240xf32, #tpu.memory_space<vmem_shared>> -> memref<10240xf32, #tpu.memory_space<vmem_shared>>
        tpu.enqueue_indirect_dma source(%arg16 : memref<1024xf32, #tpu.memory_space<vmem>>) target(%dma_start3A_181 : memref<10240xf32, #tpu.memory_space<vmem_shared>>) offsets(%dma_start3A_179 : memref<1024xi32, #tpu.memory_space<vmem>>) semaphore(%arg28 : memref<!tpu.dma_semaphore, #tpu.memory_space<semaphore_mem>>) {add = true}
        %ge3A = arith.constant 4 : i32
        %ge3A_182 = arith.cmpi sge, %add3A_115, %ge3A : i32
        %convert_element_type3A_183 = arith.extui %ge3A_182 : i1 to i32
        %cond3A_184 = arith.constant 0 : i32
        %cond3A_185 = arith.cmpi ne, %convert_element_type3A_183, %cond3A_184 : i32
        scf.if %cond3A_185 {
          %dma_wait3A_186 = arith.constant 0 : i32
          %dma_wait3A_187 = tpu.memref_slice %arg11[%add3A_115, %dma_wait3A_186] : memref<14x1024xi32, #tpu.memory_space<vmem>> -> memref<1x1024xi32, #tpu.memory_space<vmem>>
          %dma_wait3A_188 = tpu.memref_squeeze %dma_wait3A_187 : memref<1x1024xi32, #tpu.memory_space<vmem>> -> memref<1024xi32, #tpu.memory_space<vmem>>
          %dma_wait3A_189 = arith.constant 0 : i32
          %dma_wait3A_190 = tpu.memref_slice %arg19[%dma_wait3A_189] : memref<10240xf32, #tpu.memory_space<vmem_shared>> -> memref<10240xf32, #tpu.memory_space<vmem_shared>>
          tpu.wait_indirect_dma semaphore(%arg28 : memref<!tpu.dma_semaphore, #tpu.memory_space<semaphore_mem>>) src(%arg16 : memref<1024xf32, #tpu.memory_space<vmem>>) dst(%dma_wait3A_190 : memref<10240xf32, #tpu.memory_space<vmem_shared>>)
        } else {
        }
      } else {
      }
      %mul3A_123 = arith.constant 4 : i32
      %mul3A_124 = arith.muli %while3A_111, %mul3A_123 : i32
      %add3A_125 = arith.constant 1 : i32
      %add3A_126 = arith.addi %mul3A_124, %add3A_125 : i32
      %add3A_127 = arith.constant 2 : i32
      %add3A_128 = arith.addi %add3A_126, %add3A_127 : i32
      %lt3A_129 = arith.cmpi slt, %add3A_128, %select_n3A_3 : i32
      %convert_element_type3A_130 = arith.extui %lt3A_129 : i1 to i32
      %cond3A_131 = arith.constant 0 : i32
      %cond3A_132 = arith.cmpi ne, %convert_element_type3A_130, %cond3A_131 : i32
      scf.if %cond3A_132 {
        %ge3A = arith.constant 4 : i32
        %ge3A_165 = arith.cmpi sge, %add3A_128, %ge3A : i32
        %convert_element_type3A_166 = arith.extui %ge3A_165 : i1 to i32
        %cond3A_167 = arith.constant 0 : i32
        %cond3A_168 = arith.cmpi ne, %convert_element_type3A_166, %cond3A_167 : i32
        scf.if %cond3A_168 {
          %sub3A_175 = arith.constant 4 : i32
          %sub3A_176 = arith.subi %add3A_128, %sub3A_175 : i32
          %dma_wait3A_177 = arith.constant 0 : i32
          %dma_wait3A_178 = tpu.memref_slice %arg11[%sub3A_176, %dma_wait3A_177] : memref<14x1024xi32, #tpu.memory_space<vmem>> -> memref<1x1024xi32, #tpu.memory_space<vmem>>
          %dma_wait3A_179 = tpu.memref_squeeze %dma_wait3A_178 : memref<1x1024xi32, #tpu.memory_space<vmem>> -> memref<1024xi32, #tpu.memory_space<vmem>>
          %dma_wait3A_180 = arith.constant 0 : i32
          %dma_wait3A_181 = arith.constant 0 : i32
          %dma_wait3A_182 = tpu.memref_slice %arg18[%dma_wait3A_180, %dma_wait3A_181] : memref<10240x16xf32, #tpu.memory_space<vmem_shared>> -> memref<10240x16xf32, #tpu.memory_space<vmem_shared>>
          tpu.wait_indirect_dma semaphore(%arg27 : memref<!tpu.dma_semaphore, #tpu.memory_space<semaphore_mem>>) src(%arg15 : memref<1024x16xf32, #tpu.memory_space<vmem>>) dst(%dma_wait3A_182 : memref<10240x16xf32, #tpu.memory_space<vmem_shared>>)
        } else {
        }
        %dma_start3A_169 = arith.constant 0 : i32
        %dma_start3A_170 = tpu.memref_slice %arg10[%add3A_128, %dma_start3A_169] : memref<14x1024xi32, #tpu.memory_space<vmem>> -> memref<1x1024xi32, #tpu.memory_space<vmem>>
        %dma_start3A_171 = tpu.memref_squeeze %dma_start3A_170 : memref<1x1024xi32, #tpu.memory_space<vmem>> -> memref<1024xi32, #tpu.memory_space<vmem>>
        %dma_start3A_172 = arith.constant 0 : i32
        %dma_start3A_173 = arith.constant 0 : i32
        %dma_start3A_174 = tpu.memref_slice %arg17[%dma_start3A_172, %dma_start3A_173] : memref<10240x16xf32, #tpu.memory_space<vmem_shared>> -> memref<10240x16xf32, #tpu.memory_space<vmem_shared>>
        tpu.enqueue_indirect_dma source(%dma_start3A_174 : memref<10240x16xf32, #tpu.memory_space<vmem_shared>>) target(%arg15 : memref<1024x16xf32, #tpu.memory_space<vmem>>) offsets(%dma_start3A_171 : memref<1024xi32, #tpu.memory_space<vmem>>) semaphore(%arg23 : memref<!tpu.dma_semaphore, #tpu.memory_space<semaphore_mem>>)
      } else {
      }
      %lt3A_133 = arith.cmpi slt, %add3A_126, %select_n3A_3 : i32
      %convert_element_type3A_134 = arith.extui %lt3A_133 : i1 to i32
      %cond3A_135 = arith.constant 0 : i32
      %cond3A_136 = arith.cmpi ne, %convert_element_type3A_134, %cond3A_135 : i32
      scf.if %cond3A_136 {
        %dma_wait3A_165 = arith.constant 0 : i32
        %dma_wait3A_166 = tpu.memref_slice %arg10[%add3A_126, %dma_wait3A_165] : memref<14x1024xi32, #tpu.memory_space<vmem>> -> memref<1x1024xi32, #tpu.memory_space<vmem>>
        %dma_wait3A_167 = tpu.memref_squeeze %dma_wait3A_166 : memref<1x1024xi32, #tpu.memory_space<vmem>> -> memref<1024xi32, #tpu.memory_space<vmem>>
        %dma_wait3A_168 = arith.constant 0 : i32
        %dma_wait3A_169 = arith.constant 0 : i32
        %dma_wait3A_170 = tpu.memref_slice %arg17[%dma_wait3A_168, %dma_wait3A_169] : memref<10240x16xf32, #tpu.memory_space<vmem_shared>> -> memref<10240x16xf32, #tpu.memory_space<vmem_shared>>
        tpu.wait_indirect_dma semaphore(%arg21 : memref<!tpu.dma_semaphore, #tpu.memory_space<semaphore_mem>>) src(%dma_wait3A_170 : memref<10240x16xf32, #tpu.memory_space<vmem_shared>>) dst(%arg13 : memref<1024x16xf32, #tpu.memory_space<vmem>>)
        %dma_start3A_171 = arith.constant 0 : i32
        %dma_start3A_172 = tpu.memref_slice %arg11[%add3A_126, %dma_start3A_171] : memref<14x1024xi32, #tpu.memory_space<vmem>> -> memref<1x1024xi32, #tpu.memory_space<vmem>>
        %dma_start3A_173 = tpu.memref_squeeze %dma_start3A_172 : memref<1x1024xi32, #tpu.memory_space<vmem>> -> memref<1024xi32, #tpu.memory_space<vmem>>
        %dma_start3A_174 = arith.constant 0 : i32
        %dma_start3A_175 = arith.constant 0 : i32
        %dma_start3A_176 = tpu.memref_slice %arg18[%dma_start3A_174, %dma_start3A_175] : memref<10240x16xf32, #tpu.memory_space<vmem_shared>> -> memref<10240x16xf32, #tpu.memory_space<vmem_shared>>
        tpu.enqueue_indirect_dma source(%arg13 : memref<1024x16xf32, #tpu.memory_space<vmem>>) target(%dma_start3A_176 : memref<10240x16xf32, #tpu.memory_space<vmem_shared>>) offsets(%dma_start3A_173 : memref<1024xi32, #tpu.memory_space<vmem>>) semaphore(%arg25 : memref<!tpu.dma_semaphore, #tpu.memory_space<semaphore_mem>>) {add = true}
        %dma_start3A_177 = arith.constant 0 : i32
        %dma_start3A_178 = tpu.memref_slice %arg11[%add3A_126, %dma_start3A_177] : memref<14x1024xi32, #tpu.memory_space<vmem>> -> memref<1x1024xi32, #tpu.memory_space<vmem>>
        %dma_start3A_179 = tpu.memref_squeeze %dma_start3A_178 : memref<1x1024xi32, #tpu.memory_space<vmem>> -> memref<1024xi32, #tpu.memory_space<vmem>>
        %dma_start3A_180 = arith.constant 0 : i32
        %dma_start3A_181 = tpu.memref_slice %arg19[%dma_start3A_180] : memref<10240xf32, #tpu.memory_space<vmem_shared>> -> memref<10240xf32, #tpu.memory_space<vmem_shared>>
        tpu.enqueue_indirect_dma source(%arg16 : memref<1024xf32, #tpu.memory_space<vmem>>) target(%dma_start3A_181 : memref<10240xf32, #tpu.memory_space<vmem_shared>>) offsets(%dma_start3A_179 : memref<1024xi32, #tpu.memory_space<vmem>>) semaphore(%arg28 : memref<!tpu.dma_semaphore, #tpu.memory_space<semaphore_mem>>) {add = true}
        %ge3A = arith.constant 4 : i32
        %ge3A_182 = arith.cmpi sge, %add3A_126, %ge3A : i32
        %convert_element_type3A_183 = arith.extui %ge3A_182 : i1 to i32
        %cond3A_184 = arith.constant 0 : i32
        %cond3A_185 = arith.cmpi ne, %convert_element_type3A_183, %cond3A_184 : i32
        scf.if %cond3A_185 {
          %dma_wait3A_186 = arith.constant 0 : i32
          %dma_wait3A_187 = tpu.memref_slice %arg11[%add3A_126, %dma_wait3A_186] : memref<14x1024xi32, #tpu.memory_space<vmem>> -> memref<1x1024xi32, #tpu.memory_space<vmem>>
          %dma_wait3A_188 = tpu.memref_squeeze %dma_wait3A_187 : memref<1x1024xi32, #tpu.memory_space<vmem>> -> memref<1024xi32, #tpu.memory_space<vmem>>
          %dma_wait3A_189 = arith.constant 0 : i32
          %dma_wait3A_190 = tpu.memref_slice %arg19[%dma_wait3A_189] : memref<10240xf32, #tpu.memory_space<vmem_shared>> -> memref<10240xf32, #tpu.memory_space<vmem_shared>>
          tpu.wait_indirect_dma semaphore(%arg28 : memref<!tpu.dma_semaphore, #tpu.memory_space<semaphore_mem>>) src(%arg16 : memref<1024xf32, #tpu.memory_space<vmem>>) dst(%dma_wait3A_190 : memref<10240xf32, #tpu.memory_space<vmem_shared>>)
        } else {
        }
      } else {
      }
      %mul3A_137 = arith.constant 4 : i32
      %mul3A_138 = arith.muli %while3A_111, %mul3A_137 : i32
      %add3A_139 = arith.constant 2 : i32
      %add3A_140 = arith.addi %mul3A_138, %add3A_139 : i32
      %add3A_141 = arith.constant 2 : i32
      %add3A_142 = arith.addi %add3A_140, %add3A_141 : i32
      %lt3A_143 = arith.cmpi slt, %add3A_142, %select_n3A_3 : i32
      %convert_element_type3A_144 = arith.extui %lt3A_143 : i1 to i32
      %cond3A_145 = arith.constant 0 : i32
      %cond3A_146 = arith.cmpi ne, %convert_element_type3A_144, %cond3A_145 : i32
      scf.if %cond3A_146 {
        %ge3A = arith.constant 4 : i32
        %ge3A_165 = arith.cmpi sge, %add3A_142, %ge3A : i32
        %convert_element_type3A_166 = arith.extui %ge3A_165 : i1 to i32
        %cond3A_167 = arith.constant 0 : i32
        %cond3A_168 = arith.cmpi ne, %convert_element_type3A_166, %cond3A_167 : i32
        scf.if %cond3A_168 {
          %sub3A_175 = arith.constant 4 : i32
          %sub3A_176 = arith.subi %add3A_142, %sub3A_175 : i32
          %dma_wait3A_177 = arith.constant 0 : i32
          %dma_wait3A_178 = tpu.memref_slice %arg11[%sub3A_176, %dma_wait3A_177] : memref<14x1024xi32, #tpu.memory_space<vmem>> -> memref<1x1024xi32, #tpu.memory_space<vmem>>
          %dma_wait3A_179 = tpu.memref_squeeze %dma_wait3A_178 : memref<1x1024xi32, #tpu.memory_space<vmem>> -> memref<1024xi32, #tpu.memory_space<vmem>>
          %dma_wait3A_180 = arith.constant 0 : i32
          %dma_wait3A_181 = arith.constant 0 : i32
          %dma_wait3A_182 = tpu.memref_slice %arg18[%dma_wait3A_180, %dma_wait3A_181] : memref<10240x16xf32, #tpu.memory_space<vmem_shared>> -> memref<10240x16xf32, #tpu.memory_space<vmem_shared>>
          tpu.wait_indirect_dma semaphore(%arg24 : memref<!tpu.dma_semaphore, #tpu.memory_space<semaphore_mem>>) src(%arg12 : memref<1024x16xf32, #tpu.memory_space<vmem>>) dst(%dma_wait3A_182 : memref<10240x16xf32, #tpu.memory_space<vmem_shared>>)
        } else {
        }
        %dma_start3A_169 = arith.constant 0 : i32
        %dma_start3A_170 = tpu.memref_slice %arg10[%add3A_142, %dma_start3A_169] : memref<14x1024xi32, #tpu.memory_space<vmem>> -> memref<1x1024xi32, #tpu.memory_space<vmem>>
        %dma_start3A_171 = tpu.memref_squeeze %dma_start3A_170 : memref<1x1024xi32, #tpu.memory_space<vmem>> -> memref<1024xi32, #tpu.memory_space<vmem>>
        %dma_start3A_172 = arith.constant 0 : i32
        %dma_start3A_173 = arith.constant 0 : i32
        %dma_start3A_174 = tpu.memref_slice %arg17[%dma_start3A_172, %dma_start3A_173] : memref<10240x16xf32, #tpu.memory_space<vmem_shared>> -> memref<10240x16xf32, #tpu.memory_space<vmem_shared>>
        tpu.enqueue_indirect_dma source(%dma_start3A_174 : memref<10240x16xf32, #tpu.memory_space<vmem_shared>>) target(%arg12 : memref<1024x16xf32, #tpu.memory_space<vmem>>) offsets(%dma_start3A_171 : memref<1024xi32, #tpu.memory_space<vmem>>) semaphore(%arg20 : memref<!tpu.dma_semaphore, #tpu.memory_space<semaphore_mem>>)
      } else {
      }
      %lt3A_147 = arith.cmpi slt, %add3A_140, %select_n3A_3 : i32
      %convert_element_type3A_148 = arith.extui %lt3A_147 : i1 to i32
      %cond3A_149 = arith.constant 0 : i32
      %cond3A_150 = arith.cmpi ne, %convert_element_type3A_148, %cond3A_149 : i32
      scf.if %cond3A_150 {
        %dma_wait3A_165 = arith.constant 0 : i32
        %dma_wait3A_166 = tpu.memref_slice %arg10[%add3A_140, %dma_wait3A_165] : memref<14x1024xi32, #tpu.memory_space<vmem>> -> memref<1x1024xi32, #tpu.memory_space<vmem>>
        %dma_wait3A_167 = tpu.memref_squeeze %dma_wait3A_166 : memref<1x1024xi32, #tpu.memory_space<vmem>> -> memref<1024xi32, #tpu.memory_space<vmem>>
        %dma_wait3A_168 = arith.constant 0 : i32
        %dma_wait3A_169 = arith.constant 0 : i32
        %dma_wait3A_170 = tpu.memref_slice %arg17[%dma_wait3A_168, %dma_wait3A_169] : memref<10240x16xf32, #tpu.memory_space<vmem_shared>> -> memref<10240x16xf32, #tpu.memory_space<vmem_shared>>
        tpu.wait_indirect_dma semaphore(%arg22 : memref<!tpu.dma_semaphore, #tpu.memory_space<semaphore_mem>>) src(%dma_wait3A_170 : memref<10240x16xf32, #tpu.memory_space<vmem_shared>>) dst(%arg14 : memref<1024x16xf32, #tpu.memory_space<vmem>>)
        %dma_start3A_171 = arith.constant 0 : i32
        %dma_start3A_172 = tpu.memref_slice %arg11[%add3A_140, %dma_start3A_171] : memref<14x1024xi32, #tpu.memory_space<vmem>> -> memref<1x1024xi32, #tpu.memory_space<vmem>>
        %dma_start3A_173 = tpu.memref_squeeze %dma_start3A_172 : memref<1x1024xi32, #tpu.memory_space<vmem>> -> memref<1024xi32, #tpu.memory_space<vmem>>
        %dma_start3A_174 = arith.constant 0 : i32
        %dma_start3A_175 = arith.constant 0 : i32
        %dma_start3A_176 = tpu.memref_slice %arg18[%dma_start3A_174, %dma_start3A_175] : memref<10240x16xf32, #tpu.memory_space<vmem_shared>> -> memref<10240x16xf32, #tpu.memory_space<vmem_shared>>
        tpu.enqueue_indirect_dma source(%arg14 : memref<1024x16xf32, #tpu.memory_space<vmem>>) target(%dma_start3A_176 : memref<10240x16xf32, #tpu.memory_space<vmem_shared>>) offsets(%dma_start3A_173 : memref<1024xi32, #tpu.memory_space<vmem>>) semaphore(%arg26 : memref<!tpu.dma_semaphore, #tpu.memory_space<semaphore_mem>>) {add = true}
        %dma_start3A_177 = arith.constant 0 : i32
        %dma_start3A_178 = tpu.memref_slice %arg11[%add3A_140, %dma_start3A_177] : memref<14x1024xi32, #tpu.memory_space<vmem>> -> memref<1x1024xi32, #tpu.memory_space<vmem>>
        %dma_start3A_179 = tpu.memref_squeeze %dma_start3A_178 : memref<1x1024xi32, #tpu.memory_space<vmem>> -> memref<1024xi32, #tpu.memory_space<vmem>>
        %dma_start3A_180 = arith.constant 0 : i32
        %dma_start3A_181 = tpu.memref_slice %arg19[%dma_start3A_180] : memref<10240xf32, #tpu.memory_space<vmem_shared>> -> memref<10240xf32, #tpu.memory_space<vmem_shared>>
        tpu.enqueue_indirect_dma source(%arg16 : memref<1024xf32, #tpu.memory_space<vmem>>) target(%dma_start3A_181 : memref<10240xf32, #tpu.memory_space<vmem_shared>>) offsets(%dma_start3A_179 : memref<1024xi32, #tpu.memory_space<vmem>>) semaphore(%arg28 : memref<!tpu.dma_semaphore, #tpu.memory_space<semaphore_mem>>) {add = true}
        %ge3A = arith.constant 4 : i32
        %ge3A_182 = arith.cmpi sge, %add3A_140, %ge3A : i32
        %convert_element_type3A_183 = arith.extui %ge3A_182 : i1 to i32
        %cond3A_184 = arith.constant 0 : i32
        %cond3A_185 = arith.cmpi ne, %convert_element_type3A_183, %cond3A_184 : i32
        scf.if %cond3A_185 {
          %dma_wait3A_186 = arith.constant 0 : i32
          %dma_wait3A_187 = tpu.memref_slice %arg11[%add3A_140, %dma_wait3A_186] : memref<14x1024xi32, #tpu.memory_space<vmem>> -> memref<1x1024xi32, #tpu.memory_space<vmem>>
          %dma_wait3A_188 = tpu.memref_squeeze %dma_wait3A_187 : memref<1x1024xi32, #tpu.memory_space<vmem>> -> memref<1024xi32, #tpu.memory_space<vmem>>
          %dma_wait3A_189 = arith.constant 0 : i32
          %dma_wait3A_190 = tpu.memref_slice %arg19[%dma_wait3A_189] : memref<10240xf32, #tpu.memory_space<vmem_shared>> -> memref<10240xf32, #tpu.memory_space<vmem_shared>>
          tpu.wait_indirect_dma semaphore(%arg28 : memref<!tpu.dma_semaphore, #tpu.memory_space<semaphore_mem>>) src(%arg16 : memref<1024xf32, #tpu.memory_space<vmem>>) dst(%dma_wait3A_190 : memref<10240xf32, #tpu.memory_space<vmem_shared>>)
        } else {
        }
      } else {
      }
      %mul3A_151 = arith.constant 4 : i32
      %mul3A_152 = arith.muli %while3A_111, %mul3A_151 : i32
      %add3A_153 = arith.constant 3 : i32
      %add3A_154 = arith.addi %mul3A_152, %add3A_153 : i32
      %add3A_155 = arith.constant 2 : i32
      %add3A_156 = arith.addi %add3A_154, %add3A_155 : i32
      %lt3A_157 = arith.cmpi slt, %add3A_156, %select_n3A_3 : i32
      %convert_element_type3A_158 = arith.extui %lt3A_157 : i1 to i32
      %cond3A_159 = arith.constant 0 : i32
      %cond3A_160 = arith.cmpi ne, %convert_element_type3A_158, %cond3A_159 : i32
      scf.if %cond3A_160 {
        %ge3A = arith.constant 4 : i32
        %ge3A_165 = arith.cmpi sge, %add3A_156, %ge3A : i32
        %convert_element_type3A_166 = arith.extui %ge3A_165 : i1 to i32
        %cond3A_167 = arith.constant 0 : i32
        %cond3A_168 = arith.cmpi ne, %convert_element_type3A_166, %cond3A_167 : i32
        scf.if %cond3A_168 {
          %sub3A_175 = arith.constant 4 : i32
          %sub3A_176 = arith.subi %add3A_156, %sub3A_175 : i32
          %dma_wait3A_177 = arith.constant 0 : i32
          %dma_wait3A_178 = tpu.memref_slice %arg11[%sub3A_176, %dma_wait3A_177] : memref<14x1024xi32, #tpu.memory_space<vmem>> -> memref<1x1024xi32, #tpu.memory_space<vmem>>
          %dma_wait3A_179 = tpu.memref_squeeze %dma_wait3A_178 : memref<1x1024xi32, #tpu.memory_space<vmem>> -> memref<1024xi32, #tpu.memory_space<vmem>>
          %dma_wait3A_180 = arith.constant 0 : i32
          %dma_wait3A_181 = arith.constant 0 : i32
          %dma_wait3A_182 = tpu.memref_slice %arg18[%dma_wait3A_180, %dma_wait3A_181] : memref<10240x16xf32, #tpu.memory_space<vmem_shared>> -> memref<10240x16xf32, #tpu.memory_space<vmem_shared>>
          tpu.wait_indirect_dma semaphore(%arg25 : memref<!tpu.dma_semaphore, #tpu.memory_space<semaphore_mem>>) src(%arg13 : memref<1024x16xf32, #tpu.memory_space<vmem>>) dst(%dma_wait3A_182 : memref<10240x16xf32, #tpu.memory_space<vmem_shared>>)
        } else {
        }
        %dma_start3A_169 = arith.constant 0 : i32
        %dma_start3A_170 = tpu.memref_slice %arg10[%add3A_156, %dma_start3A_169] : memref<14x1024xi32, #tpu.memory_space<vmem>> -> memref<1x1024xi32, #tpu.memory_space<vmem>>
        %dma_start3A_171 = tpu.memref_squeeze %dma_start3A_170 : memref<1x1024xi32, #tpu.memory_space<vmem>> -> memref<1024xi32, #tpu.memory_space<vmem>>
        %dma_start3A_172 = arith.constant 0 : i32
        %dma_start3A_173 = arith.constant 0 : i32
        %dma_start3A_174 = tpu.memref_slice %arg17[%dma_start3A_172, %dma_start3A_173] : memref<10240x16xf32, #tpu.memory_space<vmem_shared>> -> memref<10240x16xf32, #tpu.memory_space<vmem_shared>>
        tpu.enqueue_indirect_dma source(%dma_start3A_174 : memref<10240x16xf32, #tpu.memory_space<vmem_shared>>) target(%arg13 : memref<1024x16xf32, #tpu.memory_space<vmem>>) offsets(%dma_start3A_171 : memref<1024xi32, #tpu.memory_space<vmem>>) semaphore(%arg21 : memref<!tpu.dma_semaphore, #tpu.memory_space<semaphore_mem>>)
      } else {
      }
      %lt3A_161 = arith.cmpi slt, %add3A_154, %select_n3A_3 : i32
      %convert_element_type3A_162 = arith.extui %lt3A_161 : i1 to i32
      %cond3A_163 = arith.constant 0 : i32
      %cond3A_164 = arith.cmpi ne, %convert_element_type3A_162, %cond3A_163 : i32
      scf.if %cond3A_164 {
        %dma_wait3A_165 = arith.constant 0 : i32
        %dma_wait3A_166 = tpu.memref_slice %arg10[%add3A_154, %dma_wait3A_165] : memref<14x1024xi32, #tpu.memory_space<vmem>> -> memref<1x1024xi32, #tpu.memory_space<vmem>>
        %dma_wait3A_167 = tpu.memref_squeeze %dma_wait3A_166 : memref<1x1024xi32, #tpu.memory_space<vmem>> -> memref<1024xi32, #tpu.memory_space<vmem>>
        %dma_wait3A_168 = arith.constant 0 : i32
        %dma_wait3A_169 = arith.constant 0 : i32
        %dma_wait3A_170 = tpu.memref_slice %arg17[%dma_wait3A_168, %dma_wait3A_169] : memref<10240x16xf32, #tpu.memory_space<vmem_shared>> -> memref<10240x16xf32, #tpu.memory_space<vmem_shared>>
        tpu.wait_indirect_dma semaphore(%arg23 : memref<!tpu.dma_semaphore, #tpu.memory_space<semaphore_mem>>) src(%dma_wait3A_170 : memref<10240x16xf32, #tpu.memory_space<vmem_shared>>) dst(%arg15 : memref<1024x16xf32, #tpu.memory_space<vmem>>)
        %dma_start3A_171 = arith.constant 0 : i32
        %dma_start3A_172 = tpu.memref_slice %arg11[%add3A_154, %dma_start3A_171] : memref<14x1024xi32, #tpu.memory_space<vmem>> -> memref<1x1024xi32, #tpu.memory_space<vmem>>
        %dma_start3A_173 = tpu.memref_squeeze %dma_start3A_172 : memref<1x1024xi32, #tpu.memory_space<vmem>> -> memref<1024xi32, #tpu.memory_space<vmem>>
        %dma_start3A_174 = arith.constant 0 : i32
        %dma_start3A_175 = arith.constant 0 : i32
        %dma_start3A_176 = tpu.memref_slice %arg18[%dma_start3A_174, %dma_start3A_175] : memref<10240x16xf32, #tpu.memory_space<vmem_shared>> -> memref<10240x16xf32, #tpu.memory_space<vmem_shared>>
        tpu.enqueue_indirect_dma source(%arg15 : memref<1024x16xf32, #tpu.memory_space<vmem>>) target(%dma_start3A_176 : memref<10240x16xf32, #tpu.memory_space<vmem_shared>>) offsets(%dma_start3A_173 : memref<1024xi32, #tpu.memory_space<vmem>>) semaphore(%arg27 : memref<!tpu.dma_semaphore, #tpu.memory_space<semaphore_mem>>) {add = true}
        %dma_start3A_177 = arith.constant 0 : i32
        %dma_start3A_178 = tpu.memref_slice %arg11[%add3A_154, %dma_start3A_177] : memref<14x1024xi32, #tpu.memory_space<vmem>> -> memref<1x1024xi32, #tpu.memory_space<vmem>>
        %dma_start3A_179 = tpu.memref_squeeze %dma_start3A_178 : memref<1x1024xi32, #tpu.memory_space<vmem>> -> memref<1024xi32, #tpu.memory_space<vmem>>
        %dma_start3A_180 = arith.constant 0 : i32
        %dma_start3A_181 = tpu.memref_slice %arg19[%dma_start3A_180] : memref<10240xf32, #tpu.memory_space<vmem_shared>> -> memref<10240xf32, #tpu.memory_space<vmem_shared>>
        tpu.enqueue_indirect_dma source(%arg16 : memref<1024xf32, #tpu.memory_space<vmem>>) target(%dma_start3A_181 : memref<10240xf32, #tpu.memory_space<vmem_shared>>) offsets(%dma_start3A_179 : memref<1024xi32, #tpu.memory_space<vmem>>) semaphore(%arg28 : memref<!tpu.dma_semaphore, #tpu.memory_space<semaphore_mem>>) {add = true}
        %ge3A = arith.constant 4 : i32
        %ge3A_182 = arith.cmpi sge, %add3A_154, %ge3A : i32
        %convert_element_type3A_183 = arith.extui %ge3A_182 : i1 to i32
        %cond3A_184 = arith.constant 0 : i32
        %cond3A_185 = arith.cmpi ne, %convert_element_type3A_183, %cond3A_184 : i32
        scf.if %cond3A_185 {
          %dma_wait3A_186 = arith.constant 0 : i32
          %dma_wait3A_187 = tpu.memref_slice %arg11[%add3A_154, %dma_wait3A_186] : memref<14x1024xi32, #tpu.memory_space<vmem>> -> memref<1x1024xi32, #tpu.memory_space<vmem>>
          %dma_wait3A_188 = tpu.memref_squeeze %dma_wait3A_187 : memref<1x1024xi32, #tpu.memory_space<vmem>> -> memref<1024xi32, #tpu.memory_space<vmem>>
          %dma_wait3A_189 = arith.constant 0 : i32
          %dma_wait3A_190 = tpu.memref_slice %arg19[%dma_wait3A_189] : memref<10240xf32, #tpu.memory_space<vmem_shared>> -> memref<10240xf32, #tpu.memory_space<vmem_shared>>
          tpu.wait_indirect_dma semaphore(%arg28 : memref<!tpu.dma_semaphore, #tpu.memory_space<semaphore_mem>>) src(%arg16 : memref<1024xf32, #tpu.memory_space<vmem>>) dst(%dma_wait3A_190 : memref<10240xf32, #tpu.memory_space<vmem_shared>>)
        } else {
        }
      } else {
      }
    }
    %while3A_52 = arith.constant 1 : i32
    scf.for %while3A_111 = %while3A_50 to %while3A_46 step %while3A_52  : i32 {
      %mul3A_112 = arith.constant 4 : i32
      %mul3A_113 = arith.muli %while3A_111, %mul3A_112 : i32
      %add3A_114 = arith.constant 0 : i32
      %add3A_115 = arith.addi %mul3A_113, %add3A_114 : i32
      %add3A_116 = arith.constant 2 : i32
      %add3A_117 = arith.addi %add3A_115, %add3A_116 : i32
      %lt3A = arith.cmpi slt, %add3A_117, %select_n3A_3 : i32
      %convert_element_type3A = arith.extui %lt3A : i1 to i32
      %cond3A = arith.constant 0 : i32
      %cond3A_118 = arith.cmpi ne, %convert_element_type3A, %cond3A : i32
      scf.if %cond3A_118 {
        %ge3A = arith.constant 4 : i32
        %ge3A_165 = arith.cmpi sge, %add3A_117, %ge3A : i32
        %convert_element_type3A_166 = arith.extui %ge3A_165 : i1 to i32
        %cond3A_167 = arith.constant 0 : i32
        %cond3A_168 = arith.cmpi ne, %convert_element_type3A_166, %cond3A_167 : i32
        scf.if %cond3A_168 {
          %sub3A_175 = arith.constant 4 : i32
          %sub3A_176 = arith.subi %add3A_117, %sub3A_175 : i32
          %dma_wait3A_177 = arith.constant 0 : i32
          %dma_wait3A_178 = tpu.memref_slice %arg11[%sub3A_176, %dma_wait3A_177] : memref<14x1024xi32, #tpu.memory_space<vmem>> -> memref<1x1024xi32, #tpu.memory_space<vmem>>
          %dma_wait3A_179 = tpu.memref_squeeze %dma_wait3A_178 : memref<1x1024xi32, #tpu.memory_space<vmem>> -> memref<1024xi32, #tpu.memory_space<vmem>>
          %dma_wait3A_180 = arith.constant 0 : i32
          %dma_wait3A_181 = arith.constant 0 : i32
          %dma_wait3A_182 = tpu.memref_slice %arg18[%dma_wait3A_180, %dma_wait3A_181] : memref<10240x16xf32, #tpu.memory_space<vmem_shared>> -> memref<10240x16xf32, #tpu.memory_space<vmem_shared>>
          tpu.wait_indirect_dma semaphore(%arg26 : memref<!tpu.dma_semaphore, #tpu.memory_space<semaphore_mem>>) src(%arg14 : memref<1024x16xf32, #tpu.memory_space<vmem>>) dst(%dma_wait3A_182 : memref<10240x16xf32, #tpu.memory_space<vmem_shared>>)
        } else {
        }
        %dma_start3A_169 = arith.constant 0 : i32
        %dma_start3A_170 = tpu.memref_slice %arg10[%add3A_117, %dma_start3A_169] : memref<14x1024xi32, #tpu.memory_space<vmem>> -> memref<1x1024xi32, #tpu.memory_space<vmem>>
        %dma_start3A_171 = tpu.memref_squeeze %dma_start3A_170 : memref<1x1024xi32, #tpu.memory_space<vmem>> -> memref<1024xi32, #tpu.memory_space<vmem>>
        %dma_start3A_172 = arith.constant 0 : i32
        %dma_start3A_173 = arith.constant 0 : i32
        %dma_start3A_174 = tpu.memref_slice %arg17[%dma_start3A_172, %dma_start3A_173] : memref<10240x16xf32, #tpu.memory_space<vmem_shared>> -> memref<10240x16xf32, #tpu.memory_space<vmem_shared>>
        tpu.enqueue_indirect_dma source(%dma_start3A_174 : memref<10240x16xf32, #tpu.memory_space<vmem_shared>>) target(%arg14 : memref<1024x16xf32, #tpu.memory_space<vmem>>) offsets(%dma_start3A_171 : memref<1024xi32, #tpu.memory_space<vmem>>) semaphore(%arg22 : memref<!tpu.dma_semaphore, #tpu.memory_space<semaphore_mem>>)
      } else {
      }
      %lt3A_119 = arith.cmpi slt, %add3A_115, %select_n3A_3 : i32
      %convert_element_type3A_120 = arith.extui %lt3A_119 : i1 to i32
      %cond3A_121 = arith.constant 0 : i32
      %cond3A_122 = arith.cmpi ne, %convert_element_type3A_120, %cond3A_121 : i32
      scf.if %cond3A_122 {
        %dma_wait3A_165 = arith.constant 0 : i32
        %dma_wait3A_166 = tpu.memref_slice %arg10[%add3A_115, %dma_wait3A_165] : memref<14x1024xi32, #tpu.memory_space<vmem>> -> memref<1x1024xi32, #tpu.memory_space<vmem>>
        %dma_wait3A_167 = tpu.memref_squeeze %dma_wait3A_166 : memref<1x1024xi32, #tpu.memory_space<vmem>> -> memref<1024xi32, #tpu.memory_space<vmem>>
        %dma_wait3A_168 = arith.constant 0 : i32
        %dma_wait3A_169 = arith.constant 0 : i32
        %dma_wait3A_170 = tpu.memref_slice %arg17[%dma_wait3A_168, %dma_wait3A_169] : memref<10240x16xf32, #tpu.memory_space<vmem_shared>> -> memref<10240x16xf32, #tpu.memory_space<vmem_shared>>
        tpu.wait_indirect_dma semaphore(%arg20 : memref<!tpu.dma_semaphore, #tpu.memory_space<semaphore_mem>>) src(%dma_wait3A_170 : memref<10240x16xf32, #tpu.memory_space<vmem_shared>>) dst(%arg12 : memref<1024x16xf32, #tpu.memory_space<vmem>>)
        %dma_start3A_171 = arith.constant 0 : i32
        %dma_start3A_172 = tpu.memref_slice %arg11[%add3A_115, %dma_start3A_171] : memref<14x1024xi32, #tpu.memory_space<vmem>> -> memref<1x1024xi32, #tpu.memory_space<vmem>>
        %dma_start3A_173 = tpu.memref_squeeze %dma_start3A_172 : memref<1x1024xi32, #tpu.memory_space<vmem>> -> memref<1024xi32, #tpu.memory_space<vmem>>
        %dma_start3A_174 = arith.constant 0 : i32
        %dma_start3A_175 = arith.constant 0 : i32
        %dma_start3A_176 = tpu.memref_slice %arg18[%dma_start3A_174, %dma_start3A_175] : memref<10240x16xf32, #tpu.memory_space<vmem_shared>> -> memref<10240x16xf32, #tpu.memory_space<vmem_shared>>
        tpu.enqueue_indirect_dma source(%arg12 : memref<1024x16xf32, #tpu.memory_space<vmem>>) target(%dma_start3A_176 : memref<10240x16xf32, #tpu.memory_space<vmem_shared>>) offsets(%dma_start3A_173 : memref<1024xi32, #tpu.memory_space<vmem>>) semaphore(%arg24 : memref<!tpu.dma_semaphore, #tpu.memory_space<semaphore_mem>>) {add = true}
        %dma_start3A_177 = arith.constant 0 : i32
        %dma_start3A_178 = tpu.memref_slice %arg11[%add3A_115, %dma_start3A_177] : memref<14x1024xi32, #tpu.memory_space<vmem>> -> memref<1x1024xi32, #tpu.memory_space<vmem>>
        %dma_start3A_179 = tpu.memref_squeeze %dma_start3A_178 : memref<1x1024xi32, #tpu.memory_space<vmem>> -> memref<1024xi32, #tpu.memory_space<vmem>>
        %dma_start3A_180 = arith.constant 0 : i32
        %dma_start3A_181 = tpu.memref_slice %arg19[%dma_start3A_180] : memref<10240xf32, #tpu.memory_space<vmem_shared>> -> memref<10240xf32, #tpu.memory_space<vmem_shared>>
        tpu.enqueue_indirect_dma source(%arg16 : memref<1024xf32, #tpu.memory_space<vmem>>) target(%dma_start3A_181 : memref<10240xf32, #tpu.memory_space<vmem_shared>>) offsets(%dma_start3A_179 : memref<1024xi32, #tpu.memory_space<vmem>>) semaphore(%arg28 : memref<!tpu.dma_semaphore, #tpu.memory_space<semaphore_mem>>) {add = true}
        %ge3A = arith.constant 4 : i32
        %ge3A_182 = arith.cmpi sge, %add3A_115, %ge3A : i32
        %convert_element_type3A_183 = arith.extui %ge3A_182 : i1 to i32
        %cond3A_184 = arith.constant 0 : i32
        %cond3A_185 = arith.cmpi ne, %convert_element_type3A_183, %cond3A_184 : i32
        scf.if %cond3A_185 {
          %dma_wait3A_186 = arith.constant 0 : i32
          %dma_wait3A_187 = tpu.memref_slice %arg11[%add3A_115, %dma_wait3A_186] : memref<14x1024xi32, #tpu.memory_space<vmem>> -> memref<1x1024xi32, #tpu.memory_space<vmem>>
          %dma_wait3A_188 = tpu.memref_squeeze %dma_wait3A_187 : memref<1x1024xi32, #tpu.memory_space<vmem>> -> memref<1024xi32, #tpu.memory_space<vmem>>
          %dma_wait3A_189 = arith.constant 0 : i32
          %dma_wait3A_190 = tpu.memref_slice %arg19[%dma_wait3A_189] : memref<10240xf32, #tpu.memory_space<vmem_shared>> -> memref<10240xf32, #tpu.memory_space<vmem_shared>>
          tpu.wait_indirect_dma semaphore(%arg28 : memref<!tpu.dma_semaphore, #tpu.memory_space<semaphore_mem>>) src(%arg16 : memref<1024xf32, #tpu.memory_space<vmem>>) dst(%dma_wait3A_190 : memref<10240xf32, #tpu.memory_space<vmem_shared>>)
        } else {
        }
      } else {
      }
      %mul3A_123 = arith.constant 4 : i32
      %mul3A_124 = arith.muli %while3A_111, %mul3A_123 : i32
      %add3A_125 = arith.constant 1 : i32
      %add3A_126 = arith.addi %mul3A_124, %add3A_125 : i32
      %add3A_127 = arith.constant 2 : i32
      %add3A_128 = arith.addi %add3A_126, %add3A_127 : i32
      %lt3A_129 = arith.cmpi slt, %add3A_128, %select_n3A_3 : i32
      %convert_element_type3A_130 = arith.extui %lt3A_129 : i1 to i32
      %cond3A_131 = arith.constant 0 : i32
      %cond3A_132 = arith.cmpi ne, %convert_element_type3A_130, %cond3A_131 : i32
      scf.if %cond3A_132 {
        %ge3A = arith.constant 4 : i32
        %ge3A_165 = arith.cmpi sge, %add3A_128, %ge3A : i32
        %convert_element_type3A_166 = arith.extui %ge3A_165 : i1 to i32
        %cond3A_167 = arith.constant 0 : i32
        %cond3A_168 = arith.cmpi ne, %convert_element_type3A_166, %cond3A_167 : i32
        scf.if %cond3A_168 {
          %sub3A_175 = arith.constant 4 : i32
          %sub3A_176 = arith.subi %add3A_128, %sub3A_175 : i32
          %dma_wait3A_177 = arith.constant 0 : i32
          %dma_wait3A_178 = tpu.memref_slice %arg11[%sub3A_176, %dma_wait3A_177] : memref<14x1024xi32, #tpu.memory_space<vmem>> -> memref<1x1024xi32, #tpu.memory_space<vmem>>
          %dma_wait3A_179 = tpu.memref_squeeze %dma_wait3A_178 : memref<1x1024xi32, #tpu.memory_space<vmem>> -> memref<1024xi32, #tpu.memory_space<vmem>>
          %dma_wait3A_180 = arith.constant 0 : i32
          %dma_wait3A_181 = arith.constant 0 : i32
          %dma_wait3A_182 = tpu.memref_slice %arg18[%dma_wait3A_180, %dma_wait3A_181] : memref<10240x16xf32, #tpu.memory_space<vmem_shared>> -> memref<10240x16xf32, #tpu.memory_space<vmem_shared>>
          tpu.wait_indirect_dma semaphore(%arg27 : memref<!tpu.dma_semaphore, #tpu.memory_space<semaphore_mem>>) src(%arg15 : memref<1024x16xf32, #tpu.memory_space<vmem>>) dst(%dma_wait3A_182 : memref<10240x16xf32, #tpu.memory_space<vmem_shared>>)
        } else {
        }
        %dma_start3A_169 = arith.constant 0 : i32
        %dma_start3A_170 = tpu.memref_slice %arg10[%add3A_128, %dma_start3A_169] : memref<14x1024xi32, #tpu.memory_space<vmem>> -> memref<1x1024xi32, #tpu.memory_space<vmem>>
        %dma_start3A_171 = tpu.memref_squeeze %dma_start3A_170 : memref<1x1024xi32, #tpu.memory_space<vmem>> -> memref<1024xi32, #tpu.memory_space<vmem>>
        %dma_start3A_172 = arith.constant 0 : i32
        %dma_start3A_173 = arith.constant 0 : i32
        %dma_start3A_174 = tpu.memref_slice %arg17[%dma_start3A_172, %dma_start3A_173] : memref<10240x16xf32, #tpu.memory_space<vmem_shared>> -> memref<10240x16xf32, #tpu.memory_space<vmem_shared>>
        tpu.enqueue_indirect_dma source(%dma_start3A_174 : memref<10240x16xf32, #tpu.memory_space<vmem_shared>>) target(%arg15 : memref<1024x16xf32, #tpu.memory_space<vmem>>) offsets(%dma_start3A_171 : memref<1024xi32, #tpu.memory_space<vmem>>) semaphore(%arg23 : memref<!tpu.dma_semaphore, #tpu.memory_space<semaphore_mem>>)
      } else {
      }
      %lt3A_133 = arith.cmpi slt, %add3A_126, %select_n3A_3 : i32
      %convert_element_type3A_134 = arith.extui %lt3A_133 : i1 to i32
      %cond3A_135 = arith.constant 0 : i32
      %cond3A_136 = arith.cmpi ne, %convert_element_type3A_134, %cond3A_135 : i32
      scf.if %cond3A_136 {
        %dma_wait3A_165 = arith.constant 0 : i32
        %dma_wait3A_166 = tpu.memref_slice %arg10[%add3A_126, %dma_wait3A_165] : memref<14x1024xi32, #tpu.memory_space<vmem>> -> memref<1x1024xi32, #tpu.memory_space<vmem>>
        %dma_wait3A_167 = tpu.memref_squeeze %dma_wait3A_166 : memref<1x1024xi32, #tpu.memory_space<vmem>> -> memref<1024xi32, #tpu.memory_space<vmem>>
        %dma_wait3A_168 = arith.constant 0 : i32
        %dma_wait3A_169 = arith.constant 0 : i32
        %dma_wait3A_170 = tpu.memref_slice %arg17[%dma_wait3A_168, %dma_wait3A_169] : memref<10240x16xf32, #tpu.memory_space<vmem_shared>> -> memref<10240x16xf32, #tpu.memory_space<vmem_shared>>
        tpu.wait_indirect_dma semaphore(%arg21 : memref<!tpu.dma_semaphore, #tpu.memory_space<semaphore_mem>>) src(%dma_wait3A_170 : memref<10240x16xf32, #tpu.memory_space<vmem_shared>>) dst(%arg13 : memref<1024x16xf32, #tpu.memory_space<vmem>>)
        %dma_start3A_171 = arith.constant 0 : i32
        %dma_start3A_172 = tpu.memref_slice %arg11[%add3A_126, %dma_start3A_171] : memref<14x1024xi32, #tpu.memory_space<vmem>> -> memref<1x1024xi32, #tpu.memory_space<vmem>>
        %dma_start3A_173 = tpu.memref_squeeze %dma_start3A_172 : memref<1x1024xi32, #tpu.memory_space<vmem>> -> memref<1024xi32, #tpu.memory_space<vmem>>
        %dma_start3A_174 = arith.constant 0 : i32
        %dma_start3A_175 = arith.constant 0 : i32
        %dma_start3A_176 = tpu.memref_slice %arg18[%dma_start3A_174, %dma_start3A_175] : memref<10240x16xf32, #tpu.memory_space<vmem_shared>> -> memref<10240x16xf32, #tpu.memory_space<vmem_shared>>
        tpu.enqueue_indirect_dma source(%arg13 : memref<1024x16xf32, #tpu.memory_space<vmem>>) target(%dma_start3A_176 : memref<10240x16xf32, #tpu.memory_space<vmem_shared>>) offsets(%dma_start3A_173 : memref<1024xi32, #tpu.memory_space<vmem>>) semaphore(%arg25 : memref<!tpu.dma_semaphore, #tpu.memory_space<semaphore_mem>>) {add = true}
        %dma_start3A_177 = arith.constant 0 : i32
        %dma_start3A_178 = tpu.memref_slice %arg11[%add3A_126, %dma_start3A_177] : memref<14x1024xi32, #tpu.memory_space<vmem>> -> memref<1x1024xi32, #tpu.memory_space<vmem>>
        %dma_start3A_179 = tpu.memref_squeeze %dma_start3A_178 : memref<1x1024xi32, #tpu.memory_space<vmem>> -> memref<1024xi32, #tpu.memory_space<vmem>>
        %dma_start3A_180 = arith.constant 0 : i32
        %dma_start3A_181 = tpu.memref_slice %arg19[%dma_start3A_180] : memref<10240xf32, #tpu.memory_space<vmem_shared>> -> memref<10240xf32, #tpu.memory_space<vmem_shared>>
        tpu.enqueue_indirect_dma source(%arg16 : memref<1024xf32, #tpu.memory_space<vmem>>) target(%dma_start3A_181 : memref<10240xf32, #tpu.memory_space<vmem_shared>>) offsets(%dma_start3A_179 : memref<1024xi32, #tpu.memory_space<vmem>>) semaphore(%arg28 : memref<!tpu.dma_semaphore, #tpu.memory_space<semaphore_mem>>) {add = true}
        %ge3A = arith.constant 4 : i32
        %ge3A_182 = arith.cmpi sge, %add3A_126, %ge3A : i32
        %convert_element_type3A_183 = arith.extui %ge3A_182 : i1 to i32
        %cond3A_184 = arith.constant 0 : i32
        %cond3A_185 = arith.cmpi ne, %convert_element_type3A_183, %cond3A_184 : i32
        scf.if %cond3A_185 {
          %dma_wait3A_186 = arith.constant 0 : i32
          %dma_wait3A_187 = tpu.memref_slice %arg11[%add3A_126, %dma_wait3A_186] : memref<14x1024xi32, #tpu.memory_space<vmem>> -> memref<1x1024xi32, #tpu.memory_space<vmem>>
          %dma_wait3A_188 = tpu.memref_squeeze %dma_wait3A_187 : memref<1x1024xi32, #tpu.memory_space<vmem>> -> memref<1024xi32, #tpu.memory_space<vmem>>
          %dma_wait3A_189 = arith.constant 0 : i32
          %dma_wait3A_190 = tpu.memref_slice %arg19[%dma_wait3A_189] : memref<10240xf32, #tpu.memory_space<vmem_shared>> -> memref<10240xf32, #tpu.memory_space<vmem_shared>>
          tpu.wait_indirect_dma semaphore(%arg28 : memref<!tpu.dma_semaphore, #tpu.memory_space<semaphore_mem>>) src(%arg16 : memref<1024xf32, #tpu.memory_space<vmem>>) dst(%dma_wait3A_190 : memref<10240xf32, #tpu.memory_space<vmem_shared>>)
        } else {
        }
      } else {
      }
      %mul3A_137 = arith.constant 4 : i32
      %mul3A_138 = arith.muli %while3A_111, %mul3A_137 : i32
      %add3A_139 = arith.constant 2 : i32
      %add3A_140 = arith.addi %mul3A_138, %add3A_139 : i32
      %add3A_141 = arith.constant 2 : i32
      %add3A_142 = arith.addi %add3A_140, %add3A_141 : i32
      %lt3A_143 = arith.cmpi slt, %add3A_142, %select_n3A_3 : i32
      %convert_element_type3A_144 = arith.extui %lt3A_143 : i1 to i32
      %cond3A_145 = arith.constant 0 : i32
      %cond3A_146 = arith.cmpi ne, %convert_element_type3A_144, %cond3A_145 : i32
      scf.if %cond3A_146 {
        %ge3A = arith.constant 4 : i32
        %ge3A_165 = arith.cmpi sge, %add3A_142, %ge3A : i32
        %convert_element_type3A_166 = arith.extui %ge3A_165 : i1 to i32
        %cond3A_167 = arith.constant 0 : i32
        %cond3A_168 = arith.cmpi ne, %convert_element_type3A_166, %cond3A_167 : i32
        scf.if %cond3A_168 {
          %sub3A_175 = arith.constant 4 : i32
          %sub3A_176 = arith.subi %add3A_142, %sub3A_175 : i32
          %dma_wait3A_177 = arith.constant 0 : i32
          %dma_wait3A_178 = tpu.memref_slice %arg11[%sub3A_176, %dma_wait3A_177] : memref<14x1024xi32, #tpu.memory_space<vmem>> -> memref<1x1024xi32, #tpu.memory_space<vmem>>
          %dma_wait3A_179 = tpu.memref_squeeze %dma_wait3A_178 : memref<1x1024xi32, #tpu.memory_space<vmem>> -> memref<1024xi32, #tpu.memory_space<vmem>>
          %dma_wait3A_180 = arith.constant 0 : i32
          %dma_wait3A_181 = arith.constant 0 : i32
          %dma_wait3A_182 = tpu.memref_slice %arg18[%dma_wait3A_180, %dma_wait3A_181] : memref<10240x16xf32, #tpu.memory_space<vmem_shared>> -> memref<10240x16xf32, #tpu.memory_space<vmem_shared>>
          tpu.wait_indirect_dma semaphore(%arg24 : memref<!tpu.dma_semaphore, #tpu.memory_space<semaphore_mem>>) src(%arg12 : memref<1024x16xf32, #tpu.memory_space<vmem>>) dst(%dma_wait3A_182 : memref<10240x16xf32, #tpu.memory_space<vmem_shared>>)
        } else {
        }
        %dma_start3A_169 = arith.constant 0 : i32
        %dma_start3A_170 = tpu.memref_slice %arg10[%add3A_142, %dma_start3A_169] : memref<14x1024xi32, #tpu.memory_space<vmem>> -> memref<1x1024xi32, #tpu.memory_space<vmem>>
        %dma_start3A_171 = tpu.memref_squeeze %dma_start3A_170 : memref<1x1024xi32, #tpu.memory_space<vmem>> -> memref<1024xi32, #tpu.memory_space<vmem>>
        %dma_start3A_172 = arith.constant 0 : i32
        %dma_start3A_173 = arith.constant 0 : i32
        %dma_start3A_174 = tpu.memref_slice %arg17[%dma_start3A_172, %dma_start3A_173] : memref<10240x16xf32, #tpu.memory_space<vmem_shared>> -> memref<10240x16xf32, #tpu.memory_space<vmem_shared>>
        tpu.enqueue_indirect_dma source(%dma_start3A_174 : memref<10240x16xf32, #tpu.memory_space<vmem_shared>>) target(%arg12 : memref<1024x16xf32, #tpu.memory_space<vmem>>) offsets(%dma_start3A_171 : memref<1024xi32, #tpu.memory_space<vmem>>) semaphore(%arg20 : memref<!tpu.dma_semaphore, #tpu.memory_space<semaphore_mem>>)
      } else {
      }
      %lt3A_147 = arith.cmpi slt, %add3A_140, %select_n3A_3 : i32
      %convert_element_type3A_148 = arith.extui %lt3A_147 : i1 to i32
      %cond3A_149 = arith.constant 0 : i32
      %cond3A_150 = arith.cmpi ne, %convert_element_type3A_148, %cond3A_149 : i32
      scf.if %cond3A_150 {
        %dma_wait3A_165 = arith.constant 0 : i32
        %dma_wait3A_166 = tpu.memref_slice %arg10[%add3A_140, %dma_wait3A_165] : memref<14x1024xi32, #tpu.memory_space<vmem>> -> memref<1x1024xi32, #tpu.memory_space<vmem>>
        %dma_wait3A_167 = tpu.memref_squeeze %dma_wait3A_166 : memref<1x1024xi32, #tpu.memory_space<vmem>> -> memref<1024xi32, #tpu.memory_space<vmem>>
        %dma_wait3A_168 = arith.constant 0 : i32
        %dma_wait3A_169 = arith.constant 0 : i32
        %dma_wait3A_170 = tpu.memref_slice %arg17[%dma_wait3A_168, %dma_wait3A_169] : memref<10240x16xf32, #tpu.memory_space<vmem_shared>> -> memref<10240x16xf32, #tpu.memory_space<vmem_shared>>
        tpu.wait_indirect_dma semaphore(%arg22 : memref<!tpu.dma_semaphore, #tpu.memory_space<semaphore_mem>>) src(%dma_wait3A_170 : memref<10240x16xf32, #tpu.memory_space<vmem_shared>>) dst(%arg14 : memref<1024x16xf32, #tpu.memory_space<vmem>>)
        %dma_start3A_171 = arith.constant 0 : i32
        %dma_start3A_172 = tpu.memref_slice %arg11[%add3A_140, %dma_start3A_171] : memref<14x1024xi32, #tpu.memory_space<vmem>> -> memref<1x1024xi32, #tpu.memory_space<vmem>>
        %dma_start3A_173 = tpu.memref_squeeze %dma_start3A_172 : memref<1x1024xi32, #tpu.memory_space<vmem>> -> memref<1024xi32, #tpu.memory_space<vmem>>
        %dma_start3A_174 = arith.constant 0 : i32
        %dma_start3A_175 = arith.constant 0 : i32
        %dma_start3A_176 = tpu.memref_slice %arg18[%dma_start3A_174, %dma_start3A_175] : memref<10240x16xf32, #tpu.memory_space<vmem_shared>> -> memref<10240x16xf32, #tpu.memory_space<vmem_shared>>
        tpu.enqueue_indirect_dma source(%arg14 : memref<1024x16xf32, #tpu.memory_space<vmem>>) target(%dma_start3A_176 : memref<10240x16xf32, #tpu.memory_space<vmem_shared>>) offsets(%dma_start3A_173 : memref<1024xi32, #tpu.memory_space<vmem>>) semaphore(%arg26 : memref<!tpu.dma_semaphore, #tpu.memory_space<semaphore_mem>>) {add = true}
        %dma_start3A_177 = arith.constant 0 : i32
        %dma_start3A_178 = tpu.memref_slice %arg11[%add3A_140, %dma_start3A_177] : memref<14x1024xi32, #tpu.memory_space<vmem>> -> memref<1x1024xi32, #tpu.memory_space<vmem>>
        %dma_start3A_179 = tpu.memref_squeeze %dma_start3A_178 : memref<1x1024xi32, #tpu.memory_space<vmem>> -> memref<1024xi32, #tpu.memory_space<vmem>>
        %dma_start3A_180 = arith.constant 0 : i32
        %dma_start3A_181 = tpu.memref_slice %arg19[%dma_start3A_180] : memref<10240xf32, #tpu.memory_space<vmem_shared>> -> memref<10240xf32, #tpu.memory_space<vmem_shared>>
        tpu.enqueue_indirect_dma source(%arg16 : memref<1024xf32, #tpu.memory_space<vmem>>) target(%dma_start3A_181 : memref<10240xf32, #tpu.memory_space<vmem_shared>>) offsets(%dma_start3A_179 : memref<1024xi32, #tpu.memory_space<vmem>>) semaphore(%arg28 : memref<!tpu.dma_semaphore, #tpu.memory_space<semaphore_mem>>) {add = true}
        %ge3A = arith.constant 4 : i32
        %ge3A_182 = arith.cmpi sge, %add3A_140, %ge3A : i32
        %convert_element_type3A_183 = arith.extui %ge3A_182 : i1 to i32
        %cond3A_184 = arith.constant 0 : i32
        %cond3A_185 = arith.cmpi ne, %convert_element_type3A_183, %cond3A_184 : i32
        scf.if %cond3A_185 {
          %dma_wait3A_186 = arith.constant 0 : i32
          %dma_wait3A_187 = tpu.memref_slice %arg11[%add3A_140, %dma_wait3A_186] : memref<14x1024xi32, #tpu.memory_space<vmem>> -> memref<1x1024xi32, #tpu.memory_space<vmem>>
          %dma_wait3A_188 = tpu.memref_squeeze %dma_wait3A_187 : memref<1x1024xi32, #tpu.memory_space<vmem>> -> memref<1024xi32, #tpu.memory_space<vmem>>
          %dma_wait3A_189 = arith.constant 0 : i32
          %dma_wait3A_190 = tpu.memref_slice %arg19[%dma_wait3A_189] : memref<10240xf32, #tpu.memory_space<vmem_shared>> -> memref<10240xf32, #tpu.memory_space<vmem_shared>>
          tpu.wait_indirect_dma semaphore(%arg28 : memref<!tpu.dma_semaphore, #tpu.memory_space<semaphore_mem>>) src(%arg16 : memref<1024xf32, #tpu.memory_space<vmem>>) dst(%dma_wait3A_190 : memref<10240xf32, #tpu.memory_space<vmem_shared>>)
        } else {
        }
      } else {
      }
      %mul3A_151 = arith.constant 4 : i32
      %mul3A_152 = arith.muli %while3A_111, %mul3A_151 : i32
      %add3A_153 = arith.constant 3 : i32
      %add3A_154 = arith.addi %mul3A_152, %add3A_153 : i32
      %add3A_155 = arith.constant 2 : i32
      %add3A_156 = arith.addi %add3A_154, %add3A_155 : i32
      %lt3A_157 = arith.cmpi slt, %add3A_156, %select_n3A_3 : i32
      %convert_element_type3A_158 = arith.extui %lt3A_157 : i1 to i32
      %cond3A_159 = arith.constant 0 : i32
      %cond3A_160 = arith.cmpi ne, %convert_element_type3A_158, %cond3A_159 : i32
      scf.if %cond3A_160 {
        %ge3A = arith.constant 4 : i32
        %ge3A_165 = arith.cmpi sge, %add3A_156, %ge3A : i32
        %convert_element_type3A_166 = arith.extui %ge3A_165 : i1 to i32
        %cond3A_167 = arith.constant 0 : i32
        %cond3A_168 = arith.cmpi ne, %convert_element_type3A_166, %cond3A_167 : i32
        scf.if %cond3A_168 {
          %sub3A_175 = arith.constant 4 : i32
          %sub3A_176 = arith.subi %add3A_156, %sub3A_175 : i32
          %dma_wait3A_177 = arith.constant 0 : i32
          %dma_wait3A_178 = tpu.memref_slice %arg11[%sub3A_176, %dma_wait3A_177] : memref<14x1024xi32, #tpu.memory_space<vmem>> -> memref<1x1024xi32, #tpu.memory_space<vmem>>
          %dma_wait3A_179 = tpu.memref_squeeze %dma_wait3A_178 : memref<1x1024xi32, #tpu.memory_space<vmem>> -> memref<1024xi32, #tpu.memory_space<vmem>>
          %dma_wait3A_180 = arith.constant 0 : i32
          %dma_wait3A_181 = arith.constant 0 : i32
          %dma_wait3A_182 = tpu.memref_slice %arg18[%dma_wait3A_180, %dma_wait3A_181] : memref<10240x16xf32, #tpu.memory_space<vmem_shared>> -> memref<10240x16xf32, #tpu.memory_space<vmem_shared>>
          tpu.wait_indirect_dma semaphore(%arg25 : memref<!tpu.dma_semaphore, #tpu.memory_space<semaphore_mem>>) src(%arg13 : memref<1024x16xf32, #tpu.memory_space<vmem>>) dst(%dma_wait3A_182 : memref<10240x16xf32, #tpu.memory_space<vmem_shared>>)
        } else {
        }
        %dma_start3A_169 = arith.constant 0 : i32
        %dma_start3A_170 = tpu.memref_slice %arg10[%add3A_156, %dma_start3A_169] : memref<14x1024xi32, #tpu.memory_space<vmem>> -> memref<1x1024xi32, #tpu.memory_space<vmem>>
        %dma_start3A_171 = tpu.memref_squeeze %dma_start3A_170 : memref<1x1024xi32, #tpu.memory_space<vmem>> -> memref<1024xi32, #tpu.memory_space<vmem>>
        %dma_start3A_172 = arith.constant 0 : i32
        %dma_start3A_173 = arith.constant 0 : i32
        %dma_start3A_174 = tpu.memref_slice %arg17[%dma_start3A_172, %dma_start3A_173] : memref<10240x16xf32, #tpu.memory_space<vmem_shared>> -> memref<10240x16xf32, #tpu.memory_space<vmem_shared>>
        tpu.enqueue_indirect_dma source(%dma_start3A_174 : memref<10240x16xf32, #tpu.memory_space<vmem_shared>>) target(%arg13 : memref<1024x16xf32, #tpu.memory_space<vmem>>) offsets(%dma_start3A_171 : memref<1024xi32, #tpu.memory_space<vmem>>) semaphore(%arg21 : memref<!tpu.dma_semaphore, #tpu.memory_space<semaphore_mem>>)
      } else {
      }
      %lt3A_161 = arith.cmpi slt, %add3A_154, %select_n3A_3 : i32
      %convert_element_type3A_162 = arith.extui %lt3A_161 : i1 to i32
      %cond3A_163 = arith.constant 0 : i32
      %cond3A_164 = arith.cmpi ne, %convert_element_type3A_162, %cond3A_163 : i32
      scf.if %cond3A_164 {
        %dma_wait3A_165 = arith.constant 0 : i32
        %dma_wait3A_166 = tpu.memref_slice %arg10[%add3A_154, %dma_wait3A_165] : memref<14x1024xi32, #tpu.memory_space<vmem>> -> memref<1x1024xi32, #tpu.memory_space<vmem>>
        %dma_wait3A_167 = tpu.memref_squeeze %dma_wait3A_166 : memref<1x1024xi32, #tpu.memory_space<vmem>> -> memref<1024xi32, #tpu.memory_space<vmem>>
        %dma_wait3A_168 = arith.constant 0 : i32
        %dma_wait3A_169 = arith.constant 0 : i32
        %dma_wait3A_170 = tpu.memref_slice %arg17[%dma_wait3A_168, %dma_wait3A_169] : memref<10240x16xf32, #tpu.memory_space<vmem_shared>> -> memref<10240x16xf32, #tpu.memory_space<vmem_shared>>
        tpu.wait_indirect_dma semaphore(%arg23 : memref<!tpu.dma_semaphore, #tpu.memory_space<semaphore_mem>>) src(%dma_wait3A_170 : memref<10240x16xf32, #tpu.memory_space<vmem_shared>>) dst(%arg15 : memref<1024x16xf32, #tpu.memory_space<vmem>>)
        %dma_start3A_171 = arith.constant 0 : i32
        %dma_start3A_172 = tpu.memref_slice %arg11[%add3A_154, %dma_start3A_171] : memref<14x1024xi32, #tpu.memory_space<vmem>> -> memref<1x1024xi32, #tpu.memory_space<vmem>>
        %dma_start3A_173 = tpu.memref_squeeze %dma_start3A_172 : memref<1x1024xi32, #tpu.memory_space<vmem>> -> memref<1024xi32, #tpu.memory_space<vmem>>
        %dma_start3A_174 = arith.constant 0 : i32
        %dma_start3A_175 = arith.constant 0 : i32
        %dma_start3A_176 = tpu.memref_slice %arg18[%dma_start3A_174, %dma_start3A_175] : memref<10240x16xf32, #tpu.memory_space<vmem_shared>> -> memref<10240x16xf32, #tpu.memory_space<vmem_shared>>
        tpu.enqueue_indirect_dma source(%arg15 : memref<1024x16xf32, #tpu.memory_space<vmem>>) target(%dma_start3A_176 : memref<10240x16xf32, #tpu.memory_space<vmem_shared>>) offsets(%dma_start3A_173 : memref<1024xi32, #tpu.memory_space<vmem>>) semaphore(%arg27 : memref<!tpu.dma_semaphore, #tpu.memory_space<semaphore_mem>>) {add = true}
        %dma_start3A_177 = arith.constant 0 : i32
        %dma_start3A_178 = tpu.memref_slice %arg11[%add3A_154, %dma_start3A_177] : memref<14x1024xi32, #tpu.memory_space<vmem>> -> memref<1x1024xi32, #tpu.memory_space<vmem>>
        %dma_start3A_179 = tpu.memref_squeeze %dma_start3A_178 : memref<1x1024xi32, #tpu.memory_space<vmem>> -> memref<1024xi32, #tpu.memory_space<vmem>>
        %dma_start3A_180 = arith.constant 0 : i32
        %dma_start3A_181 = tpu.memref_slice %arg19[%dma_start3A_180] : memref<10240xf32, #tpu.memory_space<vmem_shared>> -> memref<10240xf32, #tpu.memory_space<vmem_shared>>
        tpu.enqueue_indirect_dma source(%arg16 : memref<1024xf32, #tpu.memory_space<vmem>>) target(%dma_start3A_181 : memref<10240xf32, #tpu.memory_space<vmem_shared>>) offsets(%dma_start3A_179 : memref<1024xi32, #tpu.memory_space<vmem>>) semaphore(%arg28 : memref<!tpu.dma_semaphore, #tpu.memory_space<semaphore_mem>>) {add = true}
        %ge3A = arith.constant 4 : i32
        %ge3A_182 = arith.cmpi sge, %add3A_154, %ge3A : i32
        %convert_element_type3A_183 = arith.extui %ge3A_182 : i1 to i32
        %cond3A_184 = arith.constant 0 : i32
        %cond3A_185 = arith.cmpi ne, %convert_element_type3A_183, %cond3A_184 : i32
        scf.if %cond3A_185 {
          %dma_wait3A_186 = arith.constant 0 : i32
          %dma_wait3A_187 = tpu.memref_slice %arg11[%add3A_154, %dma_wait3A_186] : memref<14x1024xi32, #tpu.memory_space<vmem>> -> memref<1x1024xi32, #tpu.memory_space<vmem>>
          %dma_wait3A_188 = tpu.memref_squeeze %dma_wait3A_187 : memref<1x1024xi32, #tpu.memory_space<vmem>> -> memref<1024xi32, #tpu.memory_space<vmem>>
          %dma_wait3A_189 = arith.constant 0 : i32
          %dma_wait3A_190 = tpu.memref_slice %arg19[%dma_wait3A_189] : memref<10240xf32, #tpu.memory_space<vmem_shared>> -> memref<10240xf32, #tpu.memory_space<vmem_shared>>
          tpu.wait_indirect_dma semaphore(%arg28 : memref<!tpu.dma_semaphore, #tpu.memory_space<semaphore_mem>>) src(%arg16 : memref<1024xf32, #tpu.memory_space<vmem>>) dst(%dma_wait3A_190 : memref<10240xf32, #tpu.memory_space<vmem_shared>>)
        } else {
        }
      } else {
      }
    }
    %dma_wait3A = arith.constant 0 : i32
    %dma_wait3A_53 = arith.constant 0 : i32
    %dma_wait3A_54 = tpu.memref_slice %arg11[%dma_wait3A, %dma_wait3A_53] : memref<14x1024xi32, #tpu.memory_space<vmem>> -> memref<1x1024xi32, #tpu.memory_space<vmem>>
    %dma_wait3A_55 = tpu.memref_squeeze %dma_wait3A_54 : memref<1x1024xi32, #tpu.memory_space<vmem>> -> memref<1024xi32, #tpu.memory_space<vmem>>
    %dma_wait3A_56 = arith.constant 0 : i32
    %dma_wait3A_57 = arith.constant 0 : i32
    %dma_wait3A_58 = tpu.memref_slice %arg18[%dma_wait3A_56, %dma_wait3A_57] : memref<10240x16xf32, #tpu.memory_space<vmem_shared>> -> memref<10240x16xf32, #tpu.memory_space<vmem_shared>>
    tpu.wait_indirect_dma semaphore(%arg24 : memref<!tpu.dma_semaphore, #tpu.memory_space<semaphore_mem>>) src(%arg12 : memref<1024x16xf32, #tpu.memory_space<vmem>>) dst(%dma_wait3A_58 : memref<10240x16xf32, #tpu.memory_space<vmem_shared>>)
    %dma_wait3A_59 = arith.constant 0 : i32
    %dma_wait3A_60 = arith.constant 0 : i32
    %dma_wait3A_61 = tpu.memref_slice %arg11[%dma_wait3A_59, %dma_wait3A_60] : memref<14x1024xi32, #tpu.memory_space<vmem>> -> memref<1x1024xi32, #tpu.memory_space<vmem>>
    %dma_wait3A_62 = tpu.memref_squeeze %dma_wait3A_61 : memref<1x1024xi32, #tpu.memory_space<vmem>> -> memref<1024xi32, #tpu.memory_space<vmem>>
    %dma_wait3A_63 = arith.constant 0 : i32
    %dma_wait3A_64 = tpu.memref_slice %arg19[%dma_wait3A_63] : memref<10240xf32, #tpu.memory_space<vmem_shared>> -> memref<10240xf32, #tpu.memory_space<vmem_shared>>
    tpu.wait_indirect_dma semaphore(%arg28 : memref<!tpu.dma_semaphore, #tpu.memory_space<semaphore_mem>>) src(%arg16 : memref<1024xf32, #tpu.memory_space<vmem>>) dst(%dma_wait3A_64 : memref<10240xf32, #tpu.memory_space<vmem_shared>>)
    %dma_wait3A_65 = arith.constant 0 : i32
    %dma_wait3A_66 = arith.constant 0 : i32
    %dma_wait3A_67 = tpu.memref_slice %arg11[%dma_wait3A_65, %dma_wait3A_66] : memref<14x1024xi32, #tpu.memory_space<vmem>> -> memref<1x1024xi32, #tpu.memory_space<vmem>>
    %dma_wait3A_68 = tpu.memref_squeeze %dma_wait3A_67 : memref<1x1024xi32, #tpu.memory_space<vmem>> -> memref<1024xi32, #tpu.memory_space<vmem>>
    %dma_wait3A_69 = arith.constant 0 : i32
    %dma_wait3A_70 = arith.constant 0 : i32
    %dma_wait3A_71 = tpu.memref_slice %arg18[%dma_wait3A_69, %dma_wait3A_70] : memref<10240x16xf32, #tpu.memory_space<vmem_shared>> -> memref<10240x16xf32, #tpu.memory_space<vmem_shared>>
    tpu.wait_indirect_dma semaphore(%arg25 : memref<!tpu.dma_semaphore, #tpu.memory_space<semaphore_mem>>) src(%arg13 : memref<1024x16xf32, #tpu.memory_space<vmem>>) dst(%dma_wait3A_71 : memref<10240x16xf32, #tpu.memory_space<vmem_shared>>)
    %dma_wait3A_72 = arith.constant 0 : i32
    %dma_wait3A_73 = arith.constant 0 : i32
    %dma_wait3A_74 = tpu.memref_slice %arg11[%dma_wait3A_72, %dma_wait3A_73] : memref<14x1024xi32, #tpu.memory_space<vmem>> -> memref<1x1024xi32, #tpu.memory_space<vmem>>
    %dma_wait3A_75 = tpu.memref_squeeze %dma_wait3A_74 : memref<1x1024xi32, #tpu.memory_space<vmem>> -> memref<1024xi32, #tpu.memory_space<vmem>>
    %dma_wait3A_76 = arith.constant 0 : i32
    %dma_wait3A_77 = tpu.memref_slice %arg19[%dma_wait3A_76] : memref<10240xf32, #tpu.memory_space<vmem_shared>> -> memref<10240xf32, #tpu.memory_space<vmem_shared>>
    tpu.wait_indirect_dma semaphore(%arg28 : memref<!tpu.dma_semaphore, #tpu.memory_space<semaphore_mem>>) src(%arg16 : memref<1024xf32, #tpu.memory_space<vmem>>) dst(%dma_wait3A_77 : memref<10240xf32, #tpu.memory_space<vmem_shared>>)
    %dma_wait3A_78 = arith.constant 0 : i32
    %dma_wait3A_79 = arith.constant 0 : i32
    %dma_wait3A_80 = tpu.memref_slice %arg11[%dma_wait3A_78, %dma_wait3A_79] : memref<14x1024xi32, #tpu.memory_space<vmem>> -> memref<1x1024xi32, #tpu.memory_space<vmem>>
    %dma_wait3A_81 = tpu.memref_squeeze %dma_wait3A_80 : memref<1x1024xi32, #tpu.memory_space<vmem>> -> memref<1024xi32, #tpu.memory_space<vmem>>
    %dma_wait3A_82 = arith.constant 0 : i32
    %dma_wait3A_83 = arith.constant 0 : i32
    %dma_wait3A_84 = tpu.memref_slice %arg18[%dma_wait3A_82, %dma_wait3A_83] : memref<10240x16xf32, #tpu.memory_space<vmem_shared>> -> memref<10240x16xf32, #tpu.memory_space<vmem_shared>>
    tpu.wait_indirect_dma semaphore(%arg26 : memref<!tpu.dma_semaphore, #tpu.memory_space<semaphore_mem>>) src(%arg14 : memref<1024x16xf32, #tpu.memory_space<vmem>>) dst(%dma_wait3A_84 : memref<10240x16xf32, #tpu.memory_space<vmem_shared>>)
    %dma_wait3A_85 = arith.constant 0 : i32
    %dma_wait3A_86 = arith.constant 0 : i32
    %dma_wait3A_87 = tpu.memref_slice %arg11[%dma_wait3A_85, %dma_wait3A_86] : memref<14x1024xi32, #tpu.memory_space<vmem>> -> memref<1x1024xi32, #tpu.memory_space<vmem>>
    %dma_wait3A_88 = tpu.memref_squeeze %dma_wait3A_87 : memref<1x1024xi32, #tpu.memory_space<vmem>> -> memref<1024xi32, #tpu.memory_space<vmem>>
    %dma_wait3A_89 = arith.constant 0 : i32
    %dma_wait3A_90 = tpu.memref_slice %arg19[%dma_wait3A_89] : memref<10240xf32, #tpu.memory_space<vmem_shared>> -> memref<10240xf32, #tpu.memory_space<vmem_shared>>
    tpu.wait_indirect_dma semaphore(%arg28 : memref<!tpu.dma_semaphore, #tpu.memory_space<semaphore_mem>>) src(%arg16 : memref<1024xf32, #tpu.memory_space<vmem>>) dst(%dma_wait3A_90 : memref<10240xf32, #tpu.memory_space<vmem_shared>>)
    %dma_wait3A_91 = arith.constant 0 : i32
    %dma_wait3A_92 = arith.constant 0 : i32
    %dma_wait3A_93 = tpu.memref_slice %arg11[%dma_wait3A_91, %dma_wait3A_92] : memref<14x1024xi32, #tpu.memory_space<vmem>> -> memref<1x1024xi32, #tpu.memory_space<vmem>>
    %dma_wait3A_94 = tpu.memref_squeeze %dma_wait3A_93 : memref<1x1024xi32, #tpu.memory_space<vmem>> -> memref<1024xi32, #tpu.memory_space<vmem>>
    %dma_wait3A_95 = arith.constant 0 : i32
    %dma_wait3A_96 = arith.constant 0 : i32
    %dma_wait3A_97 = tpu.memref_slice %arg18[%dma_wait3A_95, %dma_wait3A_96] : memref<10240x16xf32, #tpu.memory_space<vmem_shared>> -> memref<10240x16xf32, #tpu.memory_space<vmem_shared>>
    tpu.wait_indirect_dma semaphore(%arg27 : memref<!tpu.dma_semaphore, #tpu.memory_space<semaphore_mem>>) src(%arg15 : memref<1024x16xf32, #tpu.memory_space<vmem>>) dst(%dma_wait3A_97 : memref<10240x16xf32, #tpu.memory_space<vmem_shared>>)
    %dma_wait3A_98 = arith.constant 0 : i32
    %dma_wait3A_99 = arith.constant 0 : i32
    %dma_wait3A_100 = tpu.memref_slice %arg11[%dma_wait3A_98, %dma_wait3A_99] : memref<14x1024xi32, #tpu.memory_space<vmem>> -> memref<1x1024xi32, #tpu.memory_space<vmem>>
    %dma_wait3A_101 = tpu.memref_squeeze %dma_wait3A_100 : memref<1x1024xi32, #tpu.memory_space<vmem>> -> memref<1024xi32, #tpu.memory_space<vmem>>
    %dma_wait3A_102 = arith.constant 0 : i32
    %dma_wait3A_103 = tpu.memref_slice %arg19[%dma_wait3A_102] : memref<10240xf32, #tpu.memory_space<vmem_shared>> -> memref<10240xf32, #tpu.memory_space<vmem_shared>>
    tpu.wait_indirect_dma semaphore(%arg28 : memref<!tpu.dma_semaphore, #tpu.memory_space<semaphore_mem>>) src(%arg16 : memref<1024xf32, #tpu.memory_space<vmem>>) dst(%dma_wait3A_103 : memref<10240xf32, #tpu.memory_space<vmem_shared>>)
    %barrier3A_104 = arith.constant 0 : index
    tpu.barrier barrier_id(%barrier3A_104)
    %mul3A_105 = arith.constant 10240 : i32
    %mul3A_106 = arith.muli %arg0, %mul3A_105 : i32
    %add3A_107 = arith.addi %mul3A_106, %mul3A_0 : i32
    "tpu.region"() ({
      %run_scoped3A = tpu.sem_alloc : memref<!tpu.dma_semaphore, #tpu.memory_space<semaphore_mem>>
      %dma_start3A_111 = arith.constant 0 : i32
      %dma_start3A_112 = tpu.memref_slice %arg8[%add3A_107, %dma_start3A_111] : memref<20480x16xf32, #tpu.memory_space<hbm>> -> memref<640x16xf32, #tpu.memory_space<hbm>>
      %dma_start3A_113 = arith.constant 0 : i32
      %dma_start3A_114 = tpu.memref_slice %arg18[%mul3A_0, %dma_start3A_113] : memref<10240x16xf32, #tpu.memory_space<vmem_shared>> -> memref<640x16xf32, #tpu.memory_space<vmem_shared>>
      tpu.enqueue_dma source(%dma_start3A_114 : memref<640x16xf32, #tpu.memory_space<vmem_shared>>) target(%dma_start3A_112 : memref<640x16xf32, #tpu.memory_space<hbm>>) target_semaphore(%run_scoped3A : memref<!tpu.dma_semaphore, #tpu.memory_space<semaphore_mem>>)
      %dma_wait3A_115 = arith.constant 0 : i32
      %dma_wait3A_116 = tpu.memref_slice %arg8[%add3A_107, %dma_wait3A_115] : memref<20480x16xf32, #tpu.memory_space<hbm>> -> memref<640x16xf32, #tpu.memory_space<hbm>>
      %dma_wait3A_117 = arith.constant 0 : i32
      %dma_wait3A_118 = tpu.memref_slice %arg18[%mul3A_0, %dma_wait3A_117] : memref<10240x16xf32, #tpu.memory_space<vmem_shared>> -> memref<640x16xf32, #tpu.memory_space<vmem_shared>>
      tpu.wait_dma2 semaphore(%run_scoped3A : memref<!tpu.dma_semaphore, #tpu.memory_space<semaphore_mem>>) src(%dma_wait3A_118 : memref<640x16xf32, #tpu.memory_space<vmem_shared>>) dst(%dma_wait3A_116 : memref<640x16xf32, #tpu.memory_space<hbm>>)
      tpu.yield
    }) : () -> ()
    %mul3A_108 = arith.constant 10240 : i32
    %mul3A_109 = arith.muli %arg0, %mul3A_108 : i32
    %add3A_110 = arith.addi %mul3A_109, %mul3A_0 : i32
    "tpu.region"() ({
      %run_scoped3A = tpu.sem_alloc : memref<!tpu.dma_semaphore, #tpu.memory_space<semaphore_mem>>
      %dma_start3A_111 = tpu.memref_slice %arg9[%add3A_110] : memref<20480xf32, #tpu.memory_space<hbm>> -> memref<640xf32, #tpu.memory_space<hbm>>
      %dma_start3A_112 = tpu.memref_slice %arg19[%mul3A_0] : memref<10240xf32, #tpu.memory_space<vmem_shared>> -> memref<640xf32, #tpu.memory_space<vmem_shared>>
      tpu.enqueue_dma source(%dma_start3A_112 : memref<640xf32, #tpu.memory_space<vmem_shared>>) target(%dma_start3A_111 : memref<640xf32, #tpu.memory_space<hbm>>) target_semaphore(%run_scoped3A : memref<!tpu.dma_semaphore, #tpu.memory_space<semaphore_mem>>)
      %dma_wait3A_113 = tpu.memref_slice %arg9[%add3A_110] : memref<20480xf32, #tpu.memory_space<hbm>> -> memref<640xf32, #tpu.memory_space<hbm>>
      %dma_wait3A_114 = tpu.memref_slice %arg19[%mul3A_0] : memref<10240xf32, #tpu.memory_space<vmem_shared>> -> memref<640xf32, #tpu.memory_space<vmem_shared>>
      tpu.wait_dma2 semaphore(%run_scoped3A : memref<!tpu.dma_semaphore, #tpu.memory_space<semaphore_mem>>) src(%dma_wait3A_114 : memref<640xf32, #tpu.memory_space<vmem_shared>>) dst(%dma_wait3A_113 : memref<640xf32, #tpu.memory_space<hbm>>)
      tpu.yield
    }) : () -> ()
    return
  }
}

#map = affine_map<(d0, d1) -> (0, 0)>
#map1 = affine_map<(d0, d1) -> (0)>
module attributes {stable_mosaic.version = 14 : i64} {
  func.func @body(%arg0: i32, %arg1: i32, %arg2: memref<328x1024xi32, #tpu.memory_space<hbm>>, %arg3: memref<328x1024xi32, #tpu.memory_space<hbm>>, %arg4: memref<10240x16xf32, #tpu.memory_space<hbm>>, %arg5: memref<640x16xf32, #tpu.memory_space<hbm>>, %arg6: memref<640xf32, #tpu.memory_space<hbm>>, %arg7: memref<1024xf32, #tpu.memory_space<hbm>>, %arg8: memref<20480x16xf32, #tpu.memory_space<hbm>>, %arg9: memref<14x1024xi32, #tpu.memory_space<vmem>>, %arg10: memref<14x1024xi32, #tpu.memory_space<vmem>>, %arg11: memref<1024x16xf32, #tpu.memory_space<vmem>>, %arg12: memref<1024x16xf32, #tpu.memory_space<vmem>>, %arg13: memref<1024x16xf32, #tpu.memory_space<vmem>>, %arg14: memref<1024x16xf32, #tpu.memory_space<vmem>>, %arg15: memref<10240x16xf32, #tpu.memory_space<vmem_shared>>, %arg16: memref<10240x16xf32, #tpu.memory_space<vmem_shared>>, %arg17: memref<!tpu.dma_semaphore, #tpu.memory_space<semaphore_mem>>, %arg18: memref<!tpu.dma_semaphore, #tpu.memory_space<semaphore_mem>>, %arg19: memref<!tpu.dma_semaphore, #tpu.memory_space<semaphore_mem>>, %arg20: memref<!tpu.dma_semaphore, #tpu.memory_space<semaphore_mem>>, %arg21: memref<!tpu.dma_semaphore, #tpu.memory_space<semaphore_mem>>, %arg22: memref<!tpu.dma_semaphore, #tpu.memory_space<semaphore_mem>>, %arg23: memref<!tpu.dma_semaphore, #tpu.memory_space<semaphore_mem>>, %arg24: memref<!tpu.dma_semaphore, #tpu.memory_space<semaphore_mem>>) attributes {dimension_semantics = [#tpu.dimension_semantics<core_parallel>, #tpu.dimension_semantics<subcore_parallel>], iteration_bounds = array<i64: 2, 16>, scalar_prefetch = 0 : i64, scratch_operands = 16 : i64, tpu.core_type = #tpu.core_type<sc_vector_subcore>, window_params = [{transform_indices = #map}, {transform_indices = #map}, {transform_indices = #map}, {transform_indices = #map}, {transform_indices = #map1}, {transform_indices = #map1}, {transform_indices = #map}]} {
    %mul3A = arith.constant 640 : i32
    %mul3A_0 = arith.muli %arg1, %mul3A : i32
    %eq3A = arith.constant 1 : i32
    %eq3A_1 = arith.cmpi eq, %arg0, %eq3A : i32
    %select_n3A = arith.constant 6 : i32
    %select_n3A_2 = arith.constant 14 : i32
    %select_n3A_3 = arith.select %eq3A_1, %select_n3A_2, %select_n3A : i32
    %mul3A_4 = arith.constant 14 : i32
    %mul3A_5 = arith.muli %arg1, %mul3A_4 : i32
    %mul3A_6 = arith.constant 6 : i32
    %mul3A_7 = arith.muli %arg1, %mul3A_6 : i32
    %add3A = arith.constant 224 : i32
    %add3A_8 = arith.addi %add3A, %mul3A_7 : i32
    %select_n3A_9 = arith.select %eq3A_1, %mul3A_5, %add3A_8 : i32
    "tpu.region"() ({
      %run_scoped3A = tpu.sem_alloc : memref<!tpu.dma_semaphore, #tpu.memory_space<semaphore_mem>>
      %dma_start3A_84 = arith.constant 0 : i32
      %dma_start3A_85 = tpu.memref_slice %arg16[%mul3A_0, %dma_start3A_84] : memref<10240x16xf32, #tpu.memory_space<vmem_shared>> -> memref<640x16xf32, #tpu.memory_space<vmem_shared>>
      tpu.enqueue_dma source(%arg5 : memref<640x16xf32, #tpu.memory_space<hbm>>) target(%dma_start3A_85 : memref<640x16xf32, #tpu.memory_space<vmem_shared>>) target_semaphore(%run_scoped3A : memref<!tpu.dma_semaphore, #tpu.memory_space<semaphore_mem>>)
      %dma_wait3A_86 = arith.constant 0 : i32
      %dma_wait3A_87 = tpu.memref_slice %arg16[%mul3A_0, %dma_wait3A_86] : memref<10240x16xf32, #tpu.memory_space<vmem_shared>> -> memref<640x16xf32, #tpu.memory_space<vmem_shared>>
      tpu.wait_dma2 semaphore(%run_scoped3A : memref<!tpu.dma_semaphore, #tpu.memory_space<semaphore_mem>>) src(%arg5 : memref<640x16xf32, #tpu.memory_space<hbm>>) dst(%dma_wait3A_87 : memref<640x16xf32, #tpu.memory_space<vmem_shared>>)
      tpu.yield
    }) : () -> ()
    "tpu.region"() ({
      %run_scoped3A = tpu.sem_alloc : memref<!tpu.dma_semaphore, #tpu.memory_space<semaphore_mem>>
      %dma_start3A_84 = arith.constant 0 : i32
      %dma_start3A_85 = tpu.memref_slice %arg2[%select_n3A_9, %dma_start3A_84] : memref<328x1024xi32, #tpu.memory_space<hbm>> -> memref<14x1024xi32, #tpu.memory_space<hbm>>
      %dma_start3A_86 = arith.constant 0 : i32
      %dma_start3A_87 = tpu.memref_slice %arg2[%select_n3A_9, %dma_start3A_86] : memref<328x1024xi32, #tpu.memory_space<hbm>> -> memref<14x1024xi32, #tpu.memory_space<hbm>>
      tpu.enqueue_dma source(%dma_start3A_87 : memref<14x1024xi32, #tpu.memory_space<hbm>>) target(%arg9 : memref<14x1024xi32, #tpu.memory_space<vmem>>) target_semaphore(%run_scoped3A : memref<!tpu.dma_semaphore, #tpu.memory_space<semaphore_mem>>)
      %dma_wait3A_88 = arith.constant 0 : i32
      %dma_wait3A_89 = tpu.memref_slice %arg2[%select_n3A_9, %dma_wait3A_88] : memref<328x1024xi32, #tpu.memory_space<hbm>> -> memref<14x1024xi32, #tpu.memory_space<hbm>>
      %dma_wait3A_90 = arith.constant 0 : i32
      %dma_wait3A_91 = tpu.memref_slice %arg2[%select_n3A_9, %dma_wait3A_90] : memref<328x1024xi32, #tpu.memory_space<hbm>> -> memref<14x1024xi32, #tpu.memory_space<hbm>>
      tpu.wait_dma2 semaphore(%run_scoped3A : memref<!tpu.dma_semaphore, #tpu.memory_space<semaphore_mem>>) src(%dma_wait3A_91 : memref<14x1024xi32, #tpu.memory_space<hbm>>) dst(%arg9 : memref<14x1024xi32, #tpu.memory_space<vmem>>)
      tpu.yield
    }) : () -> ()
    "tpu.region"() ({
      %run_scoped3A = tpu.sem_alloc : memref<!tpu.dma_semaphore, #tpu.memory_space<semaphore_mem>>
      %dma_start3A_84 = arith.constant 0 : i32
      %dma_start3A_85 = tpu.memref_slice %arg3[%select_n3A_9, %dma_start3A_84] : memref<328x1024xi32, #tpu.memory_space<hbm>> -> memref<14x1024xi32, #tpu.memory_space<hbm>>
      %dma_start3A_86 = arith.constant 0 : i32
      %dma_start3A_87 = tpu.memref_slice %arg3[%select_n3A_9, %dma_start3A_86] : memref<328x1024xi32, #tpu.memory_space<hbm>> -> memref<14x1024xi32, #tpu.memory_space<hbm>>
      tpu.enqueue_dma source(%dma_start3A_87 : memref<14x1024xi32, #tpu.memory_space<hbm>>) target(%arg10 : memref<14x1024xi32, #tpu.memory_space<vmem>>) target_semaphore(%run_scoped3A : memref<!tpu.dma_semaphore, #tpu.memory_space<semaphore_mem>>)
      %dma_wait3A_88 = arith.constant 0 : i32
      %dma_wait3A_89 = tpu.memref_slice %arg3[%select_n3A_9, %dma_wait3A_88] : memref<328x1024xi32, #tpu.memory_space<hbm>> -> memref<14x1024xi32, #tpu.memory_space<hbm>>
      %dma_wait3A_90 = arith.constant 0 : i32
      %dma_wait3A_91 = tpu.memref_slice %arg3[%select_n3A_9, %dma_wait3A_90] : memref<328x1024xi32, #tpu.memory_space<hbm>> -> memref<14x1024xi32, #tpu.memory_space<hbm>>
      tpu.wait_dma2 semaphore(%run_scoped3A : memref<!tpu.dma_semaphore, #tpu.memory_space<semaphore_mem>>) src(%dma_wait3A_91 : memref<14x1024xi32, #tpu.memory_space<hbm>>) dst(%arg10 : memref<14x1024xi32, #tpu.memory_space<vmem>>)
      tpu.yield
    }) : () -> ()
    "tpu.region"() ({
      %run_scoped3A = tpu.sem_alloc : memref<!tpu.dma_semaphore, #tpu.memory_space<semaphore_mem>>
      %dma_start3A_84 = arith.constant 0 : i32
      %dma_start3A_85 = tpu.memref_slice %arg15[%mul3A_0, %dma_start3A_84] : memref<10240x16xf32, #tpu.memory_space<vmem_shared>> -> memref<640x16xf32, #tpu.memory_space<vmem_shared>>
      %dma_start3A_86 = arith.constant 0 : i32
      %dma_start3A_87 = tpu.memref_slice %arg4[%mul3A_0, %dma_start3A_86] : memref<10240x16xf32, #tpu.memory_space<hbm>> -> memref<640x16xf32, #tpu.memory_space<hbm>>
      tpu.enqueue_dma source(%dma_start3A_87 : memref<640x16xf32, #tpu.memory_space<hbm>>) target(%dma_start3A_85 : memref<640x16xf32, #tpu.memory_space<vmem_shared>>) target_semaphore(%run_scoped3A : memref<!tpu.dma_semaphore, #tpu.memory_space<semaphore_mem>>)
      %dma_wait3A_88 = arith.constant 0 : i32
      %dma_wait3A_89 = tpu.memref_slice %arg15[%mul3A_0, %dma_wait3A_88] : memref<10240x16xf32, #tpu.memory_space<vmem_shared>> -> memref<640x16xf32, #tpu.memory_space<vmem_shared>>
      %dma_wait3A_90 = arith.constant 0 : i32
      %dma_wait3A_91 = tpu.memref_slice %arg4[%mul3A_0, %dma_wait3A_90] : memref<10240x16xf32, #tpu.memory_space<hbm>> -> memref<640x16xf32, #tpu.memory_space<hbm>>
      tpu.wait_dma2 semaphore(%run_scoped3A : memref<!tpu.dma_semaphore, #tpu.memory_space<semaphore_mem>>) src(%dma_wait3A_91 : memref<640x16xf32, #tpu.memory_space<hbm>>) dst(%dma_wait3A_89 : memref<640x16xf32, #tpu.memory_space<vmem_shared>>)
      tpu.yield
    }) : () -> ()
    %barrier3A = arith.constant 0 : index
    tpu.barrier barrier_id(%barrier3A)
    %dma_start3A = arith.constant 0 : i32
    %dma_start3A_10 = arith.constant 0 : i32
    %dma_start3A_11 = tpu.memref_slice %arg9[%dma_start3A, %dma_start3A_10] : memref<14x1024xi32, #tpu.memory_space<vmem>> -> memref<1x1024xi32, #tpu.memory_space<vmem>>
    %dma_start3A_12 = tpu.memref_squeeze %dma_start3A_11 : memref<1x1024xi32, #tpu.memory_space<vmem>> -> memref<1024xi32, #tpu.memory_space<vmem>>
    %dma_start3A_13 = arith.constant 0 : i32
    %dma_start3A_14 = arith.constant 0 : i32
    %dma_start3A_15 = tpu.memref_slice %arg15[%dma_start3A_13, %dma_start3A_14] : memref<10240x16xf32, #tpu.memory_space<vmem_shared>> -> memref<10240x16xf32, #tpu.memory_space<vmem_shared>>
    tpu.enqueue_indirect_dma source(%dma_start3A_15 : memref<10240x16xf32, #tpu.memory_space<vmem_shared>>) target(%arg11 : memref<1024x16xf32, #tpu.memory_space<vmem>>) offsets(%dma_start3A_12 : memref<1024xi32, #tpu.memory_space<vmem>>) semaphore(%arg17 : memref<!tpu.dma_semaphore, #tpu.memory_space<semaphore_mem>>)
    %dma_start3A_16 = arith.constant 1 : i32
    %dma_start3A_17 = arith.constant 0 : i32
    %dma_start3A_18 = tpu.memref_slice %arg9[%dma_start3A_16, %dma_start3A_17] : memref<14x1024xi32, #tpu.memory_space<vmem>> -> memref<1x1024xi32, #tpu.memory_space<vmem>>
    %dma_start3A_19 = tpu.memref_squeeze %dma_start3A_18 : memref<1x1024xi32, #tpu.memory_space<vmem>> -> memref<1024xi32, #tpu.memory_space<vmem>>
    %dma_start3A_20 = arith.constant 0 : i32
    %dma_start3A_21 = arith.constant 0 : i32
    %dma_start3A_22 = tpu.memref_slice %arg15[%dma_start3A_20, %dma_start3A_21] : memref<10240x16xf32, #tpu.memory_space<vmem_shared>> -> memref<10240x16xf32, #tpu.memory_space<vmem_shared>>
    tpu.enqueue_indirect_dma source(%dma_start3A_22 : memref<10240x16xf32, #tpu.memory_space<vmem_shared>>) target(%arg12 : memref<1024x16xf32, #tpu.memory_space<vmem>>) offsets(%dma_start3A_19 : memref<1024xi32, #tpu.memory_space<vmem>>) semaphore(%arg18 : memref<!tpu.dma_semaphore, #tpu.memory_space<semaphore_mem>>)
    %add3A_23 = arith.constant 4 : i32
    %add3A_24 = arith.addi %select_n3A_3, %add3A_23 : i32
    %sub3A = arith.constant 1 : i32
    %sub3A_25 = arith.subi %add3A_24, %sub3A : i32
    %jit3A = arith.constant 4 : i32
    %div3A = arith.divsi %sub3A_25, %jit3A : i32
    %sign3A = arith.constant 0 : i32
    %sign3A_26 = arith.cmpi sgt, %sub3A_25, %sign3A : i32
    %sign3A_27 = arith.extui %sign3A_26 : i1 to i32
    %sign3A_28 = arith.constant 0 : i32
    %sign3A_29 = arith.cmpi slt, %sub3A_25, %sign3A_28 : i32
    %sign3A_30 = arith.extui %sign3A_29 : i1 to i32
    %sign3A_31 = arith.subi %sign3A_27, %sign3A_30 : i32
    %sign3A_32 = arith.constant 0 : i32
    %sign3A_33 = arith.cmpi sgt, %jit3A, %sign3A_32 : i32
    %sign3A_34 = arith.extui %sign3A_33 : i1 to i32
    %sign3A_35 = arith.constant 0 : i32
    %sign3A_36 = arith.cmpi slt, %jit3A, %sign3A_35 : i32
    %sign3A_37 = arith.extui %sign3A_36 : i1 to i32
    %sign3A_38 = arith.subi %sign3A_34, %sign3A_37 : i32
    %ne3A = arith.cmpi ne, %sign3A_31, %sign3A_38 : i32
    %rem3A = arith.remsi %sub3A_25, %jit3A : i32
    %ne3A_39 = arith.constant 0 : i32
    %ne3A_40 = arith.cmpi ne, %rem3A, %ne3A_39 : i32
    %and3A = arith.andi %ne3A, %ne3A_40 : i1
    %sub3A_41 = arith.constant 1 : i32
    %sub3A_42 = arith.subi %div3A, %sub3A_41 : i32
    %select_n3A_43 = arith.select %and3A, %sub3A_42, %div3A : i32
    %while3A = arith.constant 0 : i32
    %while3A_44 = arith.constant 0 : i32
    %while3A_45 = arith.subi %select_n3A_43, %while3A_44 : i32
    %while3A_46 = arith.addi %while3A_44, %while3A_45 : i32
    %while3A_47 = arith.constant 1 : i32
    %while3A_48 = arith.divsi %while3A_45, %while3A_47 : i32
    %while3A_49 = arith.muli %while3A_48, %while3A_47 : i32
    %while3A_50 = arith.addi %while3A_44, %while3A_49 : i32
    %while3A_51 = arith.constant 1 : i32
    scf.for %while3A_84 = %while3A_44 to %while3A_50 step %while3A_51  : i32 {
      %mul3A_85 = arith.constant 4 : i32
      %mul3A_86 = arith.muli %while3A_84, %mul3A_85 : i32
      %add3A_87 = arith.constant 0 : i32
      %add3A_88 = arith.addi %mul3A_86, %add3A_87 : i32
      %add3A_89 = arith.constant 2 : i32
      %add3A_90 = arith.addi %add3A_88, %add3A_89 : i32
      %lt3A = arith.cmpi slt, %add3A_90, %select_n3A_3 : i32
      %convert_element_type3A = arith.extui %lt3A : i1 to i32
      %cond3A = arith.constant 0 : i32
      %cond3A_91 = arith.cmpi ne, %convert_element_type3A, %cond3A : i32
      scf.if %cond3A_91 {
        %ge3A = arith.constant 4 : i32
        %ge3A_138 = arith.cmpi sge, %add3A_90, %ge3A : i32
        %convert_element_type3A_139 = arith.extui %ge3A_138 : i1 to i32
        %cond3A_140 = arith.constant 0 : i32
        %cond3A_141 = arith.cmpi ne, %convert_element_type3A_139, %cond3A_140 : i32
        scf.if %cond3A_141 {
          %sub3A_148 = arith.constant 4 : i32
          %sub3A_149 = arith.subi %add3A_90, %sub3A_148 : i32
          %dma_wait3A_150 = arith.constant 0 : i32
          %dma_wait3A_151 = tpu.memref_slice %arg10[%sub3A_149, %dma_wait3A_150] : memref<14x1024xi32, #tpu.memory_space<vmem>> -> memref<1x1024xi32, #tpu.memory_space<vmem>>
          %dma_wait3A_152 = tpu.memref_squeeze %dma_wait3A_151 : memref<1x1024xi32, #tpu.memory_space<vmem>> -> memref<1024xi32, #tpu.memory_space<vmem>>
          %dma_wait3A_153 = arith.constant 0 : i32
          %dma_wait3A_154 = arith.constant 0 : i32
          %dma_wait3A_155 = tpu.memref_slice %arg16[%dma_wait3A_153, %dma_wait3A_154] : memref<10240x16xf32, #tpu.memory_space<vmem_shared>> -> memref<10240x16xf32, #tpu.memory_space<vmem_shared>>
          tpu.wait_indirect_dma semaphore(%arg23 : memref<!tpu.dma_semaphore, #tpu.memory_space<semaphore_mem>>) src(%arg13 : memref<1024x16xf32, #tpu.memory_space<vmem>>) dst(%dma_wait3A_155 : memref<10240x16xf32, #tpu.memory_space<vmem_shared>>)
        } else {
        }
        %dma_start3A_142 = arith.constant 0 : i32
        %dma_start3A_143 = tpu.memref_slice %arg9[%add3A_90, %dma_start3A_142] : memref<14x1024xi32, #tpu.memory_space<vmem>> -> memref<1x1024xi32, #tpu.memory_space<vmem>>
        %dma_start3A_144 = tpu.memref_squeeze %dma_start3A_143 : memref<1x1024xi32, #tpu.memory_space<vmem>> -> memref<1024xi32, #tpu.memory_space<vmem>>
        %dma_start3A_145 = arith.constant 0 : i32
        %dma_start3A_146 = arith.constant 0 : i32
        %dma_start3A_147 = tpu.memref_slice %arg15[%dma_start3A_145, %dma_start3A_146] : memref<10240x16xf32, #tpu.memory_space<vmem_shared>> -> memref<10240x16xf32, #tpu.memory_space<vmem_shared>>
        tpu.enqueue_indirect_dma source(%dma_start3A_147 : memref<10240x16xf32, #tpu.memory_space<vmem_shared>>) target(%arg13 : memref<1024x16xf32, #tpu.memory_space<vmem>>) offsets(%dma_start3A_144 : memref<1024xi32, #tpu.memory_space<vmem>>) semaphore(%arg19 : memref<!tpu.dma_semaphore, #tpu.memory_space<semaphore_mem>>)
      } else {
      }
      %lt3A_92 = arith.cmpi slt, %add3A_88, %select_n3A_3 : i32
      %convert_element_type3A_93 = arith.extui %lt3A_92 : i1 to i32
      %cond3A_94 = arith.constant 0 : i32
      %cond3A_95 = arith.cmpi ne, %convert_element_type3A_93, %cond3A_94 : i32
      scf.if %cond3A_95 {
        %dma_wait3A_138 = arith.constant 0 : i32
        %dma_wait3A_139 = tpu.memref_slice %arg9[%add3A_88, %dma_wait3A_138] : memref<14x1024xi32, #tpu.memory_space<vmem>> -> memref<1x1024xi32, #tpu.memory_space<vmem>>
        %dma_wait3A_140 = tpu.memref_squeeze %dma_wait3A_139 : memref<1x1024xi32, #tpu.memory_space<vmem>> -> memref<1024xi32, #tpu.memory_space<vmem>>
        %dma_wait3A_141 = arith.constant 0 : i32
        %dma_wait3A_142 = arith.constant 0 : i32
        %dma_wait3A_143 = tpu.memref_slice %arg15[%dma_wait3A_141, %dma_wait3A_142] : memref<10240x16xf32, #tpu.memory_space<vmem_shared>> -> memref<10240x16xf32, #tpu.memory_space<vmem_shared>>
        tpu.wait_indirect_dma semaphore(%arg17 : memref<!tpu.dma_semaphore, #tpu.memory_space<semaphore_mem>>) src(%dma_wait3A_143 : memref<10240x16xf32, #tpu.memory_space<vmem_shared>>) dst(%arg11 : memref<1024x16xf32, #tpu.memory_space<vmem>>)
        %dma_start3A_144 = arith.constant 0 : i32
        %dma_start3A_145 = tpu.memref_slice %arg10[%add3A_88, %dma_start3A_144] : memref<14x1024xi32, #tpu.memory_space<vmem>> -> memref<1x1024xi32, #tpu.memory_space<vmem>>
        %dma_start3A_146 = tpu.memref_squeeze %dma_start3A_145 : memref<1x1024xi32, #tpu.memory_space<vmem>> -> memref<1024xi32, #tpu.memory_space<vmem>>
        %dma_start3A_147 = arith.constant 0 : i32
        %dma_start3A_148 = arith.constant 0 : i32
        %dma_start3A_149 = tpu.memref_slice %arg16[%dma_start3A_147, %dma_start3A_148] : memref<10240x16xf32, #tpu.memory_space<vmem_shared>> -> memref<10240x16xf32, #tpu.memory_space<vmem_shared>>
        tpu.enqueue_indirect_dma source(%arg11 : memref<1024x16xf32, #tpu.memory_space<vmem>>) target(%dma_start3A_149 : memref<10240x16xf32, #tpu.memory_space<vmem_shared>>) offsets(%dma_start3A_146 : memref<1024xi32, #tpu.memory_space<vmem>>) semaphore(%arg21 : memref<!tpu.dma_semaphore, #tpu.memory_space<semaphore_mem>>) {add = true}
      } else {
      }
      %mul3A_96 = arith.constant 4 : i32
      %mul3A_97 = arith.muli %while3A_84, %mul3A_96 : i32
      %add3A_98 = arith.constant 1 : i32
      %add3A_99 = arith.addi %mul3A_97, %add3A_98 : i32
      %add3A_100 = arith.constant 2 : i32
      %add3A_101 = arith.addi %add3A_99, %add3A_100 : i32
      %lt3A_102 = arith.cmpi slt, %add3A_101, %select_n3A_3 : i32
      %convert_element_type3A_103 = arith.extui %lt3A_102 : i1 to i32
      %cond3A_104 = arith.constant 0 : i32
      %cond3A_105 = arith.cmpi ne, %convert_element_type3A_103, %cond3A_104 : i32
      scf.if %cond3A_105 {
        %ge3A = arith.constant 4 : i32
        %ge3A_138 = arith.cmpi sge, %add3A_101, %ge3A : i32
        %convert_element_type3A_139 = arith.extui %ge3A_138 : i1 to i32
        %cond3A_140 = arith.constant 0 : i32
        %cond3A_141 = arith.cmpi ne, %convert_element_type3A_139, %cond3A_140 : i32
        scf.if %cond3A_141 {
          %sub3A_148 = arith.constant 4 : i32
          %sub3A_149 = arith.subi %add3A_101, %sub3A_148 : i32
          %dma_wait3A_150 = arith.constant 0 : i32
          %dma_wait3A_151 = tpu.memref_slice %arg10[%sub3A_149, %dma_wait3A_150] : memref<14x1024xi32, #tpu.memory_space<vmem>> -> memref<1x1024xi32, #tpu.memory_space<vmem>>
          %dma_wait3A_152 = tpu.memref_squeeze %dma_wait3A_151 : memref<1x1024xi32, #tpu.memory_space<vmem>> -> memref<1024xi32, #tpu.memory_space<vmem>>
          %dma_wait3A_153 = arith.constant 0 : i32
          %dma_wait3A_154 = arith.constant 0 : i32
          %dma_wait3A_155 = tpu.memref_slice %arg16[%dma_wait3A_153, %dma_wait3A_154] : memref<10240x16xf32, #tpu.memory_space<vmem_shared>> -> memref<10240x16xf32, #tpu.memory_space<vmem_shared>>
          tpu.wait_indirect_dma semaphore(%arg24 : memref<!tpu.dma_semaphore, #tpu.memory_space<semaphore_mem>>) src(%arg14 : memref<1024x16xf32, #tpu.memory_space<vmem>>) dst(%dma_wait3A_155 : memref<10240x16xf32, #tpu.memory_space<vmem_shared>>)
        } else {
        }
        %dma_start3A_142 = arith.constant 0 : i32
        %dma_start3A_143 = tpu.memref_slice %arg9[%add3A_101, %dma_start3A_142] : memref<14x1024xi32, #tpu.memory_space<vmem>> -> memref<1x1024xi32, #tpu.memory_space<vmem>>
        %dma_start3A_144 = tpu.memref_squeeze %dma_start3A_143 : memref<1x1024xi32, #tpu.memory_space<vmem>> -> memref<1024xi32, #tpu.memory_space<vmem>>
        %dma_start3A_145 = arith.constant 0 : i32
        %dma_start3A_146 = arith.constant 0 : i32
        %dma_start3A_147 = tpu.memref_slice %arg15[%dma_start3A_145, %dma_start3A_146] : memref<10240x16xf32, #tpu.memory_space<vmem_shared>> -> memref<10240x16xf32, #tpu.memory_space<vmem_shared>>
        tpu.enqueue_indirect_dma source(%dma_start3A_147 : memref<10240x16xf32, #tpu.memory_space<vmem_shared>>) target(%arg14 : memref<1024x16xf32, #tpu.memory_space<vmem>>) offsets(%dma_start3A_144 : memref<1024xi32, #tpu.memory_space<vmem>>) semaphore(%arg20 : memref<!tpu.dma_semaphore, #tpu.memory_space<semaphore_mem>>)
      } else {
      }
      %lt3A_106 = arith.cmpi slt, %add3A_99, %select_n3A_3 : i32
      %convert_element_type3A_107 = arith.extui %lt3A_106 : i1 to i32
      %cond3A_108 = arith.constant 0 : i32
      %cond3A_109 = arith.cmpi ne, %convert_element_type3A_107, %cond3A_108 : i32
      scf.if %cond3A_109 {
        %dma_wait3A_138 = arith.constant 0 : i32
        %dma_wait3A_139 = tpu.memref_slice %arg9[%add3A_99, %dma_wait3A_138] : memref<14x1024xi32, #tpu.memory_space<vmem>> -> memref<1x1024xi32, #tpu.memory_space<vmem>>
        %dma_wait3A_140 = tpu.memref_squeeze %dma_wait3A_139 : memref<1x1024xi32, #tpu.memory_space<vmem>> -> memref<1024xi32, #tpu.memory_space<vmem>>
        %dma_wait3A_141 = arith.constant 0 : i32
        %dma_wait3A_142 = arith.constant 0 : i32
        %dma_wait3A_143 = tpu.memref_slice %arg15[%dma_wait3A_141, %dma_wait3A_142] : memref<10240x16xf32, #tpu.memory_space<vmem_shared>> -> memref<10240x16xf32, #tpu.memory_space<vmem_shared>>
        tpu.wait_indirect_dma semaphore(%arg18 : memref<!tpu.dma_semaphore, #tpu.memory_space<semaphore_mem>>) src(%dma_wait3A_143 : memref<10240x16xf32, #tpu.memory_space<vmem_shared>>) dst(%arg12 : memref<1024x16xf32, #tpu.memory_space<vmem>>)
        %dma_start3A_144 = arith.constant 0 : i32
        %dma_start3A_145 = tpu.memref_slice %arg10[%add3A_99, %dma_start3A_144] : memref<14x1024xi32, #tpu.memory_space<vmem>> -> memref<1x1024xi32, #tpu.memory_space<vmem>>
        %dma_start3A_146 = tpu.memref_squeeze %dma_start3A_145 : memref<1x1024xi32, #tpu.memory_space<vmem>> -> memref<1024xi32, #tpu.memory_space<vmem>>
        %dma_start3A_147 = arith.constant 0 : i32
        %dma_start3A_148 = arith.constant 0 : i32
        %dma_start3A_149 = tpu.memref_slice %arg16[%dma_start3A_147, %dma_start3A_148] : memref<10240x16xf32, #tpu.memory_space<vmem_shared>> -> memref<10240x16xf32, #tpu.memory_space<vmem_shared>>
        tpu.enqueue_indirect_dma source(%arg12 : memref<1024x16xf32, #tpu.memory_space<vmem>>) target(%dma_start3A_149 : memref<10240x16xf32, #tpu.memory_space<vmem_shared>>) offsets(%dma_start3A_146 : memref<1024xi32, #tpu.memory_space<vmem>>) semaphore(%arg22 : memref<!tpu.dma_semaphore, #tpu.memory_space<semaphore_mem>>) {add = true}
      } else {
      }
      %mul3A_110 = arith.constant 4 : i32
      %mul3A_111 = arith.muli %while3A_84, %mul3A_110 : i32
      %add3A_112 = arith.constant 2 : i32
      %add3A_113 = arith.addi %mul3A_111, %add3A_112 : i32
      %add3A_114 = arith.constant 2 : i32
      %add3A_115 = arith.addi %add3A_113, %add3A_114 : i32
      %lt3A_116 = arith.cmpi slt, %add3A_115, %select_n3A_3 : i32
      %convert_element_type3A_117 = arith.extui %lt3A_116 : i1 to i32
      %cond3A_118 = arith.constant 0 : i32
      %cond3A_119 = arith.cmpi ne, %convert_element_type3A_117, %cond3A_118 : i32
      scf.if %cond3A_119 {
        %ge3A = arith.constant 4 : i32
        %ge3A_138 = arith.cmpi sge, %add3A_115, %ge3A : i32
        %convert_element_type3A_139 = arith.extui %ge3A_138 : i1 to i32
        %cond3A_140 = arith.constant 0 : i32
        %cond3A_141 = arith.cmpi ne, %convert_element_type3A_139, %cond3A_140 : i32
        scf.if %cond3A_141 {
          %sub3A_148 = arith.constant 4 : i32
          %sub3A_149 = arith.subi %add3A_115, %sub3A_148 : i32
          %dma_wait3A_150 = arith.constant 0 : i32
          %dma_wait3A_151 = tpu.memref_slice %arg10[%sub3A_149, %dma_wait3A_150] : memref<14x1024xi32, #tpu.memory_space<vmem>> -> memref<1x1024xi32, #tpu.memory_space<vmem>>
          %dma_wait3A_152 = tpu.memref_squeeze %dma_wait3A_151 : memref<1x1024xi32, #tpu.memory_space<vmem>> -> memref<1024xi32, #tpu.memory_space<vmem>>
          %dma_wait3A_153 = arith.constant 0 : i32
          %dma_wait3A_154 = arith.constant 0 : i32
          %dma_wait3A_155 = tpu.memref_slice %arg16[%dma_wait3A_153, %dma_wait3A_154] : memref<10240x16xf32, #tpu.memory_space<vmem_shared>> -> memref<10240x16xf32, #tpu.memory_space<vmem_shared>>
          tpu.wait_indirect_dma semaphore(%arg21 : memref<!tpu.dma_semaphore, #tpu.memory_space<semaphore_mem>>) src(%arg11 : memref<1024x16xf32, #tpu.memory_space<vmem>>) dst(%dma_wait3A_155 : memref<10240x16xf32, #tpu.memory_space<vmem_shared>>)
        } else {
        }
        %dma_start3A_142 = arith.constant 0 : i32
        %dma_start3A_143 = tpu.memref_slice %arg9[%add3A_115, %dma_start3A_142] : memref<14x1024xi32, #tpu.memory_space<vmem>> -> memref<1x1024xi32, #tpu.memory_space<vmem>>
        %dma_start3A_144 = tpu.memref_squeeze %dma_start3A_143 : memref<1x1024xi32, #tpu.memory_space<vmem>> -> memref<1024xi32, #tpu.memory_space<vmem>>
        %dma_start3A_145 = arith.constant 0 : i32
        %dma_start3A_146 = arith.constant 0 : i32
        %dma_start3A_147 = tpu.memref_slice %arg15[%dma_start3A_145, %dma_start3A_146] : memref<10240x16xf32, #tpu.memory_space<vmem_shared>> -> memref<10240x16xf32, #tpu.memory_space<vmem_shared>>
        tpu.enqueue_indirect_dma source(%dma_start3A_147 : memref<10240x16xf32, #tpu.memory_space<vmem_shared>>) target(%arg11 : memref<1024x16xf32, #tpu.memory_space<vmem>>) offsets(%dma_start3A_144 : memref<1024xi32, #tpu.memory_space<vmem>>) semaphore(%arg17 : memref<!tpu.dma_semaphore, #tpu.memory_space<semaphore_mem>>)
      } else {
      }
      %lt3A_120 = arith.cmpi slt, %add3A_113, %select_n3A_3 : i32
      %convert_element_type3A_121 = arith.extui %lt3A_120 : i1 to i32
      %cond3A_122 = arith.constant 0 : i32
      %cond3A_123 = arith.cmpi ne, %convert_element_type3A_121, %cond3A_122 : i32
      scf.if %cond3A_123 {
        %dma_wait3A_138 = arith.constant 0 : i32
        %dma_wait3A_139 = tpu.memref_slice %arg9[%add3A_113, %dma_wait3A_138] : memref<14x1024xi32, #tpu.memory_space<vmem>> -> memref<1x1024xi32, #tpu.memory_space<vmem>>
        %dma_wait3A_140 = tpu.memref_squeeze %dma_wait3A_139 : memref<1x1024xi32, #tpu.memory_space<vmem>> -> memref<1024xi32, #tpu.memory_space<vmem>>
        %dma_wait3A_141 = arith.constant 0 : i32
        %dma_wait3A_142 = arith.constant 0 : i32
        %dma_wait3A_143 = tpu.memref_slice %arg15[%dma_wait3A_141, %dma_wait3A_142] : memref<10240x16xf32, #tpu.memory_space<vmem_shared>> -> memref<10240x16xf32, #tpu.memory_space<vmem_shared>>
        tpu.wait_indirect_dma semaphore(%arg19 : memref<!tpu.dma_semaphore, #tpu.memory_space<semaphore_mem>>) src(%dma_wait3A_143 : memref<10240x16xf32, #tpu.memory_space<vmem_shared>>) dst(%arg13 : memref<1024x16xf32, #tpu.memory_space<vmem>>)
        %dma_start3A_144 = arith.constant 0 : i32
        %dma_start3A_145 = tpu.memref_slice %arg10[%add3A_113, %dma_start3A_144] : memref<14x1024xi32, #tpu.memory_space<vmem>> -> memref<1x1024xi32, #tpu.memory_space<vmem>>
        %dma_start3A_146 = tpu.memref_squeeze %dma_start3A_145 : memref<1x1024xi32, #tpu.memory_space<vmem>> -> memref<1024xi32, #tpu.memory_space<vmem>>
        %dma_start3A_147 = arith.constant 0 : i32
        %dma_start3A_148 = arith.constant 0 : i32
        %dma_start3A_149 = tpu.memref_slice %arg16[%dma_start3A_147, %dma_start3A_148] : memref<10240x16xf32, #tpu.memory_space<vmem_shared>> -> memref<10240x16xf32, #tpu.memory_space<vmem_shared>>
        tpu.enqueue_indirect_dma source(%arg13 : memref<1024x16xf32, #tpu.memory_space<vmem>>) target(%dma_start3A_149 : memref<10240x16xf32, #tpu.memory_space<vmem_shared>>) offsets(%dma_start3A_146 : memref<1024xi32, #tpu.memory_space<vmem>>) semaphore(%arg23 : memref<!tpu.dma_semaphore, #tpu.memory_space<semaphore_mem>>) {add = true}
      } else {
      }
      %mul3A_124 = arith.constant 4 : i32
      %mul3A_125 = arith.muli %while3A_84, %mul3A_124 : i32
      %add3A_126 = arith.constant 3 : i32
      %add3A_127 = arith.addi %mul3A_125, %add3A_126 : i32
      %add3A_128 = arith.constant 2 : i32
      %add3A_129 = arith.addi %add3A_127, %add3A_128 : i32
      %lt3A_130 = arith.cmpi slt, %add3A_129, %select_n3A_3 : i32
      %convert_element_type3A_131 = arith.extui %lt3A_130 : i1 to i32
      %cond3A_132 = arith.constant 0 : i32
      %cond3A_133 = arith.cmpi ne, %convert_element_type3A_131, %cond3A_132 : i32
      scf.if %cond3A_133 {
        %ge3A = arith.constant 4 : i32
        %ge3A_138 = arith.cmpi sge, %add3A_129, %ge3A : i32
        %convert_element_type3A_139 = arith.extui %ge3A_138 : i1 to i32
        %cond3A_140 = arith.constant 0 : i32
        %cond3A_141 = arith.cmpi ne, %convert_element_type3A_139, %cond3A_140 : i32
        scf.if %cond3A_141 {
          %sub3A_148 = arith.constant 4 : i32
          %sub3A_149 = arith.subi %add3A_129, %sub3A_148 : i32
          %dma_wait3A_150 = arith.constant 0 : i32
          %dma_wait3A_151 = tpu.memref_slice %arg10[%sub3A_149, %dma_wait3A_150] : memref<14x1024xi32, #tpu.memory_space<vmem>> -> memref<1x1024xi32, #tpu.memory_space<vmem>>
          %dma_wait3A_152 = tpu.memref_squeeze %dma_wait3A_151 : memref<1x1024xi32, #tpu.memory_space<vmem>> -> memref<1024xi32, #tpu.memory_space<vmem>>
          %dma_wait3A_153 = arith.constant 0 : i32
          %dma_wait3A_154 = arith.constant 0 : i32
          %dma_wait3A_155 = tpu.memref_slice %arg16[%dma_wait3A_153, %dma_wait3A_154] : memref<10240x16xf32, #tpu.memory_space<vmem_shared>> -> memref<10240x16xf32, #tpu.memory_space<vmem_shared>>
          tpu.wait_indirect_dma semaphore(%arg22 : memref<!tpu.dma_semaphore, #tpu.memory_space<semaphore_mem>>) src(%arg12 : memref<1024x16xf32, #tpu.memory_space<vmem>>) dst(%dma_wait3A_155 : memref<10240x16xf32, #tpu.memory_space<vmem_shared>>)
        } else {
        }
        %dma_start3A_142 = arith.constant 0 : i32
        %dma_start3A_143 = tpu.memref_slice %arg9[%add3A_129, %dma_start3A_142] : memref<14x1024xi32, #tpu.memory_space<vmem>> -> memref<1x1024xi32, #tpu.memory_space<vmem>>
        %dma_start3A_144 = tpu.memref_squeeze %dma_start3A_143 : memref<1x1024xi32, #tpu.memory_space<vmem>> -> memref<1024xi32, #tpu.memory_space<vmem>>
        %dma_start3A_145 = arith.constant 0 : i32
        %dma_start3A_146 = arith.constant 0 : i32
        %dma_start3A_147 = tpu.memref_slice %arg15[%dma_start3A_145, %dma_start3A_146] : memref<10240x16xf32, #tpu.memory_space<vmem_shared>> -> memref<10240x16xf32, #tpu.memory_space<vmem_shared>>
        tpu.enqueue_indirect_dma source(%dma_start3A_147 : memref<10240x16xf32, #tpu.memory_space<vmem_shared>>) target(%arg12 : memref<1024x16xf32, #tpu.memory_space<vmem>>) offsets(%dma_start3A_144 : memref<1024xi32, #tpu.memory_space<vmem>>) semaphore(%arg18 : memref<!tpu.dma_semaphore, #tpu.memory_space<semaphore_mem>>)
      } else {
      }
      %lt3A_134 = arith.cmpi slt, %add3A_127, %select_n3A_3 : i32
      %convert_element_type3A_135 = arith.extui %lt3A_134 : i1 to i32
      %cond3A_136 = arith.constant 0 : i32
      %cond3A_137 = arith.cmpi ne, %convert_element_type3A_135, %cond3A_136 : i32
      scf.if %cond3A_137 {
        %dma_wait3A_138 = arith.constant 0 : i32
        %dma_wait3A_139 = tpu.memref_slice %arg9[%add3A_127, %dma_wait3A_138] : memref<14x1024xi32, #tpu.memory_space<vmem>> -> memref<1x1024xi32, #tpu.memory_space<vmem>>
        %dma_wait3A_140 = tpu.memref_squeeze %dma_wait3A_139 : memref<1x1024xi32, #tpu.memory_space<vmem>> -> memref<1024xi32, #tpu.memory_space<vmem>>
        %dma_wait3A_141 = arith.constant 0 : i32
        %dma_wait3A_142 = arith.constant 0 : i32
        %dma_wait3A_143 = tpu.memref_slice %arg15[%dma_wait3A_141, %dma_wait3A_142] : memref<10240x16xf32, #tpu.memory_space<vmem_shared>> -> memref<10240x16xf32, #tpu.memory_space<vmem_shared>>
        tpu.wait_indirect_dma semaphore(%arg20 : memref<!tpu.dma_semaphore, #tpu.memory_space<semaphore_mem>>) src(%dma_wait3A_143 : memref<10240x16xf32, #tpu.memory_space<vmem_shared>>) dst(%arg14 : memref<1024x16xf32, #tpu.memory_space<vmem>>)
        %dma_start3A_144 = arith.constant 0 : i32
        %dma_start3A_145 = tpu.memref_slice %arg10[%add3A_127, %dma_start3A_144] : memref<14x1024xi32, #tpu.memory_space<vmem>> -> memref<1x1024xi32, #tpu.memory_space<vmem>>
        %dma_start3A_146 = tpu.memref_squeeze %dma_start3A_145 : memref<1x1024xi32, #tpu.memory_space<vmem>> -> memref<1024xi32, #tpu.memory_space<vmem>>
        %dma_start3A_147 = arith.constant 0 : i32
        %dma_start3A_148 = arith.constant 0 : i32
        %dma_start3A_149 = tpu.memref_slice %arg16[%dma_start3A_147, %dma_start3A_148] : memref<10240x16xf32, #tpu.memory_space<vmem_shared>> -> memref<10240x16xf32, #tpu.memory_space<vmem_shared>>
        tpu.enqueue_indirect_dma source(%arg14 : memref<1024x16xf32, #tpu.memory_space<vmem>>) target(%dma_start3A_149 : memref<10240x16xf32, #tpu.memory_space<vmem_shared>>) offsets(%dma_start3A_146 : memref<1024xi32, #tpu.memory_space<vmem>>) semaphore(%arg24 : memref<!tpu.dma_semaphore, #tpu.memory_space<semaphore_mem>>) {add = true}
      } else {
      }
    }
    %while3A_52 = arith.constant 1 : i32
    scf.for %while3A_84 = %while3A_50 to %while3A_46 step %while3A_52  : i32 {
      %mul3A_85 = arith.constant 4 : i32
      %mul3A_86 = arith.muli %while3A_84, %mul3A_85 : i32
      %add3A_87 = arith.constant 0 : i32
      %add3A_88 = arith.addi %mul3A_86, %add3A_87 : i32
      %add3A_89 = arith.constant 2 : i32
      %add3A_90 = arith.addi %add3A_88, %add3A_89 : i32
      %lt3A = arith.cmpi slt, %add3A_90, %select_n3A_3 : i32
      %convert_element_type3A = arith.extui %lt3A : i1 to i32
      %cond3A = arith.constant 0 : i32
      %cond3A_91 = arith.cmpi ne, %convert_element_type3A, %cond3A : i32
      scf.if %cond3A_91 {
        %ge3A = arith.constant 4 : i32
        %ge3A_138 = arith.cmpi sge, %add3A_90, %ge3A : i32
        %convert_element_type3A_139 = arith.extui %ge3A_138 : i1 to i32
        %cond3A_140 = arith.constant 0 : i32
        %cond3A_141 = arith.cmpi ne, %convert_element_type3A_139, %cond3A_140 : i32
        scf.if %cond3A_141 {
          %sub3A_148 = arith.constant 4 : i32
          %sub3A_149 = arith.subi %add3A_90, %sub3A_148 : i32
          %dma_wait3A_150 = arith.constant 0 : i32
          %dma_wait3A_151 = tpu.memref_slice %arg10[%sub3A_149, %dma_wait3A_150] : memref<14x1024xi32, #tpu.memory_space<vmem>> -> memref<1x1024xi32, #tpu.memory_space<vmem>>
          %dma_wait3A_152 = tpu.memref_squeeze %dma_wait3A_151 : memref<1x1024xi32, #tpu.memory_space<vmem>> -> memref<1024xi32, #tpu.memory_space<vmem>>
          %dma_wait3A_153 = arith.constant 0 : i32
          %dma_wait3A_154 = arith.constant 0 : i32
          %dma_wait3A_155 = tpu.memref_slice %arg16[%dma_wait3A_153, %dma_wait3A_154] : memref<10240x16xf32, #tpu.memory_space<vmem_shared>> -> memref<10240x16xf32, #tpu.memory_space<vmem_shared>>
          tpu.wait_indirect_dma semaphore(%arg23 : memref<!tpu.dma_semaphore, #tpu.memory_space<semaphore_mem>>) src(%arg13 : memref<1024x16xf32, #tpu.memory_space<vmem>>) dst(%dma_wait3A_155 : memref<10240x16xf32, #tpu.memory_space<vmem_shared>>)
        } else {
        }
        %dma_start3A_142 = arith.constant 0 : i32
        %dma_start3A_143 = tpu.memref_slice %arg9[%add3A_90, %dma_start3A_142] : memref<14x1024xi32, #tpu.memory_space<vmem>> -> memref<1x1024xi32, #tpu.memory_space<vmem>>
        %dma_start3A_144 = tpu.memref_squeeze %dma_start3A_143 : memref<1x1024xi32, #tpu.memory_space<vmem>> -> memref<1024xi32, #tpu.memory_space<vmem>>
        %dma_start3A_145 = arith.constant 0 : i32
        %dma_start3A_146 = arith.constant 0 : i32
        %dma_start3A_147 = tpu.memref_slice %arg15[%dma_start3A_145, %dma_start3A_146] : memref<10240x16xf32, #tpu.memory_space<vmem_shared>> -> memref<10240x16xf32, #tpu.memory_space<vmem_shared>>
        tpu.enqueue_indirect_dma source(%dma_start3A_147 : memref<10240x16xf32, #tpu.memory_space<vmem_shared>>) target(%arg13 : memref<1024x16xf32, #tpu.memory_space<vmem>>) offsets(%dma_start3A_144 : memref<1024xi32, #tpu.memory_space<vmem>>) semaphore(%arg19 : memref<!tpu.dma_semaphore, #tpu.memory_space<semaphore_mem>>)
      } else {
      }
      %lt3A_92 = arith.cmpi slt, %add3A_88, %select_n3A_3 : i32
      %convert_element_type3A_93 = arith.extui %lt3A_92 : i1 to i32
      %cond3A_94 = arith.constant 0 : i32
      %cond3A_95 = arith.cmpi ne, %convert_element_type3A_93, %cond3A_94 : i32
      scf.if %cond3A_95 {
        %dma_wait3A_138 = arith.constant 0 : i32
        %dma_wait3A_139 = tpu.memref_slice %arg9[%add3A_88, %dma_wait3A_138] : memref<14x1024xi32, #tpu.memory_space<vmem>> -> memref<1x1024xi32, #tpu.memory_space<vmem>>
        %dma_wait3A_140 = tpu.memref_squeeze %dma_wait3A_139 : memref<1x1024xi32, #tpu.memory_space<vmem>> -> memref<1024xi32, #tpu.memory_space<vmem>>
        %dma_wait3A_141 = arith.constant 0 : i32
        %dma_wait3A_142 = arith.constant 0 : i32
        %dma_wait3A_143 = tpu.memref_slice %arg15[%dma_wait3A_141, %dma_wait3A_142] : memref<10240x16xf32, #tpu.memory_space<vmem_shared>> -> memref<10240x16xf32, #tpu.memory_space<vmem_shared>>
        tpu.wait_indirect_dma semaphore(%arg17 : memref<!tpu.dma_semaphore, #tpu.memory_space<semaphore_mem>>) src(%dma_wait3A_143 : memref<10240x16xf32, #tpu.memory_space<vmem_shared>>) dst(%arg11 : memref<1024x16xf32, #tpu.memory_space<vmem>>)
        %dma_start3A_144 = arith.constant 0 : i32
        %dma_start3A_145 = tpu.memref_slice %arg10[%add3A_88, %dma_start3A_144] : memref<14x1024xi32, #tpu.memory_space<vmem>> -> memref<1x1024xi32, #tpu.memory_space<vmem>>
        %dma_start3A_146 = tpu.memref_squeeze %dma_start3A_145 : memref<1x1024xi32, #tpu.memory_space<vmem>> -> memref<1024xi32, #tpu.memory_space<vmem>>
        %dma_start3A_147 = arith.constant 0 : i32
        %dma_start3A_148 = arith.constant 0 : i32
        %dma_start3A_149 = tpu.memref_slice %arg16[%dma_start3A_147, %dma_start3A_148] : memref<10240x16xf32, #tpu.memory_space<vmem_shared>> -> memref<10240x16xf32, #tpu.memory_space<vmem_shared>>
        tpu.enqueue_indirect_dma source(%arg11 : memref<1024x16xf32, #tpu.memory_space<vmem>>) target(%dma_start3A_149 : memref<10240x16xf32, #tpu.memory_space<vmem_shared>>) offsets(%dma_start3A_146 : memref<1024xi32, #tpu.memory_space<vmem>>) semaphore(%arg21 : memref<!tpu.dma_semaphore, #tpu.memory_space<semaphore_mem>>) {add = true}
      } else {
      }
      %mul3A_96 = arith.constant 4 : i32
      %mul3A_97 = arith.muli %while3A_84, %mul3A_96 : i32
      %add3A_98 = arith.constant 1 : i32
      %add3A_99 = arith.addi %mul3A_97, %add3A_98 : i32
      %add3A_100 = arith.constant 2 : i32
      %add3A_101 = arith.addi %add3A_99, %add3A_100 : i32
      %lt3A_102 = arith.cmpi slt, %add3A_101, %select_n3A_3 : i32
      %convert_element_type3A_103 = arith.extui %lt3A_102 : i1 to i32
      %cond3A_104 = arith.constant 0 : i32
      %cond3A_105 = arith.cmpi ne, %convert_element_type3A_103, %cond3A_104 : i32
      scf.if %cond3A_105 {
        %ge3A = arith.constant 4 : i32
        %ge3A_138 = arith.cmpi sge, %add3A_101, %ge3A : i32
        %convert_element_type3A_139 = arith.extui %ge3A_138 : i1 to i32
        %cond3A_140 = arith.constant 0 : i32
        %cond3A_141 = arith.cmpi ne, %convert_element_type3A_139, %cond3A_140 : i32
        scf.if %cond3A_141 {
          %sub3A_148 = arith.constant 4 : i32
          %sub3A_149 = arith.subi %add3A_101, %sub3A_148 : i32
          %dma_wait3A_150 = arith.constant 0 : i32
          %dma_wait3A_151 = tpu.memref_slice %arg10[%sub3A_149, %dma_wait3A_150] : memref<14x1024xi32, #tpu.memory_space<vmem>> -> memref<1x1024xi32, #tpu.memory_space<vmem>>
          %dma_wait3A_152 = tpu.memref_squeeze %dma_wait3A_151 : memref<1x1024xi32, #tpu.memory_space<vmem>> -> memref<1024xi32, #tpu.memory_space<vmem>>
          %dma_wait3A_153 = arith.constant 0 : i32
          %dma_wait3A_154 = arith.constant 0 : i32
          %dma_wait3A_155 = tpu.memref_slice %arg16[%dma_wait3A_153, %dma_wait3A_154] : memref<10240x16xf32, #tpu.memory_space<vmem_shared>> -> memref<10240x16xf32, #tpu.memory_space<vmem_shared>>
          tpu.wait_indirect_dma semaphore(%arg24 : memref<!tpu.dma_semaphore, #tpu.memory_space<semaphore_mem>>) src(%arg14 : memref<1024x16xf32, #tpu.memory_space<vmem>>) dst(%dma_wait3A_155 : memref<10240x16xf32, #tpu.memory_space<vmem_shared>>)
        } else {
        }
        %dma_start3A_142 = arith.constant 0 : i32
        %dma_start3A_143 = tpu.memref_slice %arg9[%add3A_101, %dma_start3A_142] : memref<14x1024xi32, #tpu.memory_space<vmem>> -> memref<1x1024xi32, #tpu.memory_space<vmem>>
        %dma_start3A_144 = tpu.memref_squeeze %dma_start3A_143 : memref<1x1024xi32, #tpu.memory_space<vmem>> -> memref<1024xi32, #tpu.memory_space<vmem>>
        %dma_start3A_145 = arith.constant 0 : i32
        %dma_start3A_146 = arith.constant 0 : i32
        %dma_start3A_147 = tpu.memref_slice %arg15[%dma_start3A_145, %dma_start3A_146] : memref<10240x16xf32, #tpu.memory_space<vmem_shared>> -> memref<10240x16xf32, #tpu.memory_space<vmem_shared>>
        tpu.enqueue_indirect_dma source(%dma_start3A_147 : memref<10240x16xf32, #tpu.memory_space<vmem_shared>>) target(%arg14 : memref<1024x16xf32, #tpu.memory_space<vmem>>) offsets(%dma_start3A_144 : memref<1024xi32, #tpu.memory_space<vmem>>) semaphore(%arg20 : memref<!tpu.dma_semaphore, #tpu.memory_space<semaphore_mem>>)
      } else {
      }
      %lt3A_106 = arith.cmpi slt, %add3A_99, %select_n3A_3 : i32
      %convert_element_type3A_107 = arith.extui %lt3A_106 : i1 to i32
      %cond3A_108 = arith.constant 0 : i32
      %cond3A_109 = arith.cmpi ne, %convert_element_type3A_107, %cond3A_108 : i32
      scf.if %cond3A_109 {
        %dma_wait3A_138 = arith.constant 0 : i32
        %dma_wait3A_139 = tpu.memref_slice %arg9[%add3A_99, %dma_wait3A_138] : memref<14x1024xi32, #tpu.memory_space<vmem>> -> memref<1x1024xi32, #tpu.memory_space<vmem>>
        %dma_wait3A_140 = tpu.memref_squeeze %dma_wait3A_139 : memref<1x1024xi32, #tpu.memory_space<vmem>> -> memref<1024xi32, #tpu.memory_space<vmem>>
        %dma_wait3A_141 = arith.constant 0 : i32
        %dma_wait3A_142 = arith.constant 0 : i32
        %dma_wait3A_143 = tpu.memref_slice %arg15[%dma_wait3A_141, %dma_wait3A_142] : memref<10240x16xf32, #tpu.memory_space<vmem_shared>> -> memref<10240x16xf32, #tpu.memory_space<vmem_shared>>
        tpu.wait_indirect_dma semaphore(%arg18 : memref<!tpu.dma_semaphore, #tpu.memory_space<semaphore_mem>>) src(%dma_wait3A_143 : memref<10240x16xf32, #tpu.memory_space<vmem_shared>>) dst(%arg12 : memref<1024x16xf32, #tpu.memory_space<vmem>>)
        %dma_start3A_144 = arith.constant 0 : i32
        %dma_start3A_145 = tpu.memref_slice %arg10[%add3A_99, %dma_start3A_144] : memref<14x1024xi32, #tpu.memory_space<vmem>> -> memref<1x1024xi32, #tpu.memory_space<vmem>>
        %dma_start3A_146 = tpu.memref_squeeze %dma_start3A_145 : memref<1x1024xi32, #tpu.memory_space<vmem>> -> memref<1024xi32, #tpu.memory_space<vmem>>
        %dma_start3A_147 = arith.constant 0 : i32
        %dma_start3A_148 = arith.constant 0 : i32
        %dma_start3A_149 = tpu.memref_slice %arg16[%dma_start3A_147, %dma_start3A_148] : memref<10240x16xf32, #tpu.memory_space<vmem_shared>> -> memref<10240x16xf32, #tpu.memory_space<vmem_shared>>
        tpu.enqueue_indirect_dma source(%arg12 : memref<1024x16xf32, #tpu.memory_space<vmem>>) target(%dma_start3A_149 : memref<10240x16xf32, #tpu.memory_space<vmem_shared>>) offsets(%dma_start3A_146 : memref<1024xi32, #tpu.memory_space<vmem>>) semaphore(%arg22 : memref<!tpu.dma_semaphore, #tpu.memory_space<semaphore_mem>>) {add = true}
      } else {
      }
      %mul3A_110 = arith.constant 4 : i32
      %mul3A_111 = arith.muli %while3A_84, %mul3A_110 : i32
      %add3A_112 = arith.constant 2 : i32
      %add3A_113 = arith.addi %mul3A_111, %add3A_112 : i32
      %add3A_114 = arith.constant 2 : i32
      %add3A_115 = arith.addi %add3A_113, %add3A_114 : i32
      %lt3A_116 = arith.cmpi slt, %add3A_115, %select_n3A_3 : i32
      %convert_element_type3A_117 = arith.extui %lt3A_116 : i1 to i32
      %cond3A_118 = arith.constant 0 : i32
      %cond3A_119 = arith.cmpi ne, %convert_element_type3A_117, %cond3A_118 : i32
      scf.if %cond3A_119 {
        %ge3A = arith.constant 4 : i32
        %ge3A_138 = arith.cmpi sge, %add3A_115, %ge3A : i32
        %convert_element_type3A_139 = arith.extui %ge3A_138 : i1 to i32
        %cond3A_140 = arith.constant 0 : i32
        %cond3A_141 = arith.cmpi ne, %convert_element_type3A_139, %cond3A_140 : i32
        scf.if %cond3A_141 {
          %sub3A_148 = arith.constant 4 : i32
          %sub3A_149 = arith.subi %add3A_115, %sub3A_148 : i32
          %dma_wait3A_150 = arith.constant 0 : i32
          %dma_wait3A_151 = tpu.memref_slice %arg10[%sub3A_149, %dma_wait3A_150] : memref<14x1024xi32, #tpu.memory_space<vmem>> -> memref<1x1024xi32, #tpu.memory_space<vmem>>
          %dma_wait3A_152 = tpu.memref_squeeze %dma_wait3A_151 : memref<1x1024xi32, #tpu.memory_space<vmem>> -> memref<1024xi32, #tpu.memory_space<vmem>>
          %dma_wait3A_153 = arith.constant 0 : i32
          %dma_wait3A_154 = arith.constant 0 : i32
          %dma_wait3A_155 = tpu.memref_slice %arg16[%dma_wait3A_153, %dma_wait3A_154] : memref<10240x16xf32, #tpu.memory_space<vmem_shared>> -> memref<10240x16xf32, #tpu.memory_space<vmem_shared>>
          tpu.wait_indirect_dma semaphore(%arg21 : memref<!tpu.dma_semaphore, #tpu.memory_space<semaphore_mem>>) src(%arg11 : memref<1024x16xf32, #tpu.memory_space<vmem>>) dst(%dma_wait3A_155 : memref<10240x16xf32, #tpu.memory_space<vmem_shared>>)
        } else {
        }
        %dma_start3A_142 = arith.constant 0 : i32
        %dma_start3A_143 = tpu.memref_slice %arg9[%add3A_115, %dma_start3A_142] : memref<14x1024xi32, #tpu.memory_space<vmem>> -> memref<1x1024xi32, #tpu.memory_space<vmem>>
        %dma_start3A_144 = tpu.memref_squeeze %dma_start3A_143 : memref<1x1024xi32, #tpu.memory_space<vmem>> -> memref<1024xi32, #tpu.memory_space<vmem>>
        %dma_start3A_145 = arith.constant 0 : i32
        %dma_start3A_146 = arith.constant 0 : i32
        %dma_start3A_147 = tpu.memref_slice %arg15[%dma_start3A_145, %dma_start3A_146] : memref<10240x16xf32, #tpu.memory_space<vmem_shared>> -> memref<10240x16xf32, #tpu.memory_space<vmem_shared>>
        tpu.enqueue_indirect_dma source(%dma_start3A_147 : memref<10240x16xf32, #tpu.memory_space<vmem_shared>>) target(%arg11 : memref<1024x16xf32, #tpu.memory_space<vmem>>) offsets(%dma_start3A_144 : memref<1024xi32, #tpu.memory_space<vmem>>) semaphore(%arg17 : memref<!tpu.dma_semaphore, #tpu.memory_space<semaphore_mem>>)
      } else {
      }
      %lt3A_120 = arith.cmpi slt, %add3A_113, %select_n3A_3 : i32
      %convert_element_type3A_121 = arith.extui %lt3A_120 : i1 to i32
      %cond3A_122 = arith.constant 0 : i32
      %cond3A_123 = arith.cmpi ne, %convert_element_type3A_121, %cond3A_122 : i32
      scf.if %cond3A_123 {
        %dma_wait3A_138 = arith.constant 0 : i32
        %dma_wait3A_139 = tpu.memref_slice %arg9[%add3A_113, %dma_wait3A_138] : memref<14x1024xi32, #tpu.memory_space<vmem>> -> memref<1x1024xi32, #tpu.memory_space<vmem>>
        %dma_wait3A_140 = tpu.memref_squeeze %dma_wait3A_139 : memref<1x1024xi32, #tpu.memory_space<vmem>> -> memref<1024xi32, #tpu.memory_space<vmem>>
        %dma_wait3A_141 = arith.constant 0 : i32
        %dma_wait3A_142 = arith.constant 0 : i32
        %dma_wait3A_143 = tpu.memref_slice %arg15[%dma_wait3A_141, %dma_wait3A_142] : memref<10240x16xf32, #tpu.memory_space<vmem_shared>> -> memref<10240x16xf32, #tpu.memory_space<vmem_shared>>
        tpu.wait_indirect_dma semaphore(%arg19 : memref<!tpu.dma_semaphore, #tpu.memory_space<semaphore_mem>>) src(%dma_wait3A_143 : memref<10240x16xf32, #tpu.memory_space<vmem_shared>>) dst(%arg13 : memref<1024x16xf32, #tpu.memory_space<vmem>>)
        %dma_start3A_144 = arith.constant 0 : i32
        %dma_start3A_145 = tpu.memref_slice %arg10[%add3A_113, %dma_start3A_144] : memref<14x1024xi32, #tpu.memory_space<vmem>> -> memref<1x1024xi32, #tpu.memory_space<vmem>>
        %dma_start3A_146 = tpu.memref_squeeze %dma_start3A_145 : memref<1x1024xi32, #tpu.memory_space<vmem>> -> memref<1024xi32, #tpu.memory_space<vmem>>
        %dma_start3A_147 = arith.constant 0 : i32
        %dma_start3A_148 = arith.constant 0 : i32
        %dma_start3A_149 = tpu.memref_slice %arg16[%dma_start3A_147, %dma_start3A_148] : memref<10240x16xf32, #tpu.memory_space<vmem_shared>> -> memref<10240x16xf32, #tpu.memory_space<vmem_shared>>
        tpu.enqueue_indirect_dma source(%arg13 : memref<1024x16xf32, #tpu.memory_space<vmem>>) target(%dma_start3A_149 : memref<10240x16xf32, #tpu.memory_space<vmem_shared>>) offsets(%dma_start3A_146 : memref<1024xi32, #tpu.memory_space<vmem>>) semaphore(%arg23 : memref<!tpu.dma_semaphore, #tpu.memory_space<semaphore_mem>>) {add = true}
      } else {
      }
      %mul3A_124 = arith.constant 4 : i32
      %mul3A_125 = arith.muli %while3A_84, %mul3A_124 : i32
      %add3A_126 = arith.constant 3 : i32
      %add3A_127 = arith.addi %mul3A_125, %add3A_126 : i32
      %add3A_128 = arith.constant 2 : i32
      %add3A_129 = arith.addi %add3A_127, %add3A_128 : i32
      %lt3A_130 = arith.cmpi slt, %add3A_129, %select_n3A_3 : i32
      %convert_element_type3A_131 = arith.extui %lt3A_130 : i1 to i32
      %cond3A_132 = arith.constant 0 : i32
      %cond3A_133 = arith.cmpi ne, %convert_element_type3A_131, %cond3A_132 : i32
      scf.if %cond3A_133 {
        %ge3A = arith.constant 4 : i32
        %ge3A_138 = arith.cmpi sge, %add3A_129, %ge3A : i32
        %convert_element_type3A_139 = arith.extui %ge3A_138 : i1 to i32
        %cond3A_140 = arith.constant 0 : i32
        %cond3A_141 = arith.cmpi ne, %convert_element_type3A_139, %cond3A_140 : i32
        scf.if %cond3A_141 {
          %sub3A_148 = arith.constant 4 : i32
          %sub3A_149 = arith.subi %add3A_129, %sub3A_148 : i32
          %dma_wait3A_150 = arith.constant 0 : i32
          %dma_wait3A_151 = tpu.memref_slice %arg10[%sub3A_149, %dma_wait3A_150] : memref<14x1024xi32, #tpu.memory_space<vmem>> -> memref<1x1024xi32, #tpu.memory_space<vmem>>
          %dma_wait3A_152 = tpu.memref_squeeze %dma_wait3A_151 : memref<1x1024xi32, #tpu.memory_space<vmem>> -> memref<1024xi32, #tpu.memory_space<vmem>>
          %dma_wait3A_153 = arith.constant 0 : i32
          %dma_wait3A_154 = arith.constant 0 : i32
          %dma_wait3A_155 = tpu.memref_slice %arg16[%dma_wait3A_153, %dma_wait3A_154] : memref<10240x16xf32, #tpu.memory_space<vmem_shared>> -> memref<10240x16xf32, #tpu.memory_space<vmem_shared>>
          tpu.wait_indirect_dma semaphore(%arg22 : memref<!tpu.dma_semaphore, #tpu.memory_space<semaphore_mem>>) src(%arg12 : memref<1024x16xf32, #tpu.memory_space<vmem>>) dst(%dma_wait3A_155 : memref<10240x16xf32, #tpu.memory_space<vmem_shared>>)
        } else {
        }
        %dma_start3A_142 = arith.constant 0 : i32
        %dma_start3A_143 = tpu.memref_slice %arg9[%add3A_129, %dma_start3A_142] : memref<14x1024xi32, #tpu.memory_space<vmem>> -> memref<1x1024xi32, #tpu.memory_space<vmem>>
        %dma_start3A_144 = tpu.memref_squeeze %dma_start3A_143 : memref<1x1024xi32, #tpu.memory_space<vmem>> -> memref<1024xi32, #tpu.memory_space<vmem>>
        %dma_start3A_145 = arith.constant 0 : i32
        %dma_start3A_146 = arith.constant 0 : i32
        %dma_start3A_147 = tpu.memref_slice %arg15[%dma_start3A_145, %dma_start3A_146] : memref<10240x16xf32, #tpu.memory_space<vmem_shared>> -> memref<10240x16xf32, #tpu.memory_space<vmem_shared>>
        tpu.enqueue_indirect_dma source(%dma_start3A_147 : memref<10240x16xf32, #tpu.memory_space<vmem_shared>>) target(%arg12 : memref<1024x16xf32, #tpu.memory_space<vmem>>) offsets(%dma_start3A_144 : memref<1024xi32, #tpu.memory_space<vmem>>) semaphore(%arg18 : memref<!tpu.dma_semaphore, #tpu.memory_space<semaphore_mem>>)
      } else {
      }
      %lt3A_134 = arith.cmpi slt, %add3A_127, %select_n3A_3 : i32
      %convert_element_type3A_135 = arith.extui %lt3A_134 : i1 to i32
      %cond3A_136 = arith.constant 0 : i32
      %cond3A_137 = arith.cmpi ne, %convert_element_type3A_135, %cond3A_136 : i32
      scf.if %cond3A_137 {
        %dma_wait3A_138 = arith.constant 0 : i32
        %dma_wait3A_139 = tpu.memref_slice %arg9[%add3A_127, %dma_wait3A_138] : memref<14x1024xi32, #tpu.memory_space<vmem>> -> memref<1x1024xi32, #tpu.memory_space<vmem>>
        %dma_wait3A_140 = tpu.memref_squeeze %dma_wait3A_139 : memref<1x1024xi32, #tpu.memory_space<vmem>> -> memref<1024xi32, #tpu.memory_space<vmem>>
        %dma_wait3A_141 = arith.constant 0 : i32
        %dma_wait3A_142 = arith.constant 0 : i32
        %dma_wait3A_143 = tpu.memref_slice %arg15[%dma_wait3A_141, %dma_wait3A_142] : memref<10240x16xf32, #tpu.memory_space<vmem_shared>> -> memref<10240x16xf32, #tpu.memory_space<vmem_shared>>
        tpu.wait_indirect_dma semaphore(%arg20 : memref<!tpu.dma_semaphore, #tpu.memory_space<semaphore_mem>>) src(%dma_wait3A_143 : memref<10240x16xf32, #tpu.memory_space<vmem_shared>>) dst(%arg14 : memref<1024x16xf32, #tpu.memory_space<vmem>>)
        %dma_start3A_144 = arith.constant 0 : i32
        %dma_start3A_145 = tpu.memref_slice %arg10[%add3A_127, %dma_start3A_144] : memref<14x1024xi32, #tpu.memory_space<vmem>> -> memref<1x1024xi32, #tpu.memory_space<vmem>>
        %dma_start3A_146 = tpu.memref_squeeze %dma_start3A_145 : memref<1x1024xi32, #tpu.memory_space<vmem>> -> memref<1024xi32, #tpu.memory_space<vmem>>
        %dma_start3A_147 = arith.constant 0 : i32
        %dma_start3A_148 = arith.constant 0 : i32
        %dma_start3A_149 = tpu.memref_slice %arg16[%dma_start3A_147, %dma_start3A_148] : memref<10240x16xf32, #tpu.memory_space<vmem_shared>> -> memref<10240x16xf32, #tpu.memory_space<vmem_shared>>
        tpu.enqueue_indirect_dma source(%arg14 : memref<1024x16xf32, #tpu.memory_space<vmem>>) target(%dma_start3A_149 : memref<10240x16xf32, #tpu.memory_space<vmem_shared>>) offsets(%dma_start3A_146 : memref<1024xi32, #tpu.memory_space<vmem>>) semaphore(%arg24 : memref<!tpu.dma_semaphore, #tpu.memory_space<semaphore_mem>>) {add = true}
      } else {
      }
    }
    %dma_wait3A = arith.constant 0 : i32
    %dma_wait3A_53 = arith.constant 0 : i32
    %dma_wait3A_54 = tpu.memref_slice %arg10[%dma_wait3A, %dma_wait3A_53] : memref<14x1024xi32, #tpu.memory_space<vmem>> -> memref<1x1024xi32, #tpu.memory_space<vmem>>
    %dma_wait3A_55 = tpu.memref_squeeze %dma_wait3A_54 : memref<1x1024xi32, #tpu.memory_space<vmem>> -> memref<1024xi32, #tpu.memory_space<vmem>>
    %dma_wait3A_56 = arith.constant 0 : i32
    %dma_wait3A_57 = arith.constant 0 : i32
    %dma_wait3A_58 = tpu.memref_slice %arg16[%dma_wait3A_56, %dma_wait3A_57] : memref<10240x16xf32, #tpu.memory_space<vmem_shared>> -> memref<10240x16xf32, #tpu.memory_space<vmem_shared>>
    tpu.wait_indirect_dma semaphore(%arg21 : memref<!tpu.dma_semaphore, #tpu.memory_space<semaphore_mem>>) src(%arg11 : memref<1024x16xf32, #tpu.memory_space<vmem>>) dst(%dma_wait3A_58 : memref<10240x16xf32, #tpu.memory_space<vmem_shared>>)
    %dma_wait3A_59 = arith.constant 0 : i32
    %dma_wait3A_60 = arith.constant 0 : i32
    %dma_wait3A_61 = tpu.memref_slice %arg10[%dma_wait3A_59, %dma_wait3A_60] : memref<14x1024xi32, #tpu.memory_space<vmem>> -> memref<1x1024xi32, #tpu.memory_space<vmem>>
    %dma_wait3A_62 = tpu.memref_squeeze %dma_wait3A_61 : memref<1x1024xi32, #tpu.memory_space<vmem>> -> memref<1024xi32, #tpu.memory_space<vmem>>
    %dma_wait3A_63 = arith.constant 0 : i32
    %dma_wait3A_64 = arith.constant 0 : i32
    %dma_wait3A_65 = tpu.memref_slice %arg16[%dma_wait3A_63, %dma_wait3A_64] : memref<10240x16xf32, #tpu.memory_space<vmem_shared>> -> memref<10240x16xf32, #tpu.memory_space<vmem_shared>>
    tpu.wait_indirect_dma semaphore(%arg22 : memref<!tpu.dma_semaphore, #tpu.memory_space<semaphore_mem>>) src(%arg12 : memref<1024x16xf32, #tpu.memory_space<vmem>>) dst(%dma_wait3A_65 : memref<10240x16xf32, #tpu.memory_space<vmem_shared>>)
    %dma_wait3A_66 = arith.constant 0 : i32
    %dma_wait3A_67 = arith.constant 0 : i32
    %dma_wait3A_68 = tpu.memref_slice %arg10[%dma_wait3A_66, %dma_wait3A_67] : memref<14x1024xi32, #tpu.memory_space<vmem>> -> memref<1x1024xi32, #tpu.memory_space<vmem>>
    %dma_wait3A_69 = tpu.memref_squeeze %dma_wait3A_68 : memref<1x1024xi32, #tpu.memory_space<vmem>> -> memref<1024xi32, #tpu.memory_space<vmem>>
    %dma_wait3A_70 = arith.constant 0 : i32
    %dma_wait3A_71 = arith.constant 0 : i32
    %dma_wait3A_72 = tpu.memref_slice %arg16[%dma_wait3A_70, %dma_wait3A_71] : memref<10240x16xf32, #tpu.memory_space<vmem_shared>> -> memref<10240x16xf32, #tpu.memory_space<vmem_shared>>
    tpu.wait_indirect_dma semaphore(%arg23 : memref<!tpu.dma_semaphore, #tpu.memory_space<semaphore_mem>>) src(%arg13 : memref<1024x16xf32, #tpu.memory_space<vmem>>) dst(%dma_wait3A_72 : memref<10240x16xf32, #tpu.memory_space<vmem_shared>>)
    %dma_wait3A_73 = arith.constant 0 : i32
    %dma_wait3A_74 = arith.constant 0 : i32
    %dma_wait3A_75 = tpu.memref_slice %arg10[%dma_wait3A_73, %dma_wait3A_74] : memref<14x1024xi32, #tpu.memory_space<vmem>> -> memref<1x1024xi32, #tpu.memory_space<vmem>>
    %dma_wait3A_76 = tpu.memref_squeeze %dma_wait3A_75 : memref<1x1024xi32, #tpu.memory_space<vmem>> -> memref<1024xi32, #tpu.memory_space<vmem>>
    %dma_wait3A_77 = arith.constant 0 : i32
    %dma_wait3A_78 = arith.constant 0 : i32
    %dma_wait3A_79 = tpu.memref_slice %arg16[%dma_wait3A_77, %dma_wait3A_78] : memref<10240x16xf32, #tpu.memory_space<vmem_shared>> -> memref<10240x16xf32, #tpu.memory_space<vmem_shared>>
    tpu.wait_indirect_dma semaphore(%arg24 : memref<!tpu.dma_semaphore, #tpu.memory_space<semaphore_mem>>) src(%arg14 : memref<1024x16xf32, #tpu.memory_space<vmem>>) dst(%dma_wait3A_79 : memref<10240x16xf32, #tpu.memory_space<vmem_shared>>)
    %barrier3A_80 = arith.constant 0 : index
    tpu.barrier barrier_id(%barrier3A_80)
    %mul3A_81 = arith.constant 10240 : i32
    %mul3A_82 = arith.muli %arg0, %mul3A_81 : i32
    %add3A_83 = arith.addi %mul3A_82, %mul3A_0 : i32
    "tpu.region"() ({
      %run_scoped3A = tpu.sem_alloc : memref<!tpu.dma_semaphore, #tpu.memory_space<semaphore_mem>>
      %dma_start3A_84 = arith.constant 0 : i32
      %dma_start3A_85 = tpu.memref_slice %arg8[%add3A_83, %dma_start3A_84] : memref<20480x16xf32, #tpu.memory_space<hbm>> -> memref<640x16xf32, #tpu.memory_space<hbm>>
      %dma_start3A_86 = arith.constant 0 : i32
      %dma_start3A_87 = tpu.memref_slice %arg16[%mul3A_0, %dma_start3A_86] : memref<10240x16xf32, #tpu.memory_space<vmem_shared>> -> memref<640x16xf32, #tpu.memory_space<vmem_shared>>
      tpu.enqueue_dma source(%dma_start3A_87 : memref<640x16xf32, #tpu.memory_space<vmem_shared>>) target(%dma_start3A_85 : memref<640x16xf32, #tpu.memory_space<hbm>>) target_semaphore(%run_scoped3A : memref<!tpu.dma_semaphore, #tpu.memory_space<semaphore_mem>>)
      %dma_wait3A_88 = arith.constant 0 : i32
      %dma_wait3A_89 = tpu.memref_slice %arg8[%add3A_83, %dma_wait3A_88] : memref<20480x16xf32, #tpu.memory_space<hbm>> -> memref<640x16xf32, #tpu.memory_space<hbm>>
      %dma_wait3A_90 = arith.constant 0 : i32
      %dma_wait3A_91 = tpu.memref_slice %arg16[%mul3A_0, %dma_wait3A_90] : memref<10240x16xf32, #tpu.memory_space<vmem_shared>> -> memref<640x16xf32, #tpu.memory_space<vmem_shared>>
      tpu.wait_dma2 semaphore(%run_scoped3A : memref<!tpu.dma_semaphore, #tpu.memory_space<semaphore_mem>>) src(%dma_wait3A_91 : memref<640x16xf32, #tpu.memory_space<vmem_shared>>) dst(%dma_wait3A_89 : memref<640x16xf32, #tpu.memory_space<hbm>>)
      tpu.yield
    }) : () -> ()
    return
  }
}

module attributes {stable_mosaic.version = 14 : i64} {
  func.func @body(%arg0: memref<10000x128xf32, #tpu.memory_space<vmem>>, %arg1: memref<128x16xf32, #tpu.memory_space<vmem>>, %arg2: memref<128x16xf32, #tpu.memory_space<vmem>>, %arg3: memref<10240x16xf32, #tpu.memory_space<vmem>>, %arg4: memref<10000x16xf32, #tpu.memory_space<vmem>>) attributes {dimension_semantics = [], scalar_prefetch = 0 : i64, scratch_operands = 0 : i64, tpu.core_type = #tpu.core_type<tc>} {
    %get3A = arith.constant 0 : index
    %get3A_0 = arith.constant 0 : index
    %get3A_1 = vector.load %arg0[%get3A, %get3A_0] : memref<10000x128xf32, #tpu.memory_space<vmem>>, vector<10000x128xf32>
    %get3A_2 = arith.constant 0 : index
    %get3A_3 = arith.constant 0 : index
    %get3A_4 = vector.load %arg1[%get3A_2, %get3A_3] : memref<128x16xf32, #tpu.memory_space<vmem>>, vector<128x16xf32>
    %dot_general3A = arith.constant dense<0.000000e+00> : vector<10000x16xf32>
    %dot_general3A_5 = tpu.matmul %get3A_1, %get3A_4, %dot_general3A {dimension_numbers = #tpu.dot_dimension_numbers<[1], [0], [0], [1], [0, 0, 1, 1], [], []>, transpose_lhs_hint = false} : vector<10000x128xf32>, vector<128x16xf32>, vector<10000x16xf32> -> vector<10000x16xf32>
    %swap3A = arith.constant 0 : index
    %swap3A_6 = arith.constant 0 : index
    %swap3A_7 = vector.load %arg3[%swap3A, %swap3A_6] : memref<10240x16xf32, #tpu.memory_space<vmem>>, vector<10000x16xf32>
    tpu.vector_store %arg3[%swap3A, %swap3A_6], %dot_general3A_5 {strides = array<i32>} : memref<10240x16xf32, #tpu.memory_space<vmem>>, vector<10000x16xf32>,
    %broadcast_in_dim3A = arith.constant 0.000000e+00 : f32
    %broadcast_in_dim3A_8 = vector.broadcast %broadcast_in_dim3A : f32 to vector<240x16xf32>
    %swap3A_9 = arith.constant 10000 : index
    %swap3A_10 = arith.constant 0 : index
    %swap3A_11 = vector.load %arg3[%swap3A_9, %swap3A_10] : memref<10240x16xf32, #tpu.memory_space<vmem>>, vector<240x16xf32>
    tpu.vector_store %arg3[%swap3A_9, %swap3A_10], %broadcast_in_dim3A_8 {strides = array<i32>} : memref<10240x16xf32, #tpu.memory_space<vmem>>, vector<240x16xf32>,
    %get3A_12 = arith.constant 0 : index
    %get3A_13 = arith.constant 0 : index
    %get3A_14 = vector.load %arg2[%get3A_12, %get3A_13] : memref<128x16xf32, #tpu.memory_space<vmem>>, vector<128x16xf32>
    %dot_general3A_15 = arith.constant dense<0.000000e+00> : vector<10000x16xf32>
    %dot_general3A_16 = tpu.matmul %get3A_1, %get3A_14, %dot_general3A_15 {dimension_numbers = #tpu.dot_dimension_numbers<[1], [0], [0], [1], [0, 0, 1, 1], [], []>, transpose_lhs_hint = false} : vector<10000x128xf32>, vector<128x16xf32>, vector<10000x16xf32> -> vector<10000x16xf32>
    %swap3A_17 = arith.constant 0 : index
    %swap3A_18 = arith.constant 0 : index
    %swap3A_19 = vector.load %arg4[%swap3A_17, %swap3A_18] : memref<10000x16xf32, #tpu.memory_space<vmem>>, vector<10000x16xf32>
    tpu.vector_store %arg4[%swap3A_17, %swap3A_18], %dot_general3A_16 {strides = array<i32>} : memref<10000x16xf32, #tpu.memory_space<vmem>>, vector<10000x16xf32>,
    return
  }
}

module attributes {stable_mosaic.version = 14 : i64} {
  func.func @body(%arg0: memref<20480x16xf32, #tpu.memory_space<vmem>>, %arg1: memref<20480x1xf32, #tpu.memory_space<vmem>>, %arg2: memref<10000x16xf32, #tpu.memory_space<vmem>>, %arg3: memref<1x16xf32, #tpu.memory_space<vmem>>, %arg4: memref<16x16xf32, #tpu.memory_space<vmem>>, %arg5: memref<16x16xf32, #tpu.memory_space<vmem>>, %arg6: memref<10240x16xf32, #tpu.memory_space<vmem>>, %arg7: memref<10000x16xf32, #tpu.memory_space<vmem>>) attributes {dimension_semantics = [], scalar_prefetch = 0 : i64, scratch_operands = 0 : i64, tpu.core_type = #tpu.core_type<tc>} {
    %get3A = arith.constant 0 : index
    %get3A_0 = arith.constant 0 : index
    %get3A_1 = vector.load %arg0[%get3A, %get3A_0] : memref<20480x16xf32, #tpu.memory_space<vmem>>, vector<10240x16xf32>
    %get3A_2 = arith.constant 10240 : index
    %get3A_3 = arith.constant 0 : index
    %get3A_4 = vector.load %arg0[%get3A_2, %get3A_3] : memref<20480x16xf32, #tpu.memory_space<vmem>>, vector<10240x16xf32>
    %add3A = arith.addf %get3A_1, %get3A_4 : vector<10240x16xf32>
    %get3A_5 = arith.constant 0 : index
    %get3A_6 = arith.constant 0 : index
    %get3A_7 = vector.load %arg1[%get3A_5, %get3A_6] : memref<20480x1xf32, #tpu.memory_space<vmem>>, vector<10240x1xf32>
    %get3A_8 = arith.constant 10240 : index
    %get3A_9 = arith.constant 0 : index
    %get3A_10 = vector.load %arg1[%get3A_8, %get3A_9] : memref<20480x1xf32, #tpu.memory_space<vmem>>, vector<10240x1xf32>
    %add3A_11 = arith.addf %get3A_7, %get3A_10 : vector<10240x1xf32>
    %max3A = arith.constant 1.000000e+00 : f32
    %max3A_12 = vector.broadcast %max3A : f32 to vector<10240x1xf32>
    %max3A_13 = arith.maximumf %add3A_11, %max3A_12 : vector<10240x1xf32>
    %div3A = vector.broadcast %max3A_13 : vector<10240x1xf32> to vector<10240x16xf32>
    %div3A_14 = arith.divf %add3A, %div3A : vector<10240x16xf32>
    %slice3A = vector.extract_strided_slice %div3A_14 {offsets = [0, 0], sizes = [10000, 16], strides = [1, 1]} : vector<10240x16xf32> to vector<10000x16xf32>
    %get3A_15 = arith.constant 0 : index
    %get3A_16 = arith.constant 0 : index
    %get3A_17 = vector.load %arg3[%get3A_15, %get3A_16] : memref<1x16xf32, #tpu.memory_space<vmem>>, vector<1x16xf32>
    %add3A_18 = vector.broadcast %get3A_17 : vector<1x16xf32> to vector<10000x16xf32>
    %add3A_19 = arith.addf %slice3A, %add3A_18 : vector<10000x16xf32>
    %get3A_20 = arith.constant 0 : index
    %get3A_21 = arith.constant 0 : index
    %get3A_22 = vector.load %arg2[%get3A_20, %get3A_21] : memref<10000x16xf32, #tpu.memory_space<vmem>>, vector<10000x16xf32>
    %add3A_23 = arith.addf %add3A_19, %get3A_22 : vector<10000x16xf32>
    %logistic3A = arith.negf %add3A_23 : vector<10000x16xf32>
    %logistic3A_24 = math.exp %logistic3A : vector<10000x16xf32>
    %logistic3A_25 = arith.constant 1.000000e+00 : f32
    %logistic3A_26 = vector.broadcast %logistic3A_25 : f32 to vector<10000x16xf32>
    %logistic3A_27 = arith.addf %logistic3A_26, %logistic3A_24 : vector<10000x16xf32>
    %logistic3A_28 = arith.divf %logistic3A_26, %logistic3A_27 : vector<10000x16xf32>
    %get3A_29 = arith.constant 0 : index
    %get3A_30 = arith.constant 0 : index
    %get3A_31 = vector.load %arg4[%get3A_29, %get3A_30] : memref<16x16xf32, #tpu.memory_space<vmem>>, vector<16x16xf32>
    %dot_general3A = arith.constant dense<0.000000e+00> : vector<10000x16xf32>
    %dot_general3A_32 = tpu.matmul %logistic3A_28, %get3A_31, %dot_general3A {dimension_numbers = #tpu.dot_dimension_numbers<[1], [0], [0], [1], [0, 0, 1, 1], [], []>, transpose_lhs_hint = false} : vector<10000x16xf32>, vector<16x16xf32>, vector<10000x16xf32> -> vector<10000x16xf32>
    %swap3A = arith.constant 0 : index
    %swap3A_33 = arith.constant 0 : index
    %swap3A_34 = vector.load %arg6[%swap3A, %swap3A_33] : memref<10240x16xf32, #tpu.memory_space<vmem>>, vector<10000x16xf32>
    tpu.vector_store %arg6[%swap3A, %swap3A_33], %dot_general3A_32 {strides = array<i32>} : memref<10240x16xf32, #tpu.memory_space<vmem>>, vector<10000x16xf32>,
    %broadcast_in_dim3A = arith.constant 0.000000e+00 : f32
    %broadcast_in_dim3A_35 = vector.broadcast %broadcast_in_dim3A : f32 to vector<240x16xf32>
    %swap3A_36 = arith.constant 10000 : index
    %swap3A_37 = arith.constant 0 : index
    %swap3A_38 = vector.load %arg6[%swap3A_36, %swap3A_37] : memref<10240x16xf32, #tpu.memory_space<vmem>>, vector<240x16xf32>
    tpu.vector_store %arg6[%swap3A_36, %swap3A_37], %broadcast_in_dim3A_35 {strides = array<i32>} : memref<10240x16xf32, #tpu.memory_space<vmem>>, vector<240x16xf32>,
    %get3A_39 = arith.constant 0 : index
    %get3A_40 = arith.constant 0 : index
    %get3A_41 = vector.load %arg5[%get3A_39, %get3A_40] : memref<16x16xf32, #tpu.memory_space<vmem>>, vector<16x16xf32>
    %dot_general3A_42 = arith.constant dense<0.000000e+00> : vector<10000x16xf32>
    %dot_general3A_43 = tpu.matmul %logistic3A_28, %get3A_41, %dot_general3A_42 {dimension_numbers = #tpu.dot_dimension_numbers<[1], [0], [0], [1], [0, 0, 1, 1], [], []>, transpose_lhs_hint = false} : vector<10000x16xf32>, vector<16x16xf32>, vector<10000x16xf32> -> vector<10000x16xf32>
    %swap3A_44 = arith.constant 0 : index
    %swap3A_45 = arith.constant 0 : index
    %swap3A_46 = vector.load %arg7[%swap3A_44, %swap3A_45] : memref<10000x16xf32, #tpu.memory_space<vmem>>, vector<10000x16xf32>
    tpu.vector_store %arg7[%swap3A_44, %swap3A_45], %dot_general3A_43 {strides = array<i32>} : memref<10000x16xf32, #tpu.memory_space<vmem>>, vector<10000x16xf32>,
    return
  }
}

module attributes {stable_mosaic.version = 14 : i64} {
  func.func @body(%arg0: memref<20480x16xf32, #tpu.memory_space<vmem>>, %arg1: memref<20480x1xf32, #tpu.memory_space<vmem>>, %arg2: memref<10000x16xf32, #tpu.memory_space<vmem>>, %arg3: memref<1x16xf32, #tpu.memory_space<vmem>>, %arg4: memref<16x16xf32, #tpu.memory_space<vmem>>, %arg5: memref<1x16xf32, #tpu.memory_space<vmem>>, %arg6: memref<16x16xf32, #tpu.memory_space<vmem>>, %arg7: memref<1x16xf32, #tpu.memory_space<vmem>>, %arg8: memref<10000x16xf32, #tpu.memory_space<vmem>>) attributes {dimension_semantics = [], scalar_prefetch = 0 : i64, scratch_operands = 0 : i64, tpu.core_type = #tpu.core_type<tc>} {
    %get3A = arith.constant 0 : index
    %get3A_0 = arith.constant 0 : index
    %get3A_1 = vector.load %arg0[%get3A, %get3A_0] : memref<20480x16xf32, #tpu.memory_space<vmem>>, vector<10240x16xf32>
    %get3A_2 = arith.constant 10240 : index
    %get3A_3 = arith.constant 0 : index
    %get3A_4 = vector.load %arg0[%get3A_2, %get3A_3] : memref<20480x16xf32, #tpu.memory_space<vmem>>, vector<10240x16xf32>
    %add3A = arith.addf %get3A_1, %get3A_4 : vector<10240x16xf32>
    %get3A_5 = arith.constant 0 : index
    %get3A_6 = arith.constant 0 : index
    %get3A_7 = vector.load %arg1[%get3A_5, %get3A_6] : memref<20480x1xf32, #tpu.memory_space<vmem>>, vector<10240x1xf32>
    %get3A_8 = arith.constant 10240 : index
    %get3A_9 = arith.constant 0 : index
    %get3A_10 = vector.load %arg1[%get3A_8, %get3A_9] : memref<20480x1xf32, #tpu.memory_space<vmem>>, vector<10240x1xf32>
    %add3A_11 = arith.addf %get3A_7, %get3A_10 : vector<10240x1xf32>
    %max3A = arith.constant 1.000000e+00 : f32
    %max3A_12 = vector.broadcast %max3A : f32 to vector<10240x1xf32>
    %max3A_13 = arith.maximumf %add3A_11, %max3A_12 : vector<10240x1xf32>
    %div3A = vector.broadcast %max3A_13 : vector<10240x1xf32> to vector<10240x16xf32>
    %div3A_14 = arith.divf %add3A, %div3A : vector<10240x16xf32>
    %slice3A = vector.extract_strided_slice %div3A_14 {offsets = [0, 0], sizes = [10000, 16], strides = [1, 1]} : vector<10240x16xf32> to vector<10000x16xf32>
    %get3A_15 = arith.constant 0 : index
    %get3A_16 = arith.constant 0 : index
    %get3A_17 = vector.load %arg3[%get3A_15, %get3A_16] : memref<1x16xf32, #tpu.memory_space<vmem>>, vector<1x16xf32>
    %add3A_18 = vector.broadcast %get3A_17 : vector<1x16xf32> to vector<10000x16xf32>
    %add3A_19 = arith.addf %slice3A, %add3A_18 : vector<10000x16xf32>
    %get3A_20 = arith.constant 0 : index
    %get3A_21 = arith.constant 0 : index
    %get3A_22 = vector.load %arg2[%get3A_20, %get3A_21] : memref<10000x16xf32, #tpu.memory_space<vmem>>, vector<10000x16xf32>
    %add3A_23 = arith.addf %add3A_19, %get3A_22 : vector<10000x16xf32>
    %logistic3A = arith.negf %add3A_23 : vector<10000x16xf32>
    %logistic3A_24 = math.exp %logistic3A : vector<10000x16xf32>
    %logistic3A_25 = arith.constant 1.000000e+00 : f32
    %logistic3A_26 = vector.broadcast %logistic3A_25 : f32 to vector<10000x16xf32>
    %logistic3A_27 = arith.addf %logistic3A_26, %logistic3A_24 : vector<10000x16xf32>
    %logistic3A_28 = arith.divf %logistic3A_26, %logistic3A_27 : vector<10000x16xf32>
    %get3A_29 = arith.constant 0 : index
    %get3A_30 = arith.constant 0 : index
    %get3A_31 = vector.load %arg4[%get3A_29, %get3A_30] : memref<16x16xf32, #tpu.memory_space<vmem>>, vector<16x16xf32>
    %dot_general3A = arith.constant dense<0.000000e+00> : vector<10000x16xf32>
    %dot_general3A_32 = tpu.matmul %logistic3A_28, %get3A_31, %dot_general3A {dimension_numbers = #tpu.dot_dimension_numbers<[1], [0], [0], [1], [0, 0, 1, 1], [], []>, transpose_lhs_hint = false} : vector<10000x16xf32>, vector<16x16xf32>, vector<10000x16xf32> -> vector<10000x16xf32>
    %get3A_33 = arith.constant 0 : index
    %get3A_34 = arith.constant 0 : index
    %get3A_35 = vector.load %arg5[%get3A_33, %get3A_34] : memref<1x16xf32, #tpu.memory_space<vmem>>, vector<1x16xf32>
    %add3A_36 = vector.broadcast %get3A_35 : vector<1x16xf32> to vector<10000x16xf32>
    %add3A_37 = arith.addf %dot_general3A_32, %add3A_36 : vector<10000x16xf32>
    %logistic3A_38 = arith.negf %add3A_37 : vector<10000x16xf32>
    %logistic3A_39 = math.exp %logistic3A_38 : vector<10000x16xf32>
    %logistic3A_40 = arith.constant 1.000000e+00 : f32
    %logistic3A_41 = vector.broadcast %logistic3A_40 : f32 to vector<10000x16xf32>
    %logistic3A_42 = arith.addf %logistic3A_41, %logistic3A_39 : vector<10000x16xf32>
    %logistic3A_43 = arith.divf %logistic3A_41, %logistic3A_42 : vector<10000x16xf32>
    %get3A_44 = arith.constant 0 : index
    %get3A_45 = arith.constant 0 : index
    %get3A_46 = vector.load %arg6[%get3A_44, %get3A_45] : memref<16x16xf32, #tpu.memory_space<vmem>>, vector<16x16xf32>
    %dot_general3A_47 = arith.constant dense<0.000000e+00> : vector<10000x16xf32>
    %dot_general3A_48 = tpu.matmul %logistic3A_43, %get3A_46, %dot_general3A_47 {dimension_numbers = #tpu.dot_dimension_numbers<[1], [0], [0], [1], [0, 0, 1, 1], [], []>, transpose_lhs_hint = false} : vector<10000x16xf32>, vector<16x16xf32>, vector<10000x16xf32> -> vector<10000x16xf32>
    %get3A_49 = arith.constant 0 : index
    %get3A_50 = arith.constant 0 : index
    %get3A_51 = vector.load %arg7[%get3A_49, %get3A_50] : memref<1x16xf32, #tpu.memory_space<vmem>>, vector<1x16xf32>
    %add3A_52 = vector.broadcast %get3A_51 : vector<1x16xf32> to vector<10000x16xf32>
    %add3A_53 = arith.addf %dot_general3A_48, %add3A_52 : vector<10000x16xf32>
    %swap3A = arith.constant 0 : index
    %swap3A_54 = arith.constant 0 : index
    %swap3A_55 = vector.load %arg8[%swap3A, %swap3A_54] : memref<10000x16xf32, #tpu.memory_space<vmem>>, vector<10000x16xf32>
    tpu.vector_store %arg8[%swap3A, %swap3A_54], %add3A_53 {strides = array<i32>} : memref<10000x16xf32, #tpu.memory_space<vmem>>, vector<10000x16xf32>,
    return
  }
}

</mosaic_0001>

<sc_bundles>
// kernel: kernel.10.cloned.1.call-start
scs
__scs_entry_jumppad:
0x0: {  	(pc) =	sbr.rel $0x88, $3  }
0x1: {  	(tag) =	ssettag $0x0;
	lr =	simm.s32 $0x1  }
0x2: {  	[smem:$0x3F95] =	sst lr;
	_ =	strace $0xD0000000  }
0x3: {  	_ = 	snop  }
0x4: {  	_ = 	snop  }
0x5: {  	_ = 	snop  }
0x6: {  	_ = 	snop  }
0x7: {  	_ = 	snop  }
__scs_overlays_trampoline_lowered:
0x8: {  	[smem:$0x3FA4] =	sst s0  }
0x9: {  	[smem:$0x3FA5] =	sst s1  }
0xa: {  	[smem:$0x3FA6] =	sst s2  }
0xb: {  	[smem:$0x3FA7] =	sst s3  }
0xc: {  	[smem:$0x3FA8] =	sst s4  }
0xd: {  	[smem:$0x3FA9] =	sst s5  }
0xe: {  	[smem:$0x3FAA] =	sst s6  }
0xf: {  	[smem:$0x3FAB] =	sst s7  }
0x10: {  	[smem:$0x3FAC] =	sst s8  }
0x11: {  	[smem:$0x3FAD] =	sst s9;
	s0 =	simm.s32 @!p0 $0x0  }
0x12: {  	s1 =	sld [smem:$0x3F93];
	s0 =	simm.s32 @p0 $0x1  }
0x13: {  	[smem:$0x3FAE] =	sst s0;
	s0 =	simm.s32 @!p1 $0x0  }
0x14: {  	s2 =	sld [smem:$0x3F92];
	s0 =	simm.s32 @p1 $0x1  }
0x15: {  	[smem:$0x3FAF] =	sst s0;
	s0 =	simm.s32 @!p2 $0x0  }
0x16: {  	s3 =	sld [smem:$0x3FDB];
	s0 =	simm.s32 @p2 $0x1  }
0x17: {  	s4 =	simm.s32 $0x1BF5;
	[smem:$0x3FB1] =	sst s0  }
0x18: {  	s0 =	sld [smem:$0x3F94];
	_ =	swait.ge [sflag:s4], $0x0  }
0x19: {  	s7 =	sld [smem:$0x3F95]  }
0x1a: {  	s8 =	sadd.s32 $0xFFFFE003, lr  }
0x1b: {  	s9 =	sadd.s32 $0xFFFFFEF7, lr;
	s5 =	simm.s32 $0xFFFFFFFF;
	p2 =	slt.u32 s8, $0xFFFFF086  }
0x1c: {  	p1 =	slt.u32 s9, $0xF7A;
	s5 =	simm.s32 @!p2 $0x0  }
0x1d: {  	s5 =	simm.s32 @p1 $0x1;
	p0 =	seq.s32 s7, s2  }
0x1e: {  	s7 =	smul.u32 @!p0 $0xF7A, s2;
	p2 =	seq.s32 @!p0 s5, $0x0  }
0x1f: {  	s9 =	smul.u32 $0xF7A, s1;
	s8 =	simm.s32 @!p0 $0x1BF5;
	p2 =	por !p2, p0  }
0x20: {  	[sflag:s8] =	ssyncset.s32 @!p0 $0xFFFFF086;
	s6 =	sadd.s32 @!p0 s3, s7;
	s7 =	simm.s32 @!p0 $0x108  }
0x21: {  	s3 =	sadd.s32 s3, s9;
	s6 =	sadd.s32 @!p0 $0x88, s6;
	s7 =	simm.s32 @p2 $0x1082  }
0x22: {  	[simem:s7], [sflag:s8] =	dma.local @!p0 [hbm:s6], $0xF7A  }
0x23: {  	s9 =	sor.u32 $0xD0000000, s2;
	s6 =	simm.s32 $0x108;
	_ =	swait.ge @!p0 [sflag:s8], $0x0  }
0x24: {  	s3 =	sadd.s32 $0x88, s3;
	s6 =	simm.s32 @!p1 $0x1082;
	[sflag:s4] =	ssyncset.s32 $0xFFFFF086  }
0x25: {  	[simem:s6], [sflag:s4] =	dma.local [hbm:s3], $0xF7A  }
0x26: {  	[smem:$0x3F95] =	sst s1;
	(tag) =	ssettag s2;
	_ =	strace s9  }
0x27: {  	s1 =	sld [smem:$0x3FA5]  }
0x28: {  	s2 =	sld [smem:$0x3FA6]  }
0x29: {  	s4 =	sld [smem:$0x3FA8]  }
0x2a: {  	p0 =	seq.s32 s5, $0x0;
	s5 =	sld [smem:$0x3FA9]  }
0x2b: {  	s6 =	sld [smem:$0x3FAA]  }
0x2c: {  	s7 =	sld [smem:$0x3FAB]  }
0x2d: {  	s3 =	simm.s32 $0x108;
	s8 =	sld [smem:$0x3FAC]  }
0x2e: {  	s3 =	simm.s32 @!p0 $0x1082;
	s9 =	sld [smem:$0x3FAD]  }
0x2f: {  	lr =	sadd.s32 s0, s3;
	s0 =	sld [smem:$0x3FA4]  }
0x30: {  	s3 =	sld [smem:$0x3FA7]  }
0x31: {  	[smem:$0x3FB0] =	sst s10  }
0x32: {  	s10 =	sld [smem:$0x3FAE];
	_ =	sdelay $0x3  }
0x33: {  	p0 =	seq.s32 s10, $0x1;
	s10 =	sld [smem:$0x3FB0];
	_ =	sdelay $0x3  }
0x34: {  	[smem:$0x3FB0] =	sst s10  }
0x35: {  	s10 =	sld [smem:$0x3FAF];
	_ =	sdelay $0x3  }
0x36: {  	p1 =	seq.s32 s10, $0x1;
	s10 =	sld [smem:$0x3FB0];
	_ =	sdelay $0x3  }
0x37: {  	[smem:$0x3FB0] =	sst s10  }
0x38: {  	s10 =	sld [smem:$0x3FB1]  }
0x39: {  	_ = 	snop;
	(pc) =	sbr.ind lr, $3  }
0x3a: {  	_ = 	snop  }
0x3b: {  	_ = 	snop  }
0x3c: {  	p2 =	seq.s32 s10, $0x1;
	s10 =	sld [smem:$0x3FB0]  }
0x3d: {  	_ =	shalt  }
0x3e: {  	_ =	shalt  }
0x3f: {  	_ =	shalt  }
0x40: {  	_ =	shalt  }
0x41: {  	_ =	shalt  }
0x42: {  	_ =	shalt  }
0x43: {  	_ =	shalt  }
0x44: {  	_ =	shalt  }
0x45: {  	_ =	shalt  }
0x46: {  	_ =	shalt  }
0x47: {  	_ =	shalt  }
0x48: {  	_ =	shalt  }
0x49: {  	_ =	shalt  }
0x4a: {  	_ =	shalt  }
0x4b: {  	_ =	shalt  }
0x4c: {  	_ =	shalt  }
0x4d: {  	_ =	shalt  }
0x4e: {  	_ =	shalt  }
0x4f: {  	_ =	shalt  }
0x50: {  	_ =	shalt  }
0x51: {  	_ =	shalt  }
0x52: {  	_ =	shalt  }
0x53: {  	_ =	shalt  }
0x54: {  	_ =	shalt  }
0x55: {  	_ =	shalt  }
0x56: {  	_ =	shalt  }
0x57: {  	_ =	shalt  }
0x58: {  	_ =	shalt  }
0x59: {  	_ =	shalt  }
0x5a: {  	_ =	shalt  }
0x5b: {  	_ =	shalt  }
0x5c: {  	_ =	shalt  }
0x5d: {  	_ =	shalt  }
0x5e: {  	_ =	shalt  }
0x5f: {  	_ =	shalt  }
0x60: {  	_ =	shalt  }
0x61: {  	_ =	shalt  }
0x62: {  	_ =	shalt  }
0x63: {  	_ =	shalt  }
0x64: {  	_ =	shalt  }
0x65: {  	_ =	shalt  }
0x66: {  	_ =	shalt  }
0x67: {  	_ =	shalt  }
0x68: {  	_ =	shalt  }
0x69: {  	_ =	shalt  }
0x6a: {  	_ =	shalt  }
0x6b: {  	_ =	shalt  }
0x6c: {  	_ =	shalt  }
0x6d: {  	_ =	shalt  }
0x6e: {  	_ =	shalt  }
0x6f: {  	_ =	shalt  }
0x70: {  	_ =	shalt  }
0x71: {  	_ =	shalt  }
0x72: {  	_ =	shalt  }
0x73: {  	_ =	shalt  }
0x74: {  	_ =	shalt  }
0x75: {  	_ =	shalt  }
0x76: {  	_ =	shalt  }
0x77: {  	_ =	shalt  }
0x78: {  	_ =	shalt  }
0x79: {  	_ =	shalt  }
0x7a: {  	_ =	shalt  }
0x7b: {  	_ =	shalt  }
0x7c: {  	_ =	shalt  }
0x7d: {  	_ =	shalt  }
0x7e: {  	_ =	shalt  }
0x7f: {  	_ =	shalt  }
0x80: {  	_ =	shalt  }
0x81: {  	_ =	shalt  }
0x82: {  	_ =	shalt  }
0x83: {  	_ =	shalt  }
0x84: {  	_ =	shalt  }
0x85: {  	_ =	shalt  }
0x86: {  	_ =	shalt  }
0x87: {  	_ =	shalt  }
.Lfunc_end0:
.L_simem_size_0:
called_computation.1_lowered:
.L_overlay_start_0:
0x88: {  	s2 =	sld [smem:$0x3FD9]  }
0x89: {  	s3 =	sld [smem:$0x3FFE];
	_ =	sdelay $0x1  }
0x8a: {  	s1 =	srdreg.scid  }
0x8b: {  	s0 =	sand.u32 $0x1, s1  }
0x8c: {  	s16 =	sshll.u32 s0, $0xA;
	s2 =	sadd.s32 s3, s2  }
0x8d: {  	s2 =	sadd.s32 s2, s16  }
0x8e: {  	[smem:$0x3FBC] =	sst s2  }
0x8f: {  	_ = 	snop  }
0x90: {  	(tm) =	ssettm $0x1  }
0x91: {  	s17 =	sld [smem:$0x3FFB];
	_ =	sdelay $0x3  }
0x92: {  	_ =	strace s17  }
0x93: {  	s2 =	sld [smem:$0x3FFC];
	_ =	sdelay $0x3  }
0x94: {  	_ =	strace s2  }
0x95: {  	s2 =	sld [smem:$0x3FFD];
	_ =	sdelay $0x3  }
0x96: {  	_ =	strace s2  }
0x97: {  	_ =	strace $0x8FFFFFFF  }
0x98: {  	s18 =	sld [smem:$0x3FDB];
	_ =	sdelay $0x1  }
0x99: {  	s19 =	simm.s32 $_scs_section_size  }
0x9a: {  	s4 =	simm.s32 $_size__tile_overlayer_lowered;
	s5 =	simm.s32 $_tile_overlayer_lowered  }
0x9b: {  	s22 =	simm.s32 $0x1BFF;
	s21 =	sshll.u32 s5, $0x1;
	s2 =	sadd.s32 s19, s18  }
0x9c: {  	s6 =	simm.s32 $0x0;
	s20 =	sshll.u32 s4, $0x1;
	s4 =	sadd.s32 s21, s2  }
0x9d: {  	[timem:s6], [sflag:s22] =	dma.local [hbm:s4], s20  }
0x9e: {  	_ =	swait.ge [sflag:s22], s20  }
0x9f: {  	s3 =	ssub.s32 $0x0, s20;
	[sflag:s22] =	ssyncset.done $0x0  }
0xa0: {  	[sflag:s22] =	ssyncadd.s32 s3;
	_ =	sdelay $0x1  }
0xa1: {  	s23 =	simm.s32 $0x1B8B  }
0xa2: {  	_ =	swait.ge [sflag:s23], $0x1  }
0xa3: {  	[sflag:s23] =	ssyncset.done $0x0  }
0xa4: {  	s25 =	simm.s32 $0x1B8E;
	s24 =	sld [smem:$0x3FFE];
	[sflag:s23] =	ssyncadd.s32 $0xFFFFFFFF  }
0xa5: {  	s26 =	simm.s32 $execute0_lowered;
	[smem:$0x3FD2] =	sst s25  }
0xa6: {  	s4 =	sshll.u32 s26, $0x1;
	_ =	strace $0x80000049;
	[dreg:$0x1] =	wrdreg $0xFFFFFFFF  }
0xa7: {  	s28 =	simm.s32 $_size_execute0_lowered;
	s2 =	sadd.s32 s2, s4;
	[dreg:$0x0] =	wrdreg $0x0  }
0xa8: {  	s4 =	sshll.u32 s28, $0x1;
	[dreg:$0x2] =	wrdreg s2  }
0xa9: {  	[dreg:$0x3] =	wrdreg s4  }
0xaa: {  	[dreg:$0x4] =	wrdreg $0xC0  }
0xab: {  	_ =	task [dreg:s6], $0x5FFFF  }
0xac: {  	[dreg:$0x1] =	wrdreg $0xFFFFFFFF  }
0xad: {  	[dreg:$0x0] =	wrdreg $0x60  }
0xae: {  	[dreg:$0x2] =	wrdreg s24  }
0xaf: {  	[dreg:$0x3] =	wrdreg $0x198000  }
0xb0: {  	[dreg:$0x4] =	wrdreg $0x170000  }
0xb1: {  	[dreg:$0x5] =	wrdreg $0x9  }
0xb2: {  	_ =	task.clear_ibuf [dreg:s6], $0x6FFFF;
	_ =	strace $0x90000049  }
0xb3: {  	s29 =	simm.s32 $0x9;
	_ =	strace $0x8000004B  }
0xb4: {  	_ =	swait.ge [sflag:s29], $0x1  }
0xb5: {  	[sflag:s29] =	ssyncadd.s32 $0xFFFFFFFF  }
0xb6: {  	_ =	strace $0x9000004B  }
0xb7: {  	_ =	sfence  }
0xb8: {  	s30 =	sld [smem:$0x0];
	_ =	sdelay $0x2  }
0xb9: {  	s31 =	sshll.u32 s1, $0xD;
	s1 =	sshrl.u32 s1, $0x2  }
0xba: {  	s3 =	sand.u32 $0x4000, s31;
	s1 =	sadd.s32 s1, s30  }
0xbb: {  	s0 =	sor.u32 s3, s0;
	s1 =	sshll.u32 s1, $0x11  }
0xbc: {  	s0 =	sor.u32 s1, s0  }
0xbd: {  	s0 =	sadd.s32 $0x8F2B, s0  }
0xbe: {  	[sflag:s0] =	ssyncadd.remote.s32 $0x1  }
0xbf: {  	_ =	sfence.sel $0xFFFF  }
0xc0: {  	[dreg:$0x0] =	wrdreg $0xFFFFFFFF;
	(pc) =	sbr.abs _section_cstart, $3  }
0xc1: {  	[dreg:$0x1] =	wrdreg $0xFFFFFFFF  }
0xc2: {  	_ =	task.clear_ibuf [dreg:s6], $0x2FFFF;
	_ =	strace $0x9FFFFFFF  }
0xc3: {  	(tm) =	ssettm $0x7FFFFFFF  }
tec
execute0_lowered:
.L_overlay_start_1:
0x0: {  	(tag) =	ssettag $0x1  }
0x1: {  	s6 =	rddreg [dreg:$0x0]  }
0x2: {  	s2 =	rddreg [dreg:$0x1]  }
0x3: {  	s3 =	rddreg [dreg:$0x2]  }
0x4: {  	s0 =	stileid.u32;
	s4 =	srdreg.scid;
	s18 =	simm.s32 $0x400  }
0x5: {  	s21 =	simm.s32 $0x5;
	s22 =	simm.s32 $0x7;
	s5 =	smul.u32 $0x6, s0  }
0x6: {  	s23 =	simm.s32 $0x8;
	s24 =	simm.s32 $0x0;
	s8 =	smul.u32 $0xE, s0  }
0x7: {  	s7 =	sand.u32 $0x1, s4;
	s11 =	smul.u32 $0x2800, s0;
	s4 =	simm.s32 $0x0  }
0x8: {  	s25 =	smul.u32 $0x500, s0;
	s1 =	sadd.s32 $0x1B600, s6;
	s30 =	sshll.u32 s0, $0x6  }
0x9: {  	p0 =	seq.s32 s7, $0x0;
	[smem:$0x7FF] =	sst s4;
	s9 =	smul.u32 $0x5000, s7  }
0xa: {  	s7 =	ssub.s32 $0x2, s7;
	s5 =	sadd.s32 $0xE0, s5;
	_ =	strace $0x8000004A  }
0xb: {  	s26 =	sshrl.u32 s11, $0x3;
	[dreg:$0x5] =	wrdreg s1;
	s29 =	sshrl.u32 s7, $0x1  }
0xc: {  	s15 =	sadd.s32 s11, s2;
	s17 =	sadd.s32 s11, s3;
	s8 =	smov.u32 @p0 s5  }
0xd: {  	s12 =	sadd.s32 s26, s6;
	s28 =	sadd.s32 s25, s9;
	s14 =	ssub.s32 s7, s29  }
0xe: {  	s7 =	simm.s32 $0x6;
	s17 =	sshrl.u32 s17, $0x3;
	s8 =	sshll.u32 s8, $0x7  }
0xf: {  	s13 =	sadd.s32 s28, s6;
	s7 =	simm.s32 @!p0 $0xE;
	s11 =	sadd.s32 $0x1E00, s12  }
0x10: {  	s10 =	sadd.s32 s8, s6;
	s6 =	simm.s32 $0x6;
	s8 =	sor.u32 $0x1C09, s30  }
0x11: {  	s16 =	sshll.u32 s7, $0xC;
	s12 =	sadd.s32 $0x1C000, s13;
	s13 =	smax.u32 s14, $0x1  }
0x12: {  	s14 =	sshrl.u32 s15, $0x3;
	s15 =	simm.s32 $0x9;
	s31 =	sadd.s32 $0x2000, s16  }
0x13: {  	s9 =	sadd.s32 $0x11200, s10;
	s10 =	sadd.s32 $0x6E00, s10;
	[dreg:$0x4] =	wrdreg s31  }
.LBB2_1:
0x14: {  	s0 =	rddreg [dreg:$0x5]  }
0x15: {  	[spmem:s14], [sflag:s8] =	dma.local [hbm:s0], $0x500  }
0x16: {  	_ =	swait.ge [sflag:s15], $0x500  }
0x17: {  	[sflag:s15] =	ssyncset.done $0x0  }
0x18: {  	[sflag:s15] =	ssyncadd.s32 $0xFFFFFB00  }
0x19: {  	[tilespmem:s4], [sflag:$0x9] =	stream.linear.gather [hbm4b:s9+s4], $0x3800, $0x38;
	[tilespmem:$0x1C000] =	vst v63  }
0x1a: {  	_ =	swait.ge [sflag:s15], $0x3800  }
0x1b: {  	[sflag:s15] =	ssyncset.done $0x0  }
0x1c: {  	s29 =	simm.s32 $0x3800;
	[sflag:s15] =	ssyncadd.s32 $0xFFFFC800  }
0x1d: {  	[tilespmem:s29], [sflag:$0x9] =	stream.linear.gather [hbm4b:s10+s4], $0x3800, $0x38;
	[tilespmem:$0x1C000] =	vst v63  }
0x1e: {  	_ =	swait.ge [sflag:s15], $0x3800  }
0x1f: {  	[sflag:s15] =	ssyncset.done $0x0  }
0x20: {  	[sflag:s15] =	ssyncadd.s32 $0xFFFFC800  }
0x21: {  	[spmem:s17], [sflag:s8] =	dma.local [hbm:s11], $0x500  }
0x22: {  	_ =	swait.ge [sflag:s15], $0x500  }
0x23: {  	[sflag:s15] =	ssyncset.done $0x0  }
0x24: {  	[sflag:s15] =	ssyncadd.s32 $0xFFFFFB00  }
0x25: {  	s30 =	simm.s32 $0x7000;
	[bflag:$0x0] =	sbarrier.arrive $0xFFFF  }
0x26: {  	[tilespmem:s30], [sflag:$0x1] =	stream.indirect.gather [spmem:s3], $0x10, s4, s18, $0xb8;
	[tilespmem:$0x1C000] =	vst v63  }
0x27: {  	s31 =	simm.s32 $0xB000;
	s26 =	simm.s32 $0x0;
	s25 =	simm.s32 $0x0  }
0x28: {  	[tilespmem:s31], [sflag:$0x2] =	stream.indirect.gather [spmem:s3], $0x10, s18, s18, $0xb8;
	[tilespmem:$0x1C000] =	vst v63  }
.LBB2_2:
0x29: {  	s28 =	sadd.s32 $0x2, s26  }
0x2a: {  	p0 =	sge.u32 s28, s7  }
0x2b: {  	p1 =	seq.s32 @!p0 s25, $0x0  }
0x2c: {  	p1 =	por p1, p0  }
0x2d: {  	s28 =	simm.s32 @!p1 $0x7  }
0x2e: {  	_ =	swait.ge @!p1 [sflag:s28], $0x4000  }
0x2f: {  	[sflag:s28] =	ssyncset.done @!p1 $0x0  }
0x30: {  	s30 =	simm.s32 @!p0 $0x400;
	[sflag:s28] =	ssyncadd.s32 @!p1 $0xFFFFC000;
	s28 =	sshra.s32 @!p0 s25, $0x2  }
0x31: {  	s31 =	simm.s32 @!p0 $0xF000;
	p1 =	sge.u32 s26, s7;
	s29 =	sadd.s32 @!p0 $0x800, s28  }
0x32: {  	[tilespmem:s31], [sflag:$0x3] =	stream.indirect.gather @!p0 [spmem:s3], $0x10, s29, s30, $0xb8;
	[tilespmem:$0x1C000] =	vst v63  }
0x33: {  	s29 =	simm.s32 @!p1 $0x1  }
0x34: {  	_ =	swait.ge @!p1 [sflag:s29], $0x4000  }
0x35: {  	[sflag:s29] =	ssyncset.done @!p1 $0x0  }
0x36: {  	s19 =	sadd.s32 $0x3, s26;
	[sflag:s29] =	ssyncadd.s32 @!p1 $0xFFFFC000;
	s29 =	sshra.s32 @!p1 s25, $0x2  }
0x37: {  	s1 =	simm.s32 @!p1 $0x400;
	s0 =	simm.s32 @!p1 $0x7000;
	s29 =	sadd.s32 @!p1 $0x3800, s29  }
0x38: {  	[spmem:s2] =	stream.indirect.scatter.add.f32 @!p1 [tilespmem:s0], [sflag:$0x5], $0x10, s29, s1, $0xb8;
	[tilespmem:$0x1C000] =	vst v63  }
0x39: {  	p1 =	sge.u32 s19, s7  }
0x3a: {  	p2 =	seq.s32 @!p1 s25, $0x0  }
0x3b: {  	p2 =	por p2, p1  }
0x3c: {  	s0 =	simm.s32 @!p2 $0x8  }
0x3d: {  	_ =	swait.ge @!p2 [sflag:s0], $0x4000  }
0x3e: {  	s20 =	sadd.s32 $0x1, s26;
	s16 =	simm.s32 @!p1 $0x400;
	[sflag:s0] =	ssyncset.done @!p2 $0x0  }
0x3f: {  	[sflag:s0] =	ssyncadd.s32 @!p2 $0xFFFFC000;
	s0 =	sshra.s32 @!p1 s25, $0x2;
	p2 =	sge.u32 s20, s7  }
0x40: {  	s19 =	simm.s32 @!p1 $0x13000;
	s29 =	sadd.s32 @!p1 $0xC00, s0;
	s1 =	simm.s32 @!p2 $0x2  }
0x41: {  	[tilespmem:s19], [sflag:$0x4] =	stream.indirect.gather @!p1 [spmem:s3], $0x10, s29, s16, $0xb8;
	[tilespmem:$0x1C000] =	vst v63  }
0x42: {  	_ =	swait.ge @!p2 [sflag:s1], $0x4000  }
0x43: {  	[sflag:s1] =	ssyncset.done @!p2 $0x0  }
0x44: {  	[sflag:s1] =	ssyncadd.s32 @!p2 $0xFFFFC000;
	s1 =	sshra.s32 @!p2 s25, $0x2  }
0x45: {  	s20 =	simm.s32 @!p2 $0xB000;
	s29 =	simm.s32 @!p2 $0x400;
	s1 =	sadd.s32 @!p2 $0x3C00, s1  }
0x46: {  	[spmem:s2] =	stream.indirect.scatter.add.f32 @!p2 [tilespmem:s20], [sflag:$0x6], $0x10, s1, s29, $0xb8;
	[tilespmem:$0x1C000] =	vst v63  }
0x47: {  	s1 =	sadd.s32 $0x4, s26  }
0x48: {  	p2 =	sge.u32 s1, s7  }
0x49: {  	s20 =	simm.s32 @!p2 $0x5  }
0x4a: {  	_ =	swait.ge @!p2 [sflag:s20], $0x4000  }
0x4b: {  	[sflag:s20] =	ssyncset.done @!p2 $0x0  }
0x4c: {  	[sflag:s20] =	ssyncadd.s32 @!p2 $0xFFFFC000;
	s20 =	sshra.s32 @!p2 s25, $0x2  }
0x4d: {  	s29 =	simm.s32 @!p2 $0x400;
	s5 =	simm.s32 @!p2 $0x7000;
	s20 =	sadd.s32 @!p2 $0x1000, s20  }
0x4e: {  	[tilespmem:s5], [sflag:$0x1] =	stream.indirect.gather @!p2 [spmem:s3], $0x10, s20, s29, $0xb8;
	[tilespmem:$0x1C000] =	vst v63  }
0x4f: {  	s5 =	simm.s32 @!p0 $0x3  }
0x50: {  	_ =	swait.ge @!p0 [sflag:s5], $0x4000  }
0x51: {  	[sflag:s5] =	ssyncset.done @!p0 $0x0  }
0x52: {  	[sflag:s5] =	ssyncadd.s32 @!p0 $0xFFFFC000;
	s5 =	sadd.s32 @!p0 $0x4000, s28  }
0x53: {  	[spmem:s2] =	stream.indirect.scatter.add.f32 @!p0 [tilespmem:s31], [sflag:$0x7], $0x10, s5, s30, $0xb8;
	[tilespmem:$0x1C000] =	vst v63  }
0x54: {  	s30 =	sadd.s32 $0x5, s26  }
0x55: {  	p0 =	sge.u32 s30, s7  }
0x56: {  	s5 =	simm.s32 @!p0 $0x6  }
0x57: {  	_ =	swait.ge @!p0 [sflag:s5], $0x4000  }
0x58: {  	[sflag:s5] =	ssyncset.done @!p0 $0x0  }
0x59: {  	[sflag:s5] =	ssyncadd.s32 @!p0 $0xFFFFC000;
	s5 =	sshra.s32 @!p0 s25, $0x2  }
0x5a: {  	s20 =	simm.s32 @!p0 $0x400;
	s26 =	simm.s32 @!p0 $0xB000;
	s5 =	sadd.s32 @!p0 $0x1400, s5  }
0x5b: {  	[tilespmem:s26], [sflag:$0x2] =	stream.indirect.gather @!p0 [spmem:s3], $0x10, s5, s20, $0xb8;
	[tilespmem:$0x1C000] =	vst v63  }
0x5c: {  	s5 =	simm.s32 @!p1 $0x4  }
0x5d: {  	_ =	swait.ge @!p1 [sflag:s5], $0x4000  }
0x5e: {  	s25 =	sadd.s32 $0x4000, s25;
	s31 =	rddreg [dreg:$0x4]  }
0x5f: {  	p0 =	sne.s32 s31, s25  }
.Ltmp0:
0x60: {  	_ = 	snop;
	(pc) =	sbr.rel @p0 .LBB2_2-.Ltmp0, $4  }
0x61: {  	_ = 	snop  }
0x62: {  	[sflag:s5] =	ssyncset.done @!p1 $0x0  }
0x63: {  	s0 =	sadd.s32 @!p1 $0x4400, s0;
	s26 =	smov.u32 s1;
	[sflag:s5] =	ssyncadd.s32 @!p1 $0xFFFFC000  }
0x64: {  	[spmem:s2] =	stream.indirect.scatter.add.f32 @!p1 [tilespmem:s19], [sflag:$0x8], $0x10, s0, s16, $0xb8;
	[tilespmem:$0x1C000] =	vst v63  }
0x65: {  	_ =	swait.ge [sflag:s21], $0x4000  }
0x66: {  	[sflag:s21] =	ssyncset.done $0x0  }
0x67: {  	[sflag:s21] =	ssyncadd.s32 $0xFFFFC000  }
0x68: {  	_ =	swait.ge [sflag:s6], $0x4000  }
0x69: {  	[sflag:s6] =	ssyncset.done $0x0  }
0x6a: {  	[sflag:s6] =	ssyncadd.s32 $0xFFFFC000  }
0x6b: {  	_ =	swait.ge [sflag:s22], $0x4000  }
0x6c: {  	[sflag:s22] =	ssyncset.done $0x0  }
0x6d: {  	[sflag:s22] =	ssyncadd.s32 $0xFFFFC000  }
0x6e: {  	_ =	swait.ge [sflag:s23], $0x4000  }
0x6f: {  	s24 =	sadd.s32 $0x1, s24;
	[sflag:s23] =	ssyncset.done $0x0  }
0x70: {  	p0 =	sne.s32 s24, s13;
	[sflag:s23] =	ssyncadd.s32 $0xFFFFC000  }
.Ltmp1:
0x71: {  	[bflag:$0x0] =	sbarrier.arrive $0xFFFF;
	(pc) =	sbr.rel @p0 .LBB2_1-.Ltmp1, $4  }
0x72: {  	[hbm:s12], [sflag:s8] =	dma.local [spmem:s14], $0x500  }
0x73: {  	_ =	swait.ge [sflag:s15], $0x500  }
0x74: {  	[sflag:s15] =	ssyncset.done $0x0  }
0x75: {  	[sflag:s15] =	ssyncadd.s32 $0xFFFFFB00  }
0x76: {  	_ =	sfence.sel $0x180000  }
0x77: {  	[bflag:$0x0] =	sbarrier.arrive $0xFFFF  }
0x78: {  	_ =	strace $0x9000004A  }
0x79: {  	s0 =	stileid.u32;
	[bflag:$0x2] =	sbarrier.arrive $0xFFFF  }
0x7a: {  	p0 =	sne.s32 s0, $0x0;
	s0 =	rddreg [dreg:$0x3]  }
0x7b: {  	s0 =	sadd.s32 @!p0 $0x100000, s0  }
0x7c: {  	[sflag:s0] =	ssyncadd.tile.s32 @!p0 $0x1;
	_ =	shalt  }
.Lfunc_end2:
_tile_overlayer_lowered:
.L_overlay_start_2:
0x7d: {  	(tag) =	ssettag $0x2  }
0x7e: {  	s0 =	rddreg [dreg:$0x0];
	s2 =	stileid.u32  }
0x7f: {  	s1 =	rddreg [dreg:$0x1];
	p0 =	sne.s32 s2, $0x0  }
0x80: {  	s3 =	rddreg [dreg:$0x2];
	[bflag:$0x3] =	sbarrier.arrive $0xFFFF;
	s2 =	simm.s32 @!p0 $0x1C09  }
0x81: {  	[timem:s3], [sflag:s2] =	dma.local @!p0 [hbm:s0], s1  }
0x82: {  	s0 =	simm.s32 @!p0 $0x9  }
0x83: {  	_ =	swait.ge @!p0 [sflag:s0], s1  }
0x84: {  	s1 =	ssub.s32 @!p0 $0x0, s1;
	[sflag:s0] =	ssyncset.done @!p0 $0x0  }
0x85: {  	[sflag:s0] =	ssyncadd.s32 @!p0 s1  }
0x86: {  	[bflag:$0x3] =	sbarrier.arrive $0xFFFF  }
0x87: {  	_ =	shalt  }

// kernel: kernel.7.cloned.1.call-start
scs
__scs_entry_jumppad:
0x0: {  	(pc) =	sbr.rel $0x88, $3  }
0x1: {  	(tag) =	ssettag $0x0;
	lr =	simm.s32 $0x1  }
0x2: {  	[smem:$0x3F95] =	sst lr;
	_ =	strace $0xD0000000  }
0x3: {  	_ = 	snop  }
0x4: {  	_ = 	snop  }
0x5: {  	_ = 	snop  }
0x6: {  	_ = 	snop  }
0x7: {  	_ = 	snop  }
__scs_overlays_trampoline_lowered:
0x8: {  	[smem:$0x3FA4] =	sst s0  }
0x9: {  	[smem:$0x3FA5] =	sst s1  }
0xa: {  	[smem:$0x3FA6] =	sst s2  }
0xb: {  	[smem:$0x3FA7] =	sst s3  }
0xc: {  	[smem:$0x3FA8] =	sst s4  }
0xd: {  	[smem:$0x3FA9] =	sst s5  }
0xe: {  	[smem:$0x3FAA] =	sst s6  }
0xf: {  	[smem:$0x3FAB] =	sst s7  }
0x10: {  	[smem:$0x3FAC] =	sst s8  }
0x11: {  	[smem:$0x3FAD] =	sst s9;
	s0 =	simm.s32 @!p0 $0x0  }
0x12: {  	s1 =	sld [smem:$0x3F93];
	s0 =	simm.s32 @p0 $0x1  }
0x13: {  	[smem:$0x3FAE] =	sst s0;
	s0 =	simm.s32 @!p1 $0x0  }
0x14: {  	s2 =	sld [smem:$0x3F92];
	s0 =	simm.s32 @p1 $0x1  }
0x15: {  	[smem:$0x3FAF] =	sst s0;
	s0 =	simm.s32 @!p2 $0x0  }
0x16: {  	s3 =	sld [smem:$0x3FDB];
	s0 =	simm.s32 @p2 $0x1  }
0x17: {  	s4 =	simm.s32 $0x1BF5;
	[smem:$0x3FB1] =	sst s0  }
0x18: {  	s0 =	sld [smem:$0x3F94];
	_ =	swait.ge [sflag:s4], $0x0  }
0x19: {  	s7 =	sld [smem:$0x3F95]  }
0x1a: {  	s8 =	sadd.s32 $0xFFFFE003, lr  }
0x1b: {  	s9 =	sadd.s32 $0xFFFFFEF7, lr;
	s5 =	simm.s32 $0xFFFFFFFF;
	p2 =	slt.u32 s8, $0xFFFFF086  }
0x1c: {  	p1 =	slt.u32 s9, $0xF7A;
	s5 =	simm.s32 @!p2 $0x0  }
0x1d: {  	s5 =	simm.s32 @p1 $0x1;
	p0 =	seq.s32 s7, s2  }
0x1e: {  	s7 =	smul.u32 @!p0 $0xF7A, s2;
	p2 =	seq.s32 @!p0 s5, $0x0  }
0x1f: {  	s9 =	smul.u32 $0xF7A, s1;
	s8 =	simm.s32 @!p0 $0x1BF5;
	p2 =	por !p2, p0  }
0x20: {  	[sflag:s8] =	ssyncset.s32 @!p0 $0xFFFFF086;
	s6 =	sadd.s32 @!p0 s3, s7;
	s7 =	simm.s32 @!p0 $0x108  }
0x21: {  	s3 =	sadd.s32 s3, s9;
	s6 =	sadd.s32 @!p0 $0x88, s6;
	s7 =	simm.s32 @p2 $0x1082  }
0x22: {  	[simem:s7], [sflag:s8] =	dma.local @!p0 [hbm:s6], $0xF7A  }
0x23: {  	s9 =	sor.u32 $0xD0000000, s2;
	s6 =	simm.s32 $0x108;
	_ =	swait.ge @!p0 [sflag:s8], $0x0  }
0x24: {  	s3 =	sadd.s32 $0x88, s3;
	s6 =	simm.s32 @!p1 $0x1082;
	[sflag:s4] =	ssyncset.s32 $0xFFFFF086  }
0x25: {  	[simem:s6], [sflag:s4] =	dma.local [hbm:s3], $0xF7A  }
0x26: {  	[smem:$0x3F95] =	sst s1;
	(tag) =	ssettag s2;
	_ =	strace s9  }
0x27: {  	s1 =	sld [smem:$0x3FA5]  }
0x28: {  	s2 =	sld [smem:$0x3FA6]  }
0x29: {  	s4 =	sld [smem:$0x3FA8]  }
0x2a: {  	p0 =	seq.s32 s5, $0x0;
	s5 =	sld [smem:$0x3FA9]  }
0x2b: {  	s6 =	sld [smem:$0x3FAA]  }
0x2c: {  	s7 =	sld [smem:$0x3FAB]  }
0x2d: {  	s3 =	simm.s32 $0x108;
	s8 =	sld [smem:$0x3FAC]  }
0x2e: {  	s3 =	simm.s32 @!p0 $0x1082;
	s9 =	sld [smem:$0x3FAD]  }
0x2f: {  	lr =	sadd.s32 s0, s3;
	s0 =	sld [smem:$0x3FA4]  }
0x30: {  	s3 =	sld [smem:$0x3FA7]  }
0x31: {  	[smem:$0x3FB0] =	sst s10  }
0x32: {  	s10 =	sld [smem:$0x3FAE];
	_ =	sdelay $0x3  }
0x33: {  	p0 =	seq.s32 s10, $0x1;
	s10 =	sld [smem:$0x3FB0];
	_ =	sdelay $0x3  }
0x34: {  	[smem:$0x3FB0] =	sst s10  }
0x35: {  	s10 =	sld [smem:$0x3FAF];
	_ =	sdelay $0x3  }
0x36: {  	p1 =	seq.s32 s10, $0x1;
	s10 =	sld [smem:$0x3FB0];
	_ =	sdelay $0x3  }
0x37: {  	[smem:$0x3FB0] =	sst s10  }
0x38: {  	s10 =	sld [smem:$0x3FB1]  }
0x39: {  	_ = 	snop;
	(pc) =	sbr.ind lr, $3  }
0x3a: {  	_ = 	snop  }
0x3b: {  	_ = 	snop  }
0x3c: {  	p2 =	seq.s32 s10, $0x1;
	s10 =	sld [smem:$0x3FB0]  }
0x3d: {  	_ =	shalt  }
0x3e: {  	_ =	shalt  }
0x3f: {  	_ =	shalt  }
0x40: {  	_ =	shalt  }
0x41: {  	_ =	shalt  }
0x42: {  	_ =	shalt  }
0x43: {  	_ =	shalt  }
0x44: {  	_ =	shalt  }
0x45: {  	_ =	shalt  }
0x46: {  	_ =	shalt  }
0x47: {  	_ =	shalt  }
0x48: {  	_ =	shalt  }
0x49: {  	_ =	shalt  }
0x4a: {  	_ =	shalt  }
0x4b: {  	_ =	shalt  }
0x4c: {  	_ =	shalt  }
0x4d: {  	_ =	shalt  }
0x4e: {  	_ =	shalt  }
0x4f: {  	_ =	shalt  }
0x50: {  	_ =	shalt  }
0x51: {  	_ =	shalt  }
0x52: {  	_ =	shalt  }
0x53: {  	_ =	shalt  }
0x54: {  	_ =	shalt  }
0x55: {  	_ =	shalt  }
0x56: {  	_ =	shalt  }
0x57: {  	_ =	shalt  }
0x58: {  	_ =	shalt  }
0x59: {  	_ =	shalt  }
0x5a: {  	_ =	shalt  }
0x5b: {  	_ =	shalt  }
0x5c: {  	_ =	shalt  }
0x5d: {  	_ =	shalt  }
0x5e: {  	_ =	shalt  }
0x5f: {  	_ =	shalt  }
0x60: {  	_ =	shalt  }
0x61: {  	_ =	shalt  }
0x62: {  	_ =	shalt  }
0x63: {  	_ =	shalt  }
0x64: {  	_ =	shalt  }
0x65: {  	_ =	shalt  }
0x66: {  	_ =	shalt  }
0x67: {  	_ =	shalt  }
0x68: {  	_ =	shalt  }
0x69: {  	_ =	shalt  }
0x6a: {  	_ =	shalt  }
0x6b: {  	_ =	shalt  }
0x6c: {  	_ =	shalt  }
0x6d: {  	_ =	shalt  }
0x6e: {  	_ =	shalt  }
0x6f: {  	_ =	shalt  }
0x70: {  	_ =	shalt  }
0x71: {  	_ =	shalt  }
0x72: {  	_ =	shalt  }
0x73: {  	_ =	shalt  }
0x74: {  	_ =	shalt  }
0x75: {  	_ =	shalt  }
0x76: {  	_ =	shalt  }
0x77: {  	_ =	shalt  }
0x78: {  	_ =	shalt  }
0x79: {  	_ =	shalt  }
0x7a: {  	_ =	shalt  }
0x7b: {  	_ =	shalt  }
0x7c: {  	_ =	shalt  }
0x7d: {  	_ =	shalt  }
0x7e: {  	_ =	shalt  }
0x7f: {  	_ =	shalt  }
0x80: {  	_ =	shalt  }
0x81: {  	_ =	shalt  }
0x82: {  	_ =	shalt  }
0x83: {  	_ =	shalt  }
0x84: {  	_ =	shalt  }
0x85: {  	_ =	shalt  }
0x86: {  	_ =	shalt  }
0x87: {  	_ =	shalt  }
.Lfunc_end0:
.L_simem_size_0:
called_computation_lowered:
.L_overlay_start_0:
0x88: {  	s2 =	sld [smem:$0x3FD9]  }
0x89: {  	s3 =	sld [smem:$0x3FFE];
	_ =	sdelay $0x1  }
0x8a: {  	s1 =	srdreg.scid  }
0x8b: {  	s0 =	sand.u32 $0x1, s1  }
0x8c: {  	s17 =	sshll.u32 s0, $0xA;
	s2 =	sadd.s32 s3, s2  }
0x8d: {  	s2 =	sadd.s32 s2, s17  }
0x8e: {  	[smem:$0x3FBC] =	sst s2  }
0x8f: {  	_ = 	snop  }
0x90: {  	s2 =	sld [smem:$0x3FD0];
	(tm) =	ssettm $0x1  }
0x91: {  	s18 =	sld [smem:$0x3FFB];
	_ =	sdelay $0x3  }
0x92: {  	_ =	strace s18  }
0x93: {  	s3 =	sld [smem:$0x3FFC];
	_ =	sdelay $0x3  }
0x94: {  	_ =	strace s3  }
0x95: {  	s3 =	sld [smem:$0x3FFD];
	_ =	sdelay $0x3  }
0x96: {  	_ =	strace s3  }
0x97: {  	_ =	strace $0x8FFFFFFF  }
0x98: {  	s19 =	sld [smem:$0x3FDB];
	_ =	sdelay $0x1  }
0x99: {  	s4 =	simm.s32 $_scs_section_size  }
0x9a: {  	s5 =	simm.s32 $_size__tile_overlayer_lowered;
	s6 =	simm.s32 $_tile_overlayer_lowered  }
0x9b: {  	s22 =	simm.s32 $0x1BFF;
	s21 =	sshll.u32 s6, $0x1;
	s3 =	sadd.s32 s4, s19  }
0x9c: {  	s7 =	simm.s32 $0x0;
	s20 =	sshll.u32 s5, $0x1;
	s5 =	sadd.s32 s21, s3  }
0x9d: {  	[timem:s7], [sflag:s22] =	dma.local [hbm:s5], s20  }
0x9e: {  	_ =	swait.ge [sflag:s22], s20  }
0x9f: {  	s4 =	ssub.s32 $0x0, s20;
	[sflag:s22] =	ssyncset.done $0x0  }
0xa0: {  	[sflag:s22] =	ssyncadd.s32 s4;
	_ =	sdelay $0x1  }
0xa1: {  	s23 =	simm.s32 $0x1B8B  }
0xa2: {  	_ =	swait.ge [sflag:s23], $0x1  }
0xa3: {  	[sflag:s23] =	ssyncset.done $0x0  }
0xa4: {  	s25 =	simm.s32 $0x1B8E;
	s24 =	sld [smem:$0x3FFE];
	[sflag:s23] =	ssyncadd.s32 $0xFFFFFFFF  }
0xa5: {  	s26 =	simm.s32 $execute0_lowered;
	[smem:$0x3FD2] =	sst s25  }
0xa6: {  	s5 =	sshll.u32 s26, $0x1;
	_ =	strace $0x80000046;
	[dreg:$0x1] =	wrdreg $0xFFFFFFFF  }
0xa7: {  	s28 =	simm.s32 $_size_execute0_lowered;
	s3 =	sadd.s32 s3, s5;
	[dreg:$0x0] =	wrdreg $0x0  }
0xa8: {  	s5 =	sshll.u32 s28, $0x1;
	[dreg:$0x2] =	wrdreg s3  }
0xa9: {  	[dreg:$0x3] =	wrdreg s5  }
0xaa: {  	[dreg:$0x4] =	wrdreg $0xC0  }
0xab: {  	_ =	task [dreg:s7], $0x5FFFF  }
0xac: {  	[dreg:$0x1] =	wrdreg $0xFFFFFFFF  }
0xad: {  	[dreg:$0x0] =	wrdreg $0x60  }
0xae: {  	[dreg:$0x2] =	wrdreg s24  }
0xaf: {  	[dreg:$0x3] =	wrdreg s2  }
0xb0: {  	[dreg:$0x4] =	wrdreg $0x19C000  }
0xb1: {  	[dreg:$0x5] =	wrdreg $0x1C4000  }
0xb2: {  	[dreg:$0x6] =	wrdreg $0x174000  }
0xb3: {  	[dreg:$0x7] =	wrdreg $0x9  }
0xb4: {  	_ =	task.clear_ibuf [dreg:s7], $0x8FFFF;
	_ =	strace $0x90000046  }
0xb5: {  	s29 =	simm.s32 $0x9;
	_ =	strace $0x80000048  }
0xb6: {  	_ =	swait.ge [sflag:s29], $0x1  }
0xb7: {  	[sflag:s29] =	ssyncadd.s32 $0xFFFFFFFF  }
0xb8: {  	_ =	strace $0x90000048  }
0xb9: {  	_ =	sfence  }
0xba: {  	s30 =	sld [smem:$0x0];
	_ =	sdelay $0x2  }
0xbb: {  	s31 =	sshll.u32 s1, $0xD;
	s1 =	sshrl.u32 s1, $0x2  }
0xbc: {  	s3 =	sand.u32 $0x4000, s31;
	s1 =	sadd.s32 s1, s30  }
0xbd: {  	s0 =	sor.u32 s3, s0;
	s1 =	sshll.u32 s1, $0x11  }
0xbe: {  	s0 =	sor.u32 s1, s0  }
0xbf: {  	s0 =	sadd.s32 $0x8F2B, s0  }
0xc0: {  	[sflag:s0] =	ssyncadd.remote.s32 $0x1  }
0xc1: {  	_ =	sfence.sel $0xFFFF  }
0xc2: {  	[dreg:$0x0] =	wrdreg $0xFFFFFFFF;
	(pc) =	sbr.abs _section_cstart, $3  }
0xc3: {  	[dreg:$0x1] =	wrdreg $0xFFFFFFFF  }
0xc4: {  	_ =	task.clear_ibuf [dreg:s7], $0x2FFFF;
	_ =	strace $0x9FFFFFFF  }
0xc5: {  	(tm) =	ssettm $0x7FFFFFFF  }
tec
execute0_lowered:
.L_overlay_start_1:
0x0: {  	(tag) =	ssettag $0x1  }
0x1: {  	s0 =	rddreg [dreg:$0x0]  }
0x2: {  	s1 =	rddreg [dreg:$0x1]  }
0x3: {  	s2 =	rddreg [dreg:$0x2]  }
0x4: {  	s3 =	rddreg [dreg:$0x3]  }
0x5: {  	s4 =	rddreg [dreg:$0x4];
	s11 =	stileid.u32;
	s5 =	simm.s32 $0x0  }
0x6: {  	s6 =	srdreg.scid;
	s22 =	simm.s32 $0xA;
	s7 =	smul.u32 $0x6, s11  }
0x7: {  	s29 =	simm.s32 $0x1;
	s30 =	simm.s32 $0x9;
	s8 =	smul.u32 $0xE, s11  }
0x8: {  	s31 =	simm.s32 $0x13000;
	s28 =	simm.s32 $0x8;
	s12 =	smul.u32 $0x2800, s11  }
0x9: {  	[smem:$0x7FF] =	sst s5;
	s6 =	sand.u32 $0x1, s6;
	s24 =	smul.u32 $0x280, s11  }
0xa: {  	s25 =	sadd.s32 $0x1B600, s0;
	s26 =	sadd.s32 $0x1BE00, s0;
	s11 =	sshll.u32 s11, $0x6  }
0xb: {  	p0 =	seq.s32 s6, $0x0;
	_ =	strace $0x80000047;
	[dreg:$0x6] =	wrdreg s25  }
0xc: {  	s10 =	smul.u32 $0x2800, s6;
	[dreg:$0x7] =	wrdreg s26;
	s6 =	ssub.s32 $0x2, s6  }
0xd: {  	s11 =	sor.u32 $0x1C0A, s11;
	s7 =	sadd.s32 $0xE0, s7;
	s9 =	sshrl.u32 s12, $0x3  }
0xe: {  	s16 =	sshrl.u32 s6, $0x1;
	s19 =	sadd.s32 s12, s4;
	s8 =	smov.u32 @p0 s7  }
0xf: {  	s13 =	sadd.s32 s9, s0;
	s14 =	sadd.s32 s24, s10;
	s10 =	sadd.s32 $0x1BC00, s0  }
0x10: {  	s6 =	ssub.s32 s6, s16;
	s9 =	simm.s32 $0x6;
	s7 =	sadd.s32 s24, s3  }
0x11: {  	s8 =	sshll.u32 s8, $0x7;
	[dreg:$0x8] =	wrdreg s10;
	s15 =	sshll.u32 s14, $0x1  }
0x12: {  	s10 =	simm.s32 $0x6;
	s9 =	simm.s32 @!p0 $0xE;
	[dreg:$0x9] =	wrdreg s7  }
0x13: {  	s23 =	sadd.s32 $0x1E00, s13;
	s24 =	sshrl.u32 s14, $0x3;
	s26 =	smax.u32 s6, $0x1  }
0x14: {  	s6 =	simm.s32 $0x0;
	s8 =	sadd.s32 s8, s0;
	s0 =	sadd.s32 s15, s0  }
0x15: {  	s15 =	sadd.s32 s12, s2;
	[dreg:$0xc] =	wrdreg s23;
	s16 =	sadd.s32 $0x2, s9  }
0x16: {  	s25 =	sadd.s32 s1, s24;
	[dreg:$0xf] =	wrdreg s26;
	s20 =	sadd.s32 $0xFFFFFFFD, s9  }
.Ltmp0:
0x17: {  	s23 =	simm.s32 $0x17000;
	s24 =	sshrl.u32 s19, $0x3;
	(pc) =	sbr.rel .LBB2_1-.Ltmp0, $4  }
0x18: {  	s26 =	simm.s32 $0x7000;
	s17 =	sadd.s32 $0x11200, s8;
	[dreg:$0xe] =	wrdreg s25  }
0x19: {  	s1 =	simm.s32 $0x7;
	s18 =	sadd.s32 $0x6E00, s8;
	[dreg:$0xa] =	wrdreg s17  }
0x1a: {  	s0 =	sadd.s32 $0x1C000, s0;
	s21 =	sshrl.u32 s15, $0x3;
	[dreg:$0xb] =	wrdreg s18  }
0x1b: {  	s25 =	simm.s32 $0x400;
	[dreg:$0xd] =	wrdreg s0;
	s0 =	simm.s32 $0x5  }
.LBB2_9:
0x1c: {  	_ =	swait.ge [sflag:s0], $0x4000  }
0x1d: {  	[sflag:s0] =	ssyncset.done $0x0  }
0x1e: {  	[sflag:s0] =	ssyncadd.s32 $0xFFFFC000  }
0x1f: {  	_ =	swait.ge [sflag:s30], $0x400  }
0x20: {  	[sflag:s30] =	ssyncset.done $0x0  }
0x21: {  	[sflag:s30] =	ssyncadd.s32 $0xFFFFFC00  }
0x22: {  	_ =	swait.ge [sflag:s10], $0x4000  }
0x23: {  	[sflag:s10] =	ssyncset.done $0x0  }
0x24: {  	[sflag:s10] =	ssyncadd.s32 $0xFFFFC000  }
0x25: {  	_ =	swait.ge [sflag:s30], $0x400  }
0x26: {  	[sflag:s30] =	ssyncset.done $0x0  }
0x27: {  	[sflag:s30] =	ssyncadd.s32 $0xFFFFFC00  }
0x28: {  	_ =	swait.ge [sflag:s1], $0x4000  }
0x29: {  	[sflag:s1] =	ssyncset.done $0x0  }
0x2a: {  	[sflag:s1] =	ssyncadd.s32 $0xFFFFC000  }
0x2b: {  	_ =	swait.ge [sflag:s30], $0x400  }
0x2c: {  	[sflag:s30] =	ssyncset.done $0x0  }
0x2d: {  	[sflag:s30] =	ssyncadd.s32 $0xFFFFFC00  }
0x2e: {  	_ =	swait.ge [sflag:s28], $0x4000  }
0x2f: {  	[sflag:s28] =	ssyncset.done $0x0  }
0x30: {  	[sflag:s28] =	ssyncadd.s32 $0xFFFFC000  }
0x31: {  	_ =	swait.ge [sflag:s30], $0x400  }
0x32: {  	[sflag:s30] =	ssyncset.done $0x0  }
0x33: {  	[sflag:s30] =	ssyncadd.s32 $0xFFFFFC00  }
0x34: {  	[bflag:$0x0] =	sbarrier.arrive $0xFFFF  }
0x35: {  	s8 =	rddreg [dreg:$0xd]  }
0x36: {  	[hbm:s8], [sflag:s11] =	dma.local [spmem:s21], $0x500  }
0x37: {  	_ =	swait.ge [sflag:s22], $0x500  }
0x38: {  	[sflag:s22] =	ssyncset.done $0x0  }
0x39: {  	s18 =	rddreg [dreg:$0xe];
	[sflag:s22] =	ssyncadd.s32 $0xFFFFFB00  }
0x3a: {  	[hbm:s18], [sflag:s11] =	dma.local [spmem:s7], $0x50  }
0x3b: {  	_ =	swait.ge [sflag:s22], $0x50  }
0x3c: {  	s6 =	sadd.s32 $0x1, s6;
	s19 =	rddreg [dreg:$0xf]  }
0x3d: {  	p0 =	sne.s32 s6, s19  }
.Ltmp1:
0x3e: {  	_ = 	snop;
	(pc) =	sbr.rel @!p0 .LBB2_10-.Ltmp1, $3  }
0x3f: {  	_ =	sdelay $0x1  }
0x40: {  	[sflag:s22] =	ssyncset.done $0x0  }
0x41: {  	[sflag:s22] =	ssyncadd.s32 $0xFFFFFFB0  }
.LBB2_1:
0x42: {  	s7 =	rddreg [dreg:$0x6]  }
0x43: {  	[spmem:s21], [sflag:s11] =	dma.local [hbm:s7], $0x500  }
0x44: {  	_ =	swait.ge [sflag:s22], $0x500  }
0x45: {  	[sflag:s22] =	ssyncset.done $0x0;
	s14 =	rddreg [dreg:$0x9]  }
0x46: {  	s8 =	rddreg [dreg:$0x7];
	[sflag:s22] =	ssyncadd.s32 $0xFFFFFB00;
	s7 =	sshrl.u32 s14, $0x3  }
0x47: {  	[spmem:s7], [sflag:s11] =	dma.local [hbm:s8], $0x50  }
0x48: {  	_ =	swait.ge [sflag:s22], $0x50  }
0x49: {  	[sflag:s22] =	ssyncset.done $0x0  }
0x4a: {  	s15 =	rddreg [dreg:$0x8];
	[sflag:s22] =	ssyncadd.s32 $0xFFFFFFB0  }
0x4b: {  	[tilespmem:s23], [sflag:$0xA] =	stream.linear.gather [hbm4b:s15+s5], $0x400, $0x38;
	[tilespmem:$0x1C680] =	vst v63  }
0x4c: {  	_ =	swait.ge [sflag:s22], $0x400  }
0x4d: {  	[sflag:s22] =	ssyncset.done $0x0  }
0x4e: {  	s17 =	rddreg [dreg:$0xa];
	[sflag:s22] =	ssyncadd.s32 $0xFFFFFC00  }
0x4f: {  	[tilespmem:s5], [sflag:$0xA] =	stream.linear.gather [hbm4b:s17+s5], $0x3800, $0x38;
	[tilespmem:$0x1C680] =	vst v63  }
0x50: {  	_ =	swait.ge [sflag:s22], $0x3800  }
0x51: {  	[sflag:s22] =	ssyncset.done $0x0  }
0x52: {  	s8 =	simm.s32 $0x3800;
	s12 =	rddreg [dreg:$0xb];
	[sflag:s22] =	ssyncadd.s32 $0xFFFFC800  }
0x53: {  	[tilespmem:s8], [sflag:$0xA] =	stream.linear.gather [hbm4b:s12+s5], $0x3800, $0x38;
	[tilespmem:$0x1C680] =	vst v63  }
0x54: {  	_ =	swait.ge [sflag:s22], $0x3800  }
0x55: {  	[sflag:s22] =	ssyncset.done $0x0  }
0x56: {  	s18 =	rddreg [dreg:$0xc];
	[sflag:s22] =	ssyncadd.s32 $0xFFFFC800  }
0x57: {  	[spmem:s24], [sflag:s11] =	dma.local [hbm:s18], $0x500  }
0x58: {  	_ =	swait.ge [sflag:s22], $0x500  }
0x59: {  	[sflag:s22] =	ssyncset.done $0x0  }
.Ltmp2:
0x5a: {  	[sflag:s22] =	ssyncadd.s32 $0xFFFFFB00;
	(pc) =	sbr.rel .LBB2_2-.Ltmp2, $4  }
0x5b: {  	[bflag:$0x0] =	sbarrier.arrive $0xFFFF  }
0x5c: {  	[tilespmem:s26], [sflag:$0x1] =	stream.indirect.gather [spmem:s4], $0x10, s5, s25, $0xb8;
	[tilespmem:$0x1C680] =	vst v63  }
0x5d: {  	s19 =	simm.s32 $0xB000;
	s13 =	simm.s32 $0x0;
	s12 =	simm.s32 $0x1000  }
0x5e: {  	[tilespmem:s19], [sflag:$0x2] =	stream.indirect.gather [spmem:s4], $0x10, s25, s25, $0xb8;
	[tilespmem:$0x1C680] =	vst v63  }
.LBB2_7:
0x5f: {  	s17 =	sshll.u32 s14, $0xA  }
0x60: {  	p2 =	por $0x1, $0x1;
	s17 =	sand.u32 $0x3FFFFC00, s17  }
0x61: {  	[tilespmem:s31], [sflag:$0x4] =	stream.indirect.gather [spmem:s4], $0x10, s17, s25, $0xb8;
	[tilespmem:$0x1C680] =	vst v63  }
.LBB2_8:
0x62: {  	p3 =	sge.u32 s15, s9  }
0x63: {  	s17 =	simm.s32 @!p3 $0x2  }
0x64: {  	s15 =	sshll.u32 @!p3 s15, $0xA;
	_ =	swait.ge @!p3 [sflag:s17], $0x4000  }
0x65: {  	s18 =	simm.s32 @!p3 $0xB000;
	s15 =	sand.u32 @!p3 $0x3FFFFC00, s15;
	[sflag:s17] =	ssyncset.done @!p3 $0x0  }
0x66: {  	s15 =	sadd.s32 @!p3 $0x3800, s15;
	[sflag:s17] =	ssyncadd.s32 @!p3 $0xFFFFC000;
	s17 =	simm.s32 @!p3 $0x400  }
0x67: {  	[spmem:s2] =	stream.indirect.scatter.add.f32 @!p3 [tilespmem:s18], [sflag:$0x6], $0x10, s15, s17, $0xb8;
	[tilespmem:$0x1C680] =	vst v63  }
0x68: {  	p4 =	seq.s32 @!p3 s13, $0x0;
	s18 =	simm.s32 @!p3 $0x17000  }
0x69: {  	[spmem:s3] =	stream.indirect.scatter.add.f32 @!p3 [tilespmem:s18], [sflag:$0x9], $0x1, s15, s17, $0xb8;
	[tilespmem:$0x1C680] =	vst v63  }
0x6a: {  	p3 =	por p4, p3  }
0x6b: {  	s15 =	simm.s32 @!p3 $0x9  }
0x6c: {  	s17 =	sadd.s32 $0x4, s13;
	_ =	swait.ge @!p3 [sflag:s15], $0x400  }
0x6d: {  	p4 =	sge.u32 s17, s9;
	[sflag:s15] =	ssyncset.done @!p3 $0x0  }
0x6e: {  	[sflag:s15] =	ssyncadd.s32 @!p3 $0xFFFFFC00;
	s15 =	simm.s32 @!p4 $0x5  }
0x6f: {  	_ =	swait.ge @!p4 [sflag:s15], $0x4000  }
0x70: {  	[sflag:s15] =	ssyncset.done @!p4 $0x0  }
0x71: {  	s18 =	simm.s32 @!p4 $0x7000;
	[sflag:s15] =	ssyncadd.s32 @!p4 $0xFFFFC000;
	s15 =	simm.s32 @!p4 $0x400  }
0x72: {  	[tilespmem:s18], [sflag:$0x1] =	stream.indirect.gather @!p4 [spmem:s4], $0x10, s12, s15, $0xb8;
	[tilespmem:$0x1C680] =	vst v63  }
0x73: {  	s15 =	simm.s32 @!p1 $0x3  }
0x74: {  	_ =	swait.ge @!p1 [sflag:s15], $0x4000  }
0x75: {  	s19 =	simm.s32 @!p1 $0xF000;
	[sflag:s15] =	ssyncset.done @!p1 $0x0  }
0x76: {  	s18 =	simm.s32 @!p1 $0x400;
	[sflag:s15] =	ssyncadd.s32 @!p1 $0xFFFFC000;
	s15 =	sadd.s32 @!p1 $0x800, s8  }
0x77: {  	[spmem:s2] =	stream.indirect.scatter.add.f32 @!p1 [tilespmem:s19], [sflag:$0x7], $0x10, s15, s18, $0xb8;
	[tilespmem:$0x1C680] =	vst v63  }
0x78: {  	s19 =	simm.s32 @!p1 $0x17000  }
0x79: {  	[spmem:s3] =	stream.indirect.scatter.add.f32 @!p1 [tilespmem:s19], [sflag:$0x9], $0x1, s15, s18, $0xb8;
	[tilespmem:$0x1C680] =	vst v63  }
0x7a: {  	s15 =	simm.s32 @!p0 $0x9  }
0x7b: {  	s19 =	sadd.s32 $0x5, s13;
	_ =	swait.ge @!p0 [sflag:s15], $0x400  }
0x7c: {  	p1 =	sge.u32 s19, s9;
	[sflag:s15] =	ssyncset.done @!p0 $0x0  }
0x7d: {  	[sflag:s15] =	ssyncadd.s32 @!p0 $0xFFFFFC00;
	s15 =	simm.s32 @!p1 $0x6  }
0x7e: {  	_ =	swait.ge @!p1 [sflag:s15], $0x4000  }
0x7f: {  	s14 =	sshll.u32 @p2 s14, $0xA;
	s18 =	simm.s32 @!p1 $0x400;
	[sflag:s15] =	ssyncset.done @!p1 $0x0  }
0x80: {  	s19 =	simm.s32 @!p1 $0xB000;
	[sflag:s15] =	ssyncadd.s32 @!p1 $0xFFFFC000;
	s15 =	sadd.s32 @!p1 $0x400, s12  }
0x81: {  	[tilespmem:s19], [sflag:$0x2] =	stream.indirect.gather @!p1 [spmem:s4], $0x10, s15, s18, $0xb8;
	[tilespmem:$0x1C680] =	vst v63  }
0x82: {  	s14 =	sand.u32 @p2 $0x3FFFFC00, s14;
	s15 =	simm.s32 @p2 $0x4  }
0x83: {  	s14 =	sadd.s32 @p2 $0x3800, s14;
	p0 =	seq.s32 @p2 s13, $0x0;
	_ =	swait.ge @p2 [sflag:s15], $0x4000  }
0x84: {  	p0 =	por p0, !p2;
	s18 =	simm.s32 @p2 $0x13000;
	[sflag:s15] =	ssyncset.done @p2 $0x0  }
0x85: {  	p1 =	sne.s32 s16, s17;
	[sflag:s15] =	ssyncadd.s32 @p2 $0xFFFFC000;
	s15 =	simm.s32 @p2 $0x400  }
0x86: {  	[spmem:s2] =	stream.indirect.scatter.add.f32 @p2 [tilespmem:s18], [sflag:$0x8], $0x10, s14, s15, $0xb8;
	[tilespmem:$0x1C680] =	vst v63  }
.Ltmp3:
0x87: {  	s13 =	simm.s32 @!p0 $0x9;
	s18 =	simm.s32 @p2 $0x17000;
	(pc) =	sbr.rel @!p1 .LBB2_9-.Ltmp3, $4  }
0x88: {  	[spmem:s3] =	stream.indirect.scatter.add.f32 @p2 [tilespmem:s18], [sflag:$0x9], $0x1, s14, s15, $0xb8;
	[tilespmem:$0x1C680] =	vst v63  }
0x89: {  	_ =	swait.ge @!p0 [sflag:s13], $0x400  }
0x8a: {  	s8 =	sadd.s32 $0x1000, s8;
	[sflag:s13] =	ssyncset.done @!p0 $0x0  }
0x8b: {  	s12 =	sadd.s32 $0x1000, s12;
	[sflag:s13] =	ssyncadd.s32 @!p0 $0xFFFFFC00;
	s13 =	smov.u32 s17  }
.LBB2_2:
0x8c: {  	s14 =	sadd.s32 $0x2, s13  }
0x8d: {  	p1 =	sge.u32 s14, s9  }
0x8e: {  	p0 =	seq.s32 @!p1 s13, $0x0  }
0x8f: {  	p2 =	sge.u32 s13, s9;
	p0 =	por p0, p1  }
.Ltmp4:
0x90: {  	s14 =	simm.s32 @!p0 $0x7;
	(pc) =	sbr.rel @p2 .LBB2_5-.Ltmp4, $4  }
0x91: {  	_ =	swait.ge @!p0 [sflag:s14], $0x4000  }
0x92: {  	s15 =	simm.s32 @!p1 $0x400;
	[sflag:s14] =	ssyncset.done @!p0 $0x0  }
0x93: {  	s17 =	simm.s32 @!p1 $0xF000;
	[sflag:s14] =	ssyncadd.s32 @!p0 $0xFFFFC000;
	s14 =	sadd.s32 @!p1 $0xFFFFF800, s12  }
0x94: {  	[tilespmem:s17], [sflag:$0x3] =	stream.indirect.gather @!p1 [spmem:s4], $0x10, s14, s15, $0xb8;
	[tilespmem:$0x1C680] =	vst v63  }
0x95: {  	_ =	swait.ge [sflag:s29], $0x4000;
	p2 =	seq.s32 s13, $0x0  }
.Ltmp5:
0x96: {  	[sflag:s29] =	ssyncset.done $0x0;
	(pc) =	sbr.rel @p2 .LBB2_11-.Ltmp5, $4  }
0x97: {  	[sflag:s29] =	ssyncadd.s32 $0xFFFFC000  }
0x98: {  	[spmem:s2] =	stream.indirect.scatter.add.f32 [tilespmem:s26], [sflag:$0x5], $0x10, s8, s25, $0xb8;
	[tilespmem:$0x1C680] =	vst v63  }
0x99: {  	_ = 	snop  }
0x9a: {  	[spmem:s3] =	stream.indirect.scatter.add.f32 [tilespmem:s23], [sflag:$0x9], $0x1, s8, s25, $0xb8;
	[tilespmem:$0x1C680] =	vst v63  }
0x9b: {  	_ =	swait.ge [sflag:s30], $0x400  }
0x9c: {  	[sflag:s30] =	ssyncset.done $0x0  }
0x9d: {  	[sflag:s30] =	ssyncadd.s32 $0xFFFFFC00  }
.LBB2_5:
0x9e: {  	s14 =	sadd.s32 $0x3, s13  }
0x9f: {  	p3 =	slt.u32 s14, s9  }
.Ltmp6:
0xa0: {  	_ = 	snop;
	(pc) =	sbr.rel @!p3 .LBB2_8-.Ltmp6, $2  }
0xa1: {  	_ =	sdelay $0x2  }
0xa2: {  	s15 =	sadd.s32 $0x1, s13;
	p2 =	por $0x0, $0x0  }
.Ltmp7:
0xa3: {  	p2 =	seq.s32 s13, $0x0;
	(pc) =	sbr.rel .LBB2_7-.Ltmp7, $4  }
0xa4: {  	s17 =	simm.s32 @!p2 $0x8  }
0xa5: {  	_ =	swait.ge @!p2 [sflag:s17], $0x4000  }
0xa6: {  	[sflag:s17] =	ssyncset.done @!p2 $0x0  }
0xa7: {  	[sflag:s17] =	ssyncadd.s32 @!p2 $0xFFFFC000  }
.LBB2_11:
0xa8: {  	p3 =	slt.u32 s13, s20  }
.Ltmp8:
0xa9: {  	_ = 	snop;
	(pc) =	sbr.rel @p3 .LBB2_7-.Ltmp8, $4  }
.Ltmp9:
0xaa: {  	_ = 	snop;
	(pc) =	sbr.rel @!p3 .LBB2_8-.Ltmp9, $4  }
0xab: {  	_ = 	snop  }
0xac: {  	_ = 	snop  }
0xad: {  	p2 =	por $0x0, $0x0;
	s14 =	simm.s32 $0x3;
	s15 =	simm.s32 $0x1  }
0xae: {  	_ = 	snop  }
.LBB2_10:
0xaf: {  	_ =	sfence.sel $0x180000  }
0xb0: {  	[bflag:$0x0] =	sbarrier.arrive $0xFFFF  }
0xb1: {  	_ =	strace $0x90000047  }
0xb2: {  	s0 =	stileid.u32;
	[bflag:$0x2] =	sbarrier.arrive $0xFFFF  }
0xb3: {  	p0 =	sne.s32 s0, $0x0;
	s0 =	rddreg [dreg:$0x5]  }
0xb4: {  	s0 =	sadd.s32 @!p0 $0x100000, s0  }
0xb5: {  	[sflag:s0] =	ssyncadd.tile.s32 @!p0 $0x1;
	_ =	shalt  }
.Lfunc_end2:
_tile_overlayer_lowered:
.L_overlay_start_2:
0xb6: {  	(tag) =	ssettag $0x2  }
0xb7: {  	s0 =	rddreg [dreg:$0x0];
	s2 =	stileid.u32  }
0xb8: {  	s1 =	rddreg [dreg:$0x1];
	p0 =	sne.s32 s2, $0x0  }
0xb9: {  	s3 =	rddreg [dreg:$0x2];
	[bflag:$0x3] =	sbarrier.arrive $0xFFFF;
	s2 =	simm.s32 @!p0 $0x1C0A  }
0xba: {  	[timem:s3], [sflag:s2] =	dma.local @!p0 [hbm:s0], s1  }
0xbb: {  	s0 =	simm.s32 @!p0 $0xA  }
0xbc: {  	_ =	swait.ge @!p0 [sflag:s0], s1  }
0xbd: {  	s1 =	ssub.s32 @!p0 $0x0, s1;
	[sflag:s0] =	ssyncset.done @!p0 $0x0  }
0xbe: {  	[sflag:s0] =	ssyncadd.s32 @!p0 s1  }
0xbf: {  	[bflag:$0x3] =	sbarrier.arrive $0xFFFF  }
0xc0: {  	_ =	shalt  }

</sc_bundles>
